<compile_context>
chip_gen: v7x
topology: tpu7x:2x2x1
jax: 0.10.2.dev20260603
libtpu: 0.0.44.dev20260713+nightly
codegen_flags: <defaults>
</compile_context>

<pallas_src>
import functools

import jax
import jax.numpy as jnp
from jax import lax
from jax.experimental import pallas as pl
from jax.experimental.pallas import tpu as pltpu
from jax.experimental.pallas import tpu_sc as plsc

NB = 16
NP = 1024
IN_C = 6
OUT_C = 128
K_CHEB = 6
NCLS = 40
NEG_INF = float("-inf")
SAMPLES_PER_STEP = 4

SC_NC = 2
SC_NS = 16
SC_L = 16
SC_NW = SC_NC * SC_NS
RPW = (NB * NP) // SC_NW


def _cheb_body(x_ref, w_ref, b_ref, out_ref):
    for i in range(SAMPLES_PER_STEP):
        _cheb_one(x_ref[i * NP:(i + 1) * NP, :], w_ref, b_ref, out_ref, i)


def _cheb_one(pc, w_ref, b_ref, out_ref, i):
    f32 = jnp.float32
    g = lax.dot_general(pc, pc, (((1,), (1,)), ((), ())),
                        preferred_element_type=f32)
    pc2 = pc * pc
    sqc = jnp.sum(pc2, axis=1, keepdims=True)
    sqr = lax.dot_general(jnp.ones((1, IN_C), f32), pc2,
                          (((1,), (1,)), ((), ())),
                          preferred_element_type=f32,
                          precision=lax.Precision.HIGHEST)
    adj = jnp.exp(2.0 * g - (sqc + sqr))
    pcb = pc.astype(jnp.bfloat16).astype(f32)
    gd = jnp.sum(pcb * pcb, axis=1, keepdims=True)
    v = jnp.exp(2.0 * gd - (sqc + sqc))
    degc = jnp.sum(adj, axis=1, keepdims=True) - v
    dinvc = jnp.where(degc > 0, lax.rsqrt(degc), 0.0)
    adj_bf = adj.astype(jnp.bfloat16)
    vbf = v.astype(jnp.bfloat16).astype(f32)

    def s_apply(u):
        cb = (dinvc * u).astype(jnp.bfloat16)
        y = lax.dot_general(adj_bf, cb, (((1,), (0,)), ((), ())),
                            preferred_element_type=f32)
        y = y - vbf * cb.astype(f32)
        return dinvc * y

    us = [pc]
    u_prev = pc
    u_cur = s_apply(pc)
    us.append(-u_cur)
    sign = 1.0
    for k in range(2, K_CHEB):
        u_next = 2.0 * s_apply(u_cur) - u_prev
        u_prev, u_cur = u_cur, u_next
        us.append(sign * u_cur)
        sign = -sign
    ucat = jnp.concatenate(us, axis=1)
    acc = lax.dot_general(ucat, w_ref[...], (((1,), (0,)), ((), ())),
                          preferred_element_type=f32)
    acc = acc + b_ref[...]
    out_ref[i * NP:(i + 1) * NP, :] = jnp.maximum(acc, 0.0)


def _make_segmax(n_rows):
    rpw = n_rows // SC_NW

    def body(y_hbm, seg_hbm, out_hbm, rows_v, idx_v, acc_v):
        wid = lax.axis_index("c") * SC_NS + lax.axis_index("s")
        row0 = wid * rpw
        pltpu.sync_copy(y_hbm.at[pl.ds(row0 * OUT_C, rpw * OUT_C)], rows_v)
        pltpu.sync_copy(seg_hbm.at[pl.ds(row0, rpw)], idx_v)

        def init_body(t, carry):
            acc_v[pl.ds(t * SC_L, SC_L)] = jnp.full((SC_L,), NEG_INF,
                                                    jnp.float32)
            return carry

        lax.fori_loop(0, (NB * OUT_C) // SC_L, init_body, 0)

        def grp_body(gi, carry):
            segv = idx_v[pl.ds(gi * SC_L, SC_L)]
            for jj in range(SC_L):
                a0 = segv[jj] * OUT_C
                r0 = (gi * SC_L + jj) * OUT_C
                for j in range(OUT_C // SC_L):
                    a = acc_v[pl.ds(a0 + j * SC_L, SC_L)]
                    v = rows_v[pl.ds(r0 + j * SC_L, SC_L)]
                    acc_v[pl.ds(a0 + j * SC_L, SC_L)] = jnp.maximum(a, v)
            return carry

        lax.fori_loop(0, rpw // SC_L, grp_body, 0)
        pltpu.sync_copy(acc_v, out_hbm.at[pl.ds(wid * NB * OUT_C,
                                                NB * OUT_C)])

    return pl.kernel(
        body,
        out_type=jax.ShapeDtypeStruct((SC_NW * NB * OUT_C,), jnp.float32),
        mesh=plsc.VectorSubcoreMesh(core_axis_name="c", subcore_axis_name="s"),
        scratch_types=[
            pltpu.VMEM((rpw * OUT_C,), jnp.float32),
            pltpu.VMEM((rpw,), jnp.int32),
            pltpu.VMEM((NB * OUT_C,), jnp.float32),
        ],
    )


_segmax_full = _make_segmax(NB * NP)


def _combine_fc_body(p_ref, wfc_ref, bfc_ref, out_ref):
    pooled = jnp.max(p_ref[...], axis=0)
    out = lax.dot_general(pooled, wfc_ref[...], (((1,), (0,)), ((), ())),
                          preferred_element_type=jnp.float32)
    out_ref[...] = out + bfc_ref[...]


def _pool_fc_body(y_ref, seg_ref, wfc_ref, bfc_ref, out_ref):
    y = y_ref[...]
    seg = seg_ref[...]
    rows = []
    for s in range(NB):
        m = jnp.where(seg == s, y, NEG_INF)
        rows.append(jnp.max(m, axis=0, keepdims=True))
    pooled = jnp.concatenate(rows, axis=0)
    out = lax.dot_general(pooled, wfc_ref[...], (((1,), (0,)), ((), ())),
                          preferred_element_type=jnp.float32)
    out_ref[...] = out + bfc_ref[...]


def _cheb_call(xh, w_cat, b_row, n_samples):
    return pl.pallas_call(
        _cheb_body,
        grid=(n_samples // SAMPLES_PER_STEP,),
        in_specs=[
            pl.BlockSpec((SAMPLES_PER_STEP * NP, IN_C), lambda i: (i, 0)),
            pl.BlockSpec((K_CHEB * IN_C, OUT_C), lambda i: (0, 0)),
            pl.BlockSpec((1, OUT_C), lambda i: (0, 0)),
        ],
        out_specs=pl.BlockSpec((SAMPLES_PER_STEP * NP, OUT_C), lambda i: (i, 0)),
        out_shape=jax.ShapeDtypeStruct((n_samples * NP, OUT_C), jnp.float32),
    )(xh, w_cat, b_row)


def kernel(x, batch, num_points, select_archi, W_cheb, b_cheb, W_fc, b_fc):
    del num_points, select_archi
    w_cat = W_cheb.reshape(K_CHEB * IN_C, OUT_C)
    b_row = b_cheb.reshape(1, OUT_C)
    y = _cheb_call(x, w_cat, b_row, NB)
    partials = _segmax_full(y.reshape(-1), batch).reshape(SC_NW, NB, OUT_C)

    out = pl.pallas_call(
        _combine_fc_body,
        in_specs=[
            pl.BlockSpec((SC_NW, NB, OUT_C), lambda: (0, 0, 0)),
            pl.BlockSpec((OUT_C, NCLS), lambda: (0, 0)),
            pl.BlockSpec((1, NCLS), lambda: (0, 0)),
        ],
        out_specs=pl.BlockSpec((NB, NCLS), lambda: (0, 0)),
        out_shape=jax.ShapeDtypeStruct((NB, NCLS), jnp.float32),
    )(partials, W_fc, b_fc.reshape(1, NCLS))
    return out

# --- scband reference (transcript-rebuilt; emitter-appended) ---
"""Pipeline reference for scband-rgcnn-model-86535001080185 (READ-ONLY COPY).

The authoritative reference and input builder live on the scoring server;
editing this copy changes nothing except your own understanding.
"""

import jax, jax.numpy as jnp
import numpy as np

NUM_POINTS = 1024
NB = 16
K_CHEB = 6
IN_C = 6
OUT_C = 128
NUM_CLASSES = 40


def setup_inputs(seed: int = 0) -> dict:
    key = jax.random.key(seed)
    ks = jax.random.split(key, 6)
    x = jax.random.normal(ks[0], (NB * NUM_POINTS, IN_C), dtype=jnp.float32)
    batch = jnp.sort(jax.random.randint(ks[1], (NB * NUM_POINTS,), 0, NB, dtype=jnp.int32))
    # ChebConv(6, 128, K=6): one [in, out] weight per Chebyshev order + shared bias
    W_cheb = jax.random.normal(ks[2], (K_CHEB, IN_C, OUT_C), dtype=jnp.float32) * 0.1
    b_cheb = jnp.zeros((OUT_C,), dtype=jnp.float32)
    # fc1_output: Linear(128, 40)
    W_fc = jax.random.normal(ks[3], (OUT_C, NUM_CLASSES), dtype=jnp.float32) * 0.1
    b_fc = jnp.zeros((NUM_CLASSES,), dtype=jnp.float32)
    return {"x": x, "batch": batch, "num_points": NUM_POINTS, "select_archi": 1,
            "W_cheb": W_cheb, "b_cheb": b_cheb, "W_fc": W_fc, "b_fc": b_fc}


def _build_Lhat(x):
    # get_graph: dense RBF adjacency per 1024-point chunk
    pc = x.reshape(NB, NUM_POINTS, IN_C)
    inner = -2.0 * jnp.einsum('bnd,bmd->bnm', pc, pc)
    sq = jnp.sum(pc * pc, axis=2, keepdims=True)
    dist = sq + inner + jnp.transpose(sq, (0, 2, 1))
    adj = jnp.exp(-dist)
    # ChebConv.__norm__: remove self loops, sym-normalize, lambda_max=2 => L_hat = -D^-1/2 A D^-1/2 with zero diagonal
    eye = jnp.eye(NUM_POINTS, dtype=adj.dtype)
    adj = adj * (1.0 - eye)
    deg = jnp.sum(adj, axis=2)
    dinv = jnp.where(deg > 0, 1.0 / jnp.sqrt(deg), 0.0)
    norm_adj = adj * dinv[:, :, None] * dinv[:, None, :]
    return -norm_adj


def reference(x, batch, num_points, select_archi, W_cheb, b_cheb, W_fc, b_fc):
    # graph construction is under torch.no_grad in the original
    Lhat = jax.lax.stop_gradient(_build_Lhat(x))
    pc = x.reshape(NB, NUM_POINTS, IN_C)
    # Chebyshev recurrence: Tx0 = x, Tx1 = L_hat x, Tx_k = 2 L_hat Tx_{k-1} - Tx_{k-2}
    Tx0 = pc
    out = jnp.einsum('bni,io->bno', Tx0, W_cheb[0])
    Tx1 = jnp.einsum('bnm,bmi->bni', Lhat, Tx0)
    out = out + jnp.einsum('bni,io->bno', Tx1, W_cheb[1])
    for k in range(2, K_CHEB):
        Tx2 = 2.0 * jnp.einsum('bnm,bmi->bni', Lhat, Tx1) - Tx0
        out = out + jnp.einsum('bni,io->bno', Tx2, W_cheb[k])
        Tx0, Tx1 = Tx1, Tx2
    out = out + b_cheb
    out = out.reshape(NB * NUM_POINTS, OUT_C)
    out = jax.nn.relu(out)
    pooled = jax.ops.segment_max(out, batch, num_segments=NB)
    return pooled @ W_fc + b_fc

if __name__ == "__main__":
    import jax
    _d = setup_inputs()
    print(jax.jit(kernel)(*tuple(_d.values())))

</pallas_src>

<mosaic_0001>
#map = affine_map<(d0, d1) -> (0)>
module attributes {stable_mosaic.version = 14 : i64} {
  func.func @body(%arg0: i32, %arg1: i32, %arg2: memref<2097152xf32, #tpu.memory_space<hbm>>, %arg3: memref<16384xi32, #tpu.memory_space<hbm>>, %arg4: memref<65536xf32, #tpu.memory_space<hbm>>, %arg5: memref<65536xf32, #tpu.memory_space<vmem>>, %arg6: memref<512xi32, #tpu.memory_space<vmem>>, %arg7: memref<2048xf32, #tpu.memory_space<vmem>>) attributes {dimension_semantics = [#tpu.dimension_semantics<core_parallel>, #tpu.dimension_semantics<subcore_parallel>], iteration_bounds = array<i64: 2, 16>, scalar_prefetch = 0 : i64, scratch_operands = 3 : i64, tpu.core_type = #tpu.core_type<sc_vector_subcore>, window_params = [{transform_indices = #map}, {transform_indices = #map}, {transform_indices = #map}]} {
    %mul3A = arith.constant 16 : i32
    %mul3A_0 = arith.muli %arg0, %mul3A : i32
    %add3A = arith.addi %mul3A_0, %arg1 : i32
    %mul3A_1 = arith.constant 512 : i32
    %mul3A_2 = arith.muli %add3A, %mul3A_1 : i32
    %mul3A_3 = arith.constant 128 : i32
    %mul3A_4 = arith.muli %mul3A_2, %mul3A_3 : i32
    "tpu.region"() ({
      %run_scoped3A = tpu.sem_alloc : memref<!tpu.dma_semaphore, #tpu.memory_space<semaphore_mem>>
      %dma_start3A = tpu.memref_slice %arg2[%mul3A_4] : memref<2097152xf32, #tpu.memory_space<hbm>> -> memref<65536xf32, #tpu.memory_space<hbm>>
      %dma_start3A_20 = tpu.memref_slice %arg2[%mul3A_4] : memref<2097152xf32, #tpu.memory_space<hbm>> -> memref<65536xf32, #tpu.memory_space<hbm>>
      tpu.enqueue_dma source(%dma_start3A_20 : memref<65536xf32, #tpu.memory_space<hbm>>) target(%arg5 : memref<65536xf32, #tpu.memory_space<vmem>>) target_semaphore(%run_scoped3A : memref<!tpu.dma_semaphore, #tpu.memory_space<semaphore_mem>>)
      %dma_wait3A = tpu.memref_slice %arg2[%mul3A_4] : memref<2097152xf32, #tpu.memory_space<hbm>> -> memref<65536xf32, #tpu.memory_space<hbm>>
      %dma_wait3A_21 = tpu.memref_slice %arg2[%mul3A_4] : memref<2097152xf32, #tpu.memory_space<hbm>> -> memref<65536xf32, #tpu.memory_space<hbm>>
      tpu.wait_dma2 semaphore(%run_scoped3A : memref<!tpu.dma_semaphore, #tpu.memory_space<semaphore_mem>>) src(%dma_wait3A_21 : memref<65536xf32, #tpu.memory_space<hbm>>) dst(%arg5 : memref<65536xf32, #tpu.memory_space<vmem>>)
      tpu.yield
    }) : () -> ()
    "tpu.region"() ({
      %run_scoped3A = tpu.sem_alloc : memref<!tpu.dma_semaphore, #tpu.memory_space<semaphore_mem>>
      %dma_start3A = tpu.memref_slice %arg3[%mul3A_2] : memref<16384xi32, #tpu.memory_space<hbm>> -> memref<512xi32, #tpu.memory_space<hbm>>
      %dma_start3A_20 = tpu.memref_slice %arg3[%mul3A_2] : memref<16384xi32, #tpu.memory_space<hbm>> -> memref<512xi32, #tpu.memory_space<hbm>>
      tpu.enqueue_dma source(%dma_start3A_20 : memref<512xi32, #tpu.memory_space<hbm>>) target(%arg6 : memref<512xi32, #tpu.memory_space<vmem>>) target_semaphore(%run_scoped3A : memref<!tpu.dma_semaphore, #tpu.memory_space<semaphore_mem>>)
      %dma_wait3A = tpu.memref_slice %arg3[%mul3A_2] : memref<16384xi32, #tpu.memory_space<hbm>> -> memref<512xi32, #tpu.memory_space<hbm>>
      %dma_wait3A_21 = tpu.memref_slice %arg3[%mul3A_2] : memref<16384xi32, #tpu.memory_space<hbm>> -> memref<512xi32, #tpu.memory_space<hbm>>
      tpu.wait_dma2 semaphore(%run_scoped3A : memref<!tpu.dma_semaphore, #tpu.memory_space<semaphore_mem>>) src(%dma_wait3A_21 : memref<512xi32, #tpu.memory_space<hbm>>) dst(%arg6 : memref<512xi32, #tpu.memory_space<vmem>>)
      tpu.yield
    }) : () -> ()
    %scan3A = arith.constant 0 : i32
    %scan3A_5 = arith.constant 0 : i32
    %scan3A_6 = arith.constant 128 : i32
    %scan3A_7 = arith.addi %scan3A_5, %scan3A_6 : i32
    %scan3A_8 = arith.constant 1 : i32
    scf.for %scan3A_20 = %scan3A_5 to %scan3A_7 step %scan3A_8  : i32 {
      %broadcast_in_dim3A = arith.constant 0xFF800000 : f32
      %broadcast_in_dim3A_21 = vector.broadcast %broadcast_in_dim3A : f32 to vector<16xf32>
      %mul3A_22 = arith.constant 16 : i32
      %mul3A_23 = arith.muli %scan3A_20, %mul3A_22 : i32
      %swap3A = arith.index_cast %mul3A_23 : i32 to index
      %swap3A_24 = tpu.vector_load %arg7[%swap3A] {strides = array<i32>} : memref<2048xf32, #tpu.memory_space<vmem>>, vector<16xf32>,
      %swap3A_25 = vector.shape_cast %swap3A_24 : vector<16xf32> to vector<16xf32>
      %swap3A_26 = vector.shape_cast %broadcast_in_dim3A_21 : vector<16xf32> to vector<16xf32>
      tpu.vector_store %arg7[%swap3A], %swap3A_26 {strides = array<i32>} : memref<2048xf32, #tpu.memory_space<vmem>>, vector<16xf32>,
    }
    %scan3A_9 = arith.constant 128 : i32
    %scan3A_10 = arith.constant 0 : i32
    %scan3A_11 = arith.constant 0 : i32
    %scan3A_12 = arith.constant 32 : i32
    %scan3A_13 = arith.addi %scan3A_11, %scan3A_12 : i32
    %scan3A_14 = arith.constant 1 : i32
    scf.for %scan3A_20 = %scan3A_11 to %scan3A_13 step %scan3A_14  : i32 {
      %mul3A_21 = arith.constant 16 : i32
      %mul3A_22 = arith.muli %scan3A_20, %mul3A_21 : i32
      %get3A = arith.index_cast %mul3A_22 : i32 to index
      %get3A_23 = tpu.vector_load %arg6[%get3A] {strides = array<i32>} : memref<512xi32, #tpu.memory_space<vmem>>, vector<16xi32>,
      %get3A_24 = vector.shape_cast %get3A_23 : vector<16xi32> to vector<16xi32>
      %slice3A = vector.extract_strided_slice %get3A_24 {offsets = [0], sizes = [1], strides = [1]} : vector<16xi32> to vector<1xi32>
      %squeeze3A = vector.extract %slice3A[0] : i32 from vector<1xi32>
      %mul3A_25 = arith.constant 128 : i32
      %mul3A_26 = arith.muli %squeeze3A, %mul3A_25 : i32
      %mul3A_27 = arith.constant 16 : i32
      %mul3A_28 = arith.muli %scan3A_20, %mul3A_27 : i32
      %add3A_29 = arith.constant 0 : i32
      %add3A_30 = arith.addi %mul3A_28, %add3A_29 : i32
      %mul3A_31 = arith.constant 128 : i32
      %mul3A_32 = arith.muli %add3A_30, %mul3A_31 : i32
      %add3A_33 = arith.constant 0 : i32
      %add3A_34 = arith.addi %mul3A_26, %add3A_33 : i32
      %get3A_35 = arith.index_cast %add3A_34 : i32 to index
      %get3A_36 = tpu.vector_load %arg7[%get3A_35] {strides = array<i32>} : memref<2048xf32, #tpu.memory_space<vmem>>, vector<16xf32>,
      %get3A_37 = vector.shape_cast %get3A_36 : vector<16xf32> to vector<16xf32>
      %add3A_38 = arith.constant 0 : i32
      %add3A_39 = arith.addi %mul3A_32, %add3A_38 : i32
      %get3A_40 = arith.index_cast %add3A_39 : i32 to index
      %get3A_41 = tpu.vector_load %arg5[%get3A_40] {strides = array<i32>} : memref<65536xf32, #tpu.memory_space<vmem>>, vector<16xf32>,
      %get3A_42 = vector.shape_cast %get3A_41 : vector<16xf32> to vector<16xf32>
      %max3A = arith.maximumf %get3A_37, %get3A_42 : vector<16xf32>
      %add3A_43 = arith.constant 0 : i32
      %add3A_44 = arith.addi %mul3A_26, %add3A_43 : i32
      %swap3A = arith.index_cast %add3A_44 : i32 to index
      %swap3A_45 = tpu.vector_load %arg7[%swap3A] {strides = array<i32>} : memref<2048xf32, #tpu.memory_space<vmem>>, vector<16xf32>,
      %swap3A_46 = vector.shape_cast %swap3A_45 : vector<16xf32> to vector<16xf32>
      %swap3A_47 = vector.shape_cast %max3A : vector<16xf32> to vector<16xf32>
      tpu.vector_store %arg7[%swap3A], %swap3A_47 {strides = array<i32>} : memref<2048xf32, #tpu.memory_space<vmem>>, vector<16xf32>,
      %add3A_48 = arith.constant 16 : i32
      %add3A_49 = arith.addi %mul3A_26, %add3A_48 : i32
      %get3A_50 = arith.index_cast %add3A_49 : i32 to index
      %get3A_51 = tpu.vector_load %arg7[%get3A_50] {strides = array<i32>} : memref<2048xf32, #tpu.memory_space<vmem>>, vector<16xf32>,
      %get3A_52 = vector.shape_cast %get3A_51 : vector<16xf32> to vector<16xf32>
      %add3A_53 = arith.constant 16 : i32
      %add3A_54 = arith.addi %mul3A_32, %add3A_53 : i32
      %get3A_55 = arith.index_cast %add3A_54 : i32 to index
      %get3A_56 = tpu.vector_load %arg5[%get3A_55] {strides = array<i32>} : memref<65536xf32, #tpu.memory_space<vmem>>, vector<16xf32>,
      %get3A_57 = vector.shape_cast %get3A_56 : vector<16xf32> to vector<16xf32>
      %max3A_58 = arith.maximumf %get3A_52, %get3A_57 : vector<16xf32>
      %add3A_59 = arith.constant 16 : i32
      %add3A_60 = arith.addi %mul3A_26, %add3A_59 : i32
      %swap3A_61 = arith.index_cast %add3A_60 : i32 to index
      %swap3A_62 = tpu.vector_load %arg7[%swap3A_61] {strides = array<i32>} : memref<2048xf32, #tpu.memory_space<vmem>>, vector<16xf32>,
      %swap3A_63 = vector.shape_cast %swap3A_62 : vector<16xf32> to vector<16xf32>
      %swap3A_64 = vector.shape_cast %max3A_58 : vector<16xf32> to vector<16xf32>
      tpu.vector_store %arg7[%swap3A_61], %swap3A_64 {strides = array<i32>} : memref<2048xf32, #tpu.memory_space<vmem>>, vector<16xf32>,
      %add3A_65 = arith.constant 32 : i32
      %add3A_66 = arith.addi %mul3A_26, %add3A_65 : i32
      %get3A_67 = arith.index_cast %add3A_66 : i32 to index
      %get3A_68 = tpu.vector_load %arg7[%get3A_67] {strides = array<i32>} : memref<2048xf32, #tpu.memory_space<vmem>>, vector<16xf32>,
      %get3A_69 = vector.shape_cast %get3A_68 : vector<16xf32> to vector<16xf32>
      %add3A_70 = arith.constant 32 : i32
      %add3A_71 = arith.addi %mul3A_32, %add3A_70 : i32
      %get3A_72 = arith.index_cast %add3A_71 : i32 to index
      %get3A_73 = tpu.vector_load %arg5[%get3A_72] {strides = array<i32>} : memref<65536xf32, #tpu.memory_space<vmem>>, vector<16xf32>,
      %get3A_74 = vector.shape_cast %get3A_73 : vector<16xf32> to vector<16xf32>
      %max3A_75 = arith.maximumf %get3A_69, %get3A_74 : vector<16xf32>
      %add3A_76 = arith.constant 32 : i32
      %add3A_77 = arith.addi %mul3A_26, %add3A_76 : i32
      %swap3A_78 = arith.index_cast %add3A_77 : i32 to index
      %swap3A_79 = tpu.vector_load %arg7[%swap3A_78] {strides = array<i32>} : memref<2048xf32, #tpu.memory_space<vmem>>, vector<16xf32>,
      %swap3A_80 = vector.shape_cast %swap3A_79 : vector<16xf32> to vector<16xf32>
      %swap3A_81 = vector.shape_cast %max3A_75 : vector<16xf32> to vector<16xf32>
      tpu.vector_store %arg7[%swap3A_78], %swap3A_81 {strides = array<i32>} : memref<2048xf32, #tpu.memory_space<vmem>>, vector<16xf32>,
      %add3A_82 = arith.constant 48 : i32
      %add3A_83 = arith.addi %mul3A_26, %add3A_82 : i32
      %get3A_84 = arith.index_cast %add3A_83 : i32 to index
      %get3A_85 = tpu.vector_load %arg7[%get3A_84] {strides = array<i32>} : memref<2048xf32, #tpu.memory_space<vmem>>, vector<16xf32>,
      %get3A_86 = vector.shape_cast %get3A_85 : vector<16xf32> to vector<16xf32>
      %add3A_87 = arith.constant 48 : i32
      %add3A_88 = arith.addi %mul3A_32, %add3A_87 : i32
      %get3A_89 = arith.index_cast %add3A_88 : i32 to index
      %get3A_90 = tpu.vector_load %arg5[%get3A_89] {strides = array<i32>} : memref<65536xf32, #tpu.memory_space<vmem>>, vector<16xf32>,
      %get3A_91 = vector.shape_cast %get3A_90 : vector<16xf32> to vector<16xf32>
      %max3A_92 = arith.maximumf %get3A_86, %get3A_91 : vector<16xf32>
      %add3A_93 = arith.constant 48 : i32
      %add3A_94 = arith.addi %mul3A_26, %add3A_93 : i32
      %swap3A_95 = arith.index_cast %add3A_94 : i32 to index
      %swap3A_96 = tpu.vector_load %arg7[%swap3A_95] {strides = array<i32>} : memref<2048xf32, #tpu.memory_space<vmem>>, vector<16xf32>,
      %swap3A_97 = vector.shape_cast %swap3A_96 : vector<16xf32> to vector<16xf32>
      %swap3A_98 = vector.shape_cast %max3A_92 : vector<16xf32> to vector<16xf32>
      tpu.vector_store %arg7[%swap3A_95], %swap3A_98 {strides = array<i32>} : memref<2048xf32, #tpu.memory_space<vmem>>, vector<16xf32>,
      %add3A_99 = arith.constant 64 : i32
      %add3A_100 = arith.addi %mul3A_26, %add3A_99 : i32
      %get3A_101 = arith.index_cast %add3A_100 : i32 to index
      %get3A_102 = tpu.vector_load %arg7[%get3A_101] {strides = array<i32>} : memref<2048xf32, #tpu.memory_space<vmem>>, vector<16xf32>,
      %get3A_103 = vector.shape_cast %get3A_102 : vector<16xf32> to vector<16xf32>
      %add3A_104 = arith.constant 64 : i32
      %add3A_105 = arith.addi %mul3A_32, %add3A_104 : i32
      %get3A_106 = arith.index_cast %add3A_105 : i32 to index
      %get3A_107 = tpu.vector_load %arg5[%get3A_106] {strides = array<i32>} : memref<65536xf32, #tpu.memory_space<vmem>>, vector<16xf32>,
      %get3A_108 = vector.shape_cast %get3A_107 : vector<16xf32> to vector<16xf32>
      %max3A_109 = arith.maximumf %get3A_103, %get3A_108 : vector<16xf32>
      %add3A_110 = arith.constant 64 : i32
      %add3A_111 = arith.addi %mul3A_26, %add3A_110 : i32
      %swap3A_112 = arith.index_cast %add3A_111 : i32 to index
      %swap3A_113 = tpu.vector_load %arg7[%swap3A_112] {strides = array<i32>} : memref<2048xf32, #tpu.memory_space<vmem>>, vector<16xf32>,
      %swap3A_114 = vector.shape_cast %swap3A_113 : vector<16xf32> to vector<16xf32>
      %swap3A_115 = vector.shape_cast %max3A_109 : vector<16xf32> to vector<16xf32>
      tpu.vector_store %arg7[%swap3A_112], %swap3A_115 {strides = array<i32>} : memref<2048xf32, #tpu.memory_space<vmem>>, vector<16xf32>,
      %add3A_116 = arith.constant 80 : i32
      %add3A_117 = arith.addi %mul3A_26, %add3A_116 : i32
      %get3A_118 = arith.index_cast %add3A_117 : i32 to index
      %get3A_119 = tpu.vector_load %arg7[%get3A_118] {strides = array<i32>} : memref<2048xf32, #tpu.memory_space<vmem>>, vector<16xf32>,
      %get3A_120 = vector.shape_cast %get3A_119 : vector<16xf32> to vector<16xf32>
      %add3A_121 = arith.constant 80 : i32
      %add3A_122 = arith.addi %mul3A_32, %add3A_121 : i32
      %get3A_123 = arith.index_cast %add3A_122 : i32 to index
      %get3A_124 = tpu.vector_load %arg5[%get3A_123] {strides = array<i32>} : memref<65536xf32, #tpu.memory_space<vmem>>, vector<16xf32>,
      %get3A_125 = vector.shape_cast %get3A_124 : vector<16xf32> to vector<16xf32>
      %max3A_126 = arith.maximumf %get3A_120, %get3A_125 : vector<16xf32>
      %add3A_127 = arith.constant 80 : i32
      %add3A_128 = arith.addi %mul3A_26, %add3A_127 : i32
      %swap3A_129 = arith.index_cast %add3A_128 : i32 to index
      %swap3A_130 = tpu.vector_load %arg7[%swap3A_129] {strides = array<i32>} : memref<2048xf32, #tpu.memory_space<vmem>>, vector<16xf32>,
      %swap3A_131 = vector.shape_cast %swap3A_130 : vector<16xf32> to vector<16xf32>
      %swap3A_132 = vector.shape_cast %max3A_126 : vector<16xf32> to vector<16xf32>
      tpu.vector_store %arg7[%swap3A_129], %swap3A_132 {strides = array<i32>} : memref<2048xf32, #tpu.memory_space<vmem>>, vector<16xf32>,
      %add3A_133 = arith.constant 96 : i32
      %add3A_134 = arith.addi %mul3A_26, %add3A_133 : i32
      %get3A_135 = arith.index_cast %add3A_134 : i32 to index
      %get3A_136 = tpu.vector_load %arg7[%get3A_135] {strides = array<i32>} : memref<2048xf32, #tpu.memory_space<vmem>>, vector<16xf32>,
      %get3A_137 = vector.shape_cast %get3A_136 : vector<16xf32> to vector<16xf32>
      %add3A_138 = arith.constant 96 : i32
      %add3A_139 = arith.addi %mul3A_32, %add3A_138 : i32
      %get3A_140 = arith.index_cast %add3A_139 : i32 to index
      %get3A_141 = tpu.vector_load %arg5[%get3A_140] {strides = array<i32>} : memref<65536xf32, #tpu.memory_space<vmem>>, vector<16xf32>,
      %get3A_142 = vector.shape_cast %get3A_141 : vector<16xf32> to vector<16xf32>
      %max3A_143 = arith.maximumf %get3A_137, %get3A_142 : vector<16xf32>
      %add3A_144 = arith.constant 96 : i32
      %add3A_145 = arith.addi %mul3A_26, %add3A_144 : i32
      %swap3A_146 = arith.index_cast %add3A_145 : i32 to index
      %swap3A_147 = tpu.vector_load %arg7[%swap3A_146] {strides = array<i32>} : memref<2048xf32, #tpu.memory_space<vmem>>, vector<16xf32>,
      %swap3A_148 = vector.shape_cast %swap3A_147 : vector<16xf32> to vector<16xf32>
      %swap3A_149 = vector.shape_cast %max3A_143 : vector<16xf32> to vector<16xf32>
      tpu.vector_store %arg7[%swap3A_146], %swap3A_149 {strides = array<i32>} : memref<2048xf32, #tpu.memory_space<vmem>>, vector<16xf32>,
      %add3A_150 = arith.constant 112 : i32
      %add3A_151 = arith.addi %mul3A_26, %add3A_150 : i32
      %get3A_152 = arith.index_cast %add3A_151 : i32 to index
      %get3A_153 = tpu.vector_load %arg7[%get3A_152] {strides = array<i32>} : memref<2048xf32, #tpu.memory_space<vmem>>, vector<16xf32>,
      %get3A_154 = vector.shape_cast %get3A_153 : vector<16xf32> to vector<16xf32>
      %add3A_155 = arith.constant 112 : i32
      %add3A_156 = arith.addi %mul3A_32, %add3A_155 : i32
      %get3A_157 = arith.index_cast %add3A_156 : i32 to index
      %get3A_158 = tpu.vector_load %arg5[%get3A_157] {strides = array<i32>} : memref<65536xf32, #tpu.memory_space<vmem>>, vector<16xf32>,
      %get3A_159 = vector.shape_cast %get3A_158 : vector<16xf32> to vector<16xf32>
      %max3A_160 = arith.maximumf %get3A_154, %get3A_159 : vector<16xf32>
      %add3A_161 = arith.constant 112 : i32
      %add3A_162 = arith.addi %mul3A_26, %add3A_161 : i32
      %swap3A_163 = arith.index_cast %add3A_162 : i32 to index
      %swap3A_164 = tpu.vector_load %arg7[%swap3A_163] {strides = array<i32>} : memref<2048xf32, #tpu.memory_space<vmem>>, vector<16xf32>,
      %swap3A_165 = vector.shape_cast %swap3A_164 : vector<16xf32> to vector<16xf32>
      %swap3A_166 = vector.shape_cast %max3A_160 : vector<16xf32> to vector<16xf32>
      tpu.vector_store %arg7[%swap3A_163], %swap3A_166 {strides = array<i32>} : memref<2048xf32, #tpu.memory_space<vmem>>, vector<16xf32>,
      %slice3A_167 = vector.extract_strided_slice %get3A_24 {offsets = [1], sizes = [1], strides = [1]} : vector<16xi32> to vector<1xi32>
      %squeeze3A_168 = vector.extract %slice3A_167[0] : i32 from vector<1xi32>
      %mul3A_169 = arith.constant 128 : i32
      %mul3A_170 = arith.muli %squeeze3A_168, %mul3A_169 : i32
      %mul3A_171 = arith.constant 16 : i32
      %mul3A_172 = arith.muli %scan3A_20, %mul3A_171 : i32
      %add3A_173 = arith.constant 1 : i32
      %add3A_174 = arith.addi %mul3A_172, %add3A_173 : i32
      %mul3A_175 = arith.constant 128 : i32
      %mul3A_176 = arith.muli %add3A_174, %mul3A_175 : i32
      %add3A_177 = arith.constant 0 : i32
      %add3A_178 = arith.addi %mul3A_170, %add3A_177 : i32
      %get3A_179 = arith.index_cast %add3A_178 : i32 to index
      %get3A_180 = tpu.vector_load %arg7[%get3A_179] {strides = array<i32>} : memref<2048xf32, #tpu.memory_space<vmem>>, vector<16xf32>,
      %get3A_181 = vector.shape_cast %get3A_180 : vector<16xf32> to vector<16xf32>
      %add3A_182 = arith.constant 0 : i32
      %add3A_183 = arith.addi %mul3A_176, %add3A_182 : i32
      %get3A_184 = arith.index_cast %add3A_183 : i32 to index
      %get3A_185 = tpu.vector_load %arg5[%get3A_184] {strides = array<i32>} : memref<65536xf32, #tpu.memory_space<vmem>>, vector<16xf32>,
      %get3A_186 = vector.shape_cast %get3A_185 : vector<16xf32> to vector<16xf32>
      %max3A_187 = arith.maximumf %get3A_181, %get3A_186 : vector<16xf32>
      %add3A_188 = arith.constant 0 : i32
      %add3A_189 = arith.addi %mul3A_170, %add3A_188 : i32
      %swap3A_190 = arith.index_cast %add3A_189 : i32 to index
      %swap3A_191 = tpu.vector_load %arg7[%swap3A_190] {strides = array<i32>} : memref<2048xf32, #tpu.memory_space<vmem>>, vector<16xf32>,
      %swap3A_192 = vector.shape_cast %swap3A_191 : vector<16xf32> to vector<16xf32>
      %swap3A_193 = vector.shape_cast %max3A_187 : vector<16xf32> to vector<16xf32>
      tpu.vector_store %arg7[%swap3A_190], %swap3A_193 {strides = array<i32>} : memref<2048xf32, #tpu.memory_space<vmem>>, vector<16xf32>,
      %add3A_194 = arith.constant 16 : i32
      %add3A_195 = arith.addi %mul3A_170, %add3A_194 : i32
      %get3A_196 = arith.index_cast %add3A_195 : i32 to index
      %get3A_197 = tpu.vector_load %arg7[%get3A_196] {strides = array<i32>} : memref<2048xf32, #tpu.memory_space<vmem>>, vector<16xf32>,
      %get3A_198 = vector.shape_cast %get3A_197 : vector<16xf32> to vector<16xf32>
      %add3A_199 = arith.constant 16 : i32
      %add3A_200 = arith.addi %mul3A_176, %add3A_199 : i32
      %get3A_201 = arith.index_cast %add3A_200 : i32 to index
      %get3A_202 = tpu.vector_load %arg5[%get3A_201] {strides = array<i32>} : memref<65536xf32, #tpu.memory_space<vmem>>, vector<16xf32>,
      %get3A_203 = vector.shape_cast %get3A_202 : vector<16xf32> to vector<16xf32>
      %max3A_204 = arith.maximumf %get3A_198, %get3A_203 : vector<16xf32>
      %add3A_205 = arith.constant 16 : i32
      %add3A_206 = arith.addi %mul3A_170, %add3A_205 : i32
      %swap3A_207 = arith.index_cast %add3A_206 : i32 to index
      %swap3A_208 = tpu.vector_load %arg7[%swap3A_207] {strides = array<i32>} : memref<2048xf32, #tpu.memory_space<vmem>>, vector<16xf32>,
      %swap3A_209 = vector.shape_cast %swap3A_208 : vector<16xf32> to vector<16xf32>
      %swap3A_210 = vector.shape_cast %max3A_204 : vector<16xf32> to vector<16xf32>
      tpu.vector_store %arg7[%swap3A_207], %swap3A_210 {strides = array<i32>} : memref<2048xf32, #tpu.memory_space<vmem>>, vector<16xf32>,
      %add3A_211 = arith.constant 32 : i32
      %add3A_212 = arith.addi %mul3A_170, %add3A_211 : i32
      %get3A_213 = arith.index_cast %add3A_212 : i32 to index
      %get3A_214 = tpu.vector_load %arg7[%get3A_213] {strides = array<i32>} : memref<2048xf32, #tpu.memory_space<vmem>>, vector<16xf32>,
      %get3A_215 = vector.shape_cast %get3A_214 : vector<16xf32> to vector<16xf32>
      %add3A_216 = arith.constant 32 : i32
      %add3A_217 = arith.addi %mul3A_176, %add3A_216 : i32
      %get3A_218 = arith.index_cast %add3A_217 : i32 to index
      %get3A_219 = tpu.vector_load %arg5[%get3A_218] {strides = array<i32>} : memref<65536xf32, #tpu.memory_space<vmem>>, vector<16xf32>,
      %get3A_220 = vector.shape_cast %get3A_219 : vector<16xf32> to vector<16xf32>
      %max3A_221 = arith.maximumf %get3A_215, %get3A_220 : vector<16xf32>
      %add3A_222 = arith.constant 32 : i32
      %add3A_223 = arith.addi %mul3A_170, %add3A_222 : i32
      %swap3A_224 = arith.index_cast %add3A_223 : i32 to index
      %swap3A_225 = tpu.vector_load %arg7[%swap3A_224] {strides = array<i32>} : memref<2048xf32, #tpu.memory_space<vmem>>, vector<16xf32>,
      %swap3A_226 = vector.shape_cast %swap3A_225 : vector<16xf32> to vector<16xf32>
      %swap3A_227 = vector.shape_cast %max3A_221 : vector<16xf32> to vector<16xf32>
      tpu.vector_store %arg7[%swap3A_224], %swap3A_227 {strides = array<i32>} : memref<2048xf32, #tpu.memory_space<vmem>>, vector<16xf32>,
      %add3A_228 = arith.constant 48 : i32
      %add3A_229 = arith.addi %mul3A_170, %add3A_228 : i32
      %get3A_230 = arith.index_cast %add3A_229 : i32 to index
      %get3A_231 = tpu.vector_load %arg7[%get3A_230] {strides = array<i32>} : memref<2048xf32, #tpu.memory_space<vmem>>, vector<16xf32>,
      %get3A_232 = vector.shape_cast %get3A_231 : vector<16xf32> to vector<16xf32>
      %add3A_233 = arith.constant 48 : i32
      %add3A_234 = arith.addi %mul3A_176, %add3A_233 : i32
      %get3A_235 = arith.index_cast %add3A_234 : i32 to index
      %get3A_236 = tpu.vector_load %arg5[%get3A_235] {strides = array<i32>} : memref<65536xf32, #tpu.memory_space<vmem>>, vector<16xf32>,
      %get3A_237 = vector.shape_cast %get3A_236 : vector<16xf32> to vector<16xf32>
      %max3A_238 = arith.maximumf %get3A_232, %get3A_237 : vector<16xf32>
      %add3A_239 = arith.constant 48 : i32
      %add3A_240 = arith.addi %mul3A_170, %add3A_239 : i32
      %swap3A_241 = arith.index_cast %add3A_240 : i32 to index
      %swap3A_242 = tpu.vector_load %arg7[%swap3A_241] {strides = array<i32>} : memref<2048xf32, #tpu.memory_space<vmem>>, vector<16xf32>,
      %swap3A_243 = vector.shape_cast %swap3A_242 : vector<16xf32> to vector<16xf32>
      %swap3A_244 = vector.shape_cast %max3A_238 : vector<16xf32> to vector<16xf32>
      tpu.vector_store %arg7[%swap3A_241], %swap3A_244 {strides = array<i32>} : memref<2048xf32, #tpu.memory_space<vmem>>, vector<16xf32>,
      %add3A_245 = arith.constant 64 : i32
      %add3A_246 = arith.addi %mul3A_170, %add3A_245 : i32
      %get3A_247 = arith.index_cast %add3A_246 : i32 to index
      %get3A_248 = tpu.vector_load %arg7[%get3A_247] {strides = array<i32>} : memref<2048xf32, #tpu.memory_space<vmem>>, vector<16xf32>,
      %get3A_249 = vector.shape_cast %get3A_248 : vector<16xf32> to vector<16xf32>
      %add3A_250 = arith.constant 64 : i32
      %add3A_251 = arith.addi %mul3A_176, %add3A_250 : i32
      %get3A_252 = arith.index_cast %add3A_251 : i32 to index
      %get3A_253 = tpu.vector_load %arg5[%get3A_252] {strides = array<i32>} : memref<65536xf32, #tpu.memory_space<vmem>>, vector<16xf32>,
      %get3A_254 = vector.shape_cast %get3A_253 : vector<16xf32> to vector<16xf32>
      %max3A_255 = arith.maximumf %get3A_249, %get3A_254 : vector<16xf32>
      %add3A_256 = arith.constant 64 : i32
      %add3A_257 = arith.addi %mul3A_170, %add3A_256 : i32
      %swap3A_258 = arith.index_cast %add3A_257 : i32 to index
      %swap3A_259 = tpu.vector_load %arg7[%swap3A_258] {strides = array<i32>} : memref<2048xf32, #tpu.memory_space<vmem>>, vector<16xf32>,
      %swap3A_260 = vector.shape_cast %swap3A_259 : vector<16xf32> to vector<16xf32>
      %swap3A_261 = vector.shape_cast %max3A_255 : vector<16xf32> to vector<16xf32>
      tpu.vector_store %arg7[%swap3A_258], %swap3A_261 {strides = array<i32>} : memref<2048xf32, #tpu.memory_space<vmem>>, vector<16xf32>,
      %add3A_262 = arith.constant 80 : i32
      %add3A_263 = arith.addi %mul3A_170, %add3A_262 : i32
      %get3A_264 = arith.index_cast %add3A_263 : i32 to index
      %get3A_265 = tpu.vector_load %arg7[%get3A_264] {strides = array<i32>} : memref<2048xf32, #tpu.memory_space<vmem>>, vector<16xf32>,
      %get3A_266 = vector.shape_cast %get3A_265 : vector<16xf32> to vector<16xf32>
      %add3A_267 = arith.constant 80 : i32
      %add3A_268 = arith.addi %mul3A_176, %add3A_267 : i32
      %get3A_269 = arith.index_cast %add3A_268 : i32 to index
      %get3A_270 = tpu.vector_load %arg5[%get3A_269] {strides = array<i32>} : memref<65536xf32, #tpu.memory_space<vmem>>, vector<16xf32>,
      %get3A_271 = vector.shape_cast %get3A_270 : vector<16xf32> to vector<16xf32>
      %max3A_272 = arith.maximumf %get3A_266, %get3A_271 : vector<16xf32>
      %add3A_273 = arith.constant 80 : i32
      %add3A_274 = arith.addi %mul3A_170, %add3A_273 : i32
      %swap3A_275 = arith.index_cast %add3A_274 : i32 to index
      %swap3A_276 = tpu.vector_load %arg7[%swap3A_275] {strides = array<i32>} : memref<2048xf32, #tpu.memory_space<vmem>>, vector<16xf32>,
      %swap3A_277 = vector.shape_cast %swap3A_276 : vector<16xf32> to vector<16xf32>
      %swap3A_278 = vector.shape_cast %max3A_272 : vector<16xf32> to vector<16xf32>
      tpu.vector_store %arg7[%swap3A_275], %swap3A_278 {strides = array<i32>} : memref<2048xf32, #tpu.memory_space<vmem>>, vector<16xf32>,
      %add3A_279 = arith.constant 96 : i32
      %add3A_280 = arith.addi %mul3A_170, %add3A_279 : i32
      %get3A_281 = arith.index_cast %add3A_280 : i32 to index
      %get3A_282 = tpu.vector_load %arg7[%get3A_281] {strides = array<i32>} : memref<2048xf32, #tpu.memory_space<vmem>>, vector<16xf32>,
      %get3A_283 = vector.shape_cast %get3A_282 : vector<16xf32> to vector<16xf32>
      %add3A_284 = arith.constant 96 : i32
      %add3A_285 = arith.addi %mul3A_176, %add3A_284 : i32
      %get3A_286 = arith.index_cast %add3A_285 : i32 to index
      %get3A_287 = tpu.vector_load %arg5[%get3A_286] {strides = array<i32>} : memref<65536xf32, #tpu.memory_space<vmem>>, vector<16xf32>,
      %get3A_288 = vector.shape_cast %get3A_287 : vector<16xf32> to vector<16xf32>
      %max3A_289 = arith.maximumf %get3A_283, %get3A_288 : vector<16xf32>
      %add3A_290 = arith.constant 96 : i32
      %add3A_291 = arith.addi %mul3A_170, %add3A_290 : i32
      %swap3A_292 = arith.index_cast %add3A_291 : i32 to index
      %swap3A_293 = tpu.vector_load %arg7[%swap3A_292] {strides = array<i32>} : memref<2048xf32, #tpu.memory_space<vmem>>, vector<16xf32>,
      %swap3A_294 = vector.shape_cast %swap3A_293 : vector<16xf32> to vector<16xf32>
      %swap3A_295 = vector.shape_cast %max3A_289 : vector<16xf32> to vector<16xf32>
      tpu.vector_store %arg7[%swap3A_292], %swap3A_295 {strides = array<i32>} : memref<2048xf32, #tpu.memory_space<vmem>>, vector<16xf32>,
      %add3A_296 = arith.constant 112 : i32
      %add3A_297 = arith.addi %mul3A_170, %add3A_296 : i32
      %get3A_298 = arith.index_cast %add3A_297 : i32 to index
      %get3A_299 = tpu.vector_load %arg7[%get3A_298] {strides = array<i32>} : memref<2048xf32, #tpu.memory_space<vmem>>, vector<16xf32>,
      %get3A_300 = vector.shape_cast %get3A_299 : vector<16xf32> to vector<16xf32>
      %add3A_301 = arith.constant 112 : i32
      %add3A_302 = arith.addi %mul3A_176, %add3A_301 : i32
      %get3A_303 = arith.index_cast %add3A_302 : i32 to index
      %get3A_304 = tpu.vector_load %arg5[%get3A_303] {strides = array<i32>} : memref<65536xf32, #tpu.memory_space<vmem>>, vector<16xf32>,
      %get3A_305 = vector.shape_cast %get3A_304 : vector<16xf32> to vector<16xf32>
      %max3A_306 = arith.maximumf %get3A_300, %get3A_305 : vector<16xf32>
      %add3A_307 = arith.constant 112 : i32
      %add3A_308 = arith.addi %mul3A_170, %add3A_307 : i32
      %swap3A_309 = arith.index_cast %add3A_308 : i32 to index
      %swap3A_310 = tpu.vector_load %arg7[%swap3A_309] {strides = array<i32>} : memref<2048xf32, #tpu.memory_space<vmem>>, vector<16xf32>,
      %swap3A_311 = vector.shape_cast %swap3A_310 : vector<16xf32> to vector<16xf32>
      %swap3A_312 = vector.shape_cast %max3A_306 : vector<16xf32> to vector<16xf32>
      tpu.vector_store %arg7[%swap3A_309], %swap3A_312 {strides = array<i32>} : memref<2048xf32, #tpu.memory_space<vmem>>, vector<16xf32>,
      %slice3A_313 = vector.extract_strided_slice %get3A_24 {offsets = [2], sizes = [1], strides = [1]} : vector<16xi32> to vector<1xi32>
      %squeeze3A_314 = vector.extract %slice3A_313[0] : i32 from vector<1xi32>
      %mul3A_315 = arith.constant 128 : i32
      %mul3A_316 = arith.muli %squeeze3A_314, %mul3A_315 : i32
      %mul3A_317 = arith.constant 16 : i32
      %mul3A_318 = arith.muli %scan3A_20, %mul3A_317 : i32
      %add3A_319 = arith.constant 2 : i32
      %add3A_320 = arith.addi %mul3A_318, %add3A_319 : i32
      %mul3A_321 = arith.constant 128 : i32
      %mul3A_322 = arith.muli %add3A_320, %mul3A_321 : i32
      %add3A_323 = arith.constant 0 : i32
      %add3A_324 = arith.addi %mul3A_316, %add3A_323 : i32
      %get3A_325 = arith.index_cast %add3A_324 : i32 to index
      %get3A_326 = tpu.vector_load %arg7[%get3A_325] {strides = array<i32>} : memref<2048xf32, #tpu.memory_space<vmem>>, vector<16xf32>,
      %get3A_327 = vector.shape_cast %get3A_326 : vector<16xf32> to vector<16xf32>
      %add3A_328 = arith.constant 0 : i32
      %add3A_329 = arith.addi %mul3A_322, %add3A_328 : i32
      %get3A_330 = arith.index_cast %add3A_329 : i32 to index
      %get3A_331 = tpu.vector_load %arg5[%get3A_330] {strides = array<i32>} : memref<65536xf32, #tpu.memory_space<vmem>>, vector<16xf32>,
      %get3A_332 = vector.shape_cast %get3A_331 : vector<16xf32> to vector<16xf32>
      %max3A_333 = arith.maximumf %get3A_327, %get3A_332 : vector<16xf32>
      %add3A_334 = arith.constant 0 : i32
      %add3A_335 = arith.addi %mul3A_316, %add3A_334 : i32
      %swap3A_336 = arith.index_cast %add3A_335 : i32 to index
      %swap3A_337 = tpu.vector_load %arg7[%swap3A_336] {strides = array<i32>} : memref<2048xf32, #tpu.memory_space<vmem>>, vector<16xf32>,
      %swap3A_338 = vector.shape_cast %swap3A_337 : vector<16xf32> to vector<16xf32>
      %swap3A_339 = vector.shape_cast %max3A_333 : vector<16xf32> to vector<16xf32>
      tpu.vector_store %arg7[%swap3A_336], %swap3A_339 {strides = array<i32>} : memref<2048xf32, #tpu.memory_space<vmem>>, vector<16xf32>,
      %add3A_340 = arith.constant 16 : i32
      %add3A_341 = arith.addi %mul3A_316, %add3A_340 : i32
      %get3A_342 = arith.index_cast %add3A_341 : i32 to index
      %get3A_343 = tpu.vector_load %arg7[%get3A_342] {strides = array<i32>} : memref<2048xf32, #tpu.memory_space<vmem>>, vector<16xf32>,
      %get3A_344 = vector.shape_cast %get3A_343 : vector<16xf32> to vector<16xf32>
      %add3A_345 = arith.constant 16 : i32
      %add3A_346 = arith.addi %mul3A_322, %add3A_345 : i32
      %get3A_347 = arith.index_cast %add3A_346 : i32 to index
      %get3A_348 = tpu.vector_load %arg5[%get3A_347] {strides = array<i32>} : memref<65536xf32, #tpu.memory_space<vmem>>, vector<16xf32>,
      %get3A_349 = vector.shape_cast %get3A_348 : vector<16xf32> to vector<16xf32>
      %max3A_350 = arith.maximumf %get3A_344, %get3A_349 : vector<16xf32>
      %add3A_351 = arith.constant 16 : i32
      %add3A_352 = arith.addi %mul3A_316, %add3A_351 : i32
      %swap3A_353 = arith.index_cast %add3A_352 : i32 to index
      %swap3A_354 = tpu.vector_load %arg7[%swap3A_353] {strides = array<i32>} : memref<2048xf32, #tpu.memory_space<vmem>>, vector<16xf32>,
      %swap3A_355 = vector.shape_cast %swap3A_354 : vector<16xf32> to vector<16xf32>
      %swap3A_356 = vector.shape_cast %max3A_350 : vector<16xf32> to vector<16xf32>
      tpu.vector_store %arg7[%swap3A_353], %swap3A_356 {strides = array<i32>} : memref<2048xf32, #tpu.memory_space<vmem>>, vector<16xf32>,
      %add3A_357 = arith.constant 32 : i32
      %add3A_358 = arith.addi %mul3A_316, %add3A_357 : i32
      %get3A_359 = arith.index_cast %add3A_358 : i32 to index
      %get3A_360 = tpu.vector_load %arg7[%get3A_359] {strides = array<i32>} : memref<2048xf32, #tpu.memory_space<vmem>>, vector<16xf32>,
      %get3A_361 = vector.shape_cast %get3A_360 : vector<16xf32> to vector<16xf32>
      %add3A_362 = arith.constant 32 : i32
      %add3A_363 = arith.addi %mul3A_322, %add3A_362 : i32
      %get3A_364 = arith.index_cast %add3A_363 : i32 to index
      %get3A_365 = tpu.vector_load %arg5[%get3A_364] {strides = array<i32>} : memref<65536xf32, #tpu.memory_space<vmem>>, vector<16xf32>,
      %get3A_366 = vector.shape_cast %get3A_365 : vector<16xf32> to vector<16xf32>
      %max3A_367 = arith.maximumf %get3A_361, %get3A_366 : vector<16xf32>
      %add3A_368 = arith.constant 32 : i32
      %add3A_369 = arith.addi %mul3A_316, %add3A_368 : i32
      %swap3A_370 = arith.index_cast %add3A_369 : i32 to index
      %swap3A_371 = tpu.vector_load %arg7[%swap3A_370] {strides = array<i32>} : memref<2048xf32, #tpu.memory_space<vmem>>, vector<16xf32>,
      %swap3A_372 = vector.shape_cast %swap3A_371 : vector<16xf32> to vector<16xf32>
      %swap3A_373 = vector.shape_cast %max3A_367 : vector<16xf32> to vector<16xf32>
      tpu.vector_store %arg7[%swap3A_370], %swap3A_373 {strides = array<i32>} : memref<2048xf32, #tpu.memory_space<vmem>>, vector<16xf32>,
      %add3A_374 = arith.constant 48 : i32
      %add3A_375 = arith.addi %mul3A_316, %add3A_374 : i32
      %get3A_376 = arith.index_cast %add3A_375 : i32 to index
      %get3A_377 = tpu.vector_load %arg7[%get3A_376] {strides = array<i32>} : memref<2048xf32, #tpu.memory_space<vmem>>, vector<16xf32>,
      %get3A_378 = vector.shape_cast %get3A_377 : vector<16xf32> to vector<16xf32>
      %add3A_379 = arith.constant 48 : i32
      %add3A_380 = arith.addi %mul3A_322, %add3A_379 : i32
      %get3A_381 = arith.index_cast %add3A_380 : i32 to index
      %get3A_382 = tpu.vector_load %arg5[%get3A_381] {strides = array<i32>} : memref<65536xf32, #tpu.memory_space<vmem>>, vector<16xf32>,
      %get3A_383 = vector.shape_cast %get3A_382 : vector<16xf32> to vector<16xf32>
      %max3A_384 = arith.maximumf %get3A_378, %get3A_383 : vector<16xf32>
      %add3A_385 = arith.constant 48 : i32
      %add3A_386 = arith.addi %mul3A_316, %add3A_385 : i32
      %swap3A_387 = arith.index_cast %add3A_386 : i32 to index
      %swap3A_388 = tpu.vector_load %arg7[%swap3A_387] {strides = array<i32>} : memref<2048xf32, #tpu.memory_space<vmem>>, vector<16xf32>,
      %swap3A_389 = vector.shape_cast %swap3A_388 : vector<16xf32> to vector<16xf32>
      %swap3A_390 = vector.shape_cast %max3A_384 : vector<16xf32> to vector<16xf32>
      tpu.vector_store %arg7[%swap3A_387], %swap3A_390 {strides = array<i32>} : memref<2048xf32, #tpu.memory_space<vmem>>, vector<16xf32>,
      %add3A_391 = arith.constant 64 : i32
      %add3A_392 = arith.addi %mul3A_316, %add3A_391 : i32
      %get3A_393 = arith.index_cast %add3A_392 : i32 to index
      %get3A_394 = tpu.vector_load %arg7[%get3A_393] {strides = array<i32>} : memref<2048xf32, #tpu.memory_space<vmem>>, vector<16xf32>,
      %get3A_395 = vector.shape_cast %get3A_394 : vector<16xf32> to vector<16xf32>
      %add3A_396 = arith.constant 64 : i32
      %add3A_397 = arith.addi %mul3A_322, %add3A_396 : i32
      %get3A_398 = arith.index_cast %add3A_397 : i32 to index
      %get3A_399 = tpu.vector_load %arg5[%get3A_398] {strides = array<i32>} : memref<65536xf32, #tpu.memory_space<vmem>>, vector<16xf32>,
      %get3A_400 = vector.shape_cast %get3A_399 : vector<16xf32> to vector<16xf32>
      %max3A_401 = arith.maximumf %get3A_395, %get3A_400 : vector<16xf32>
      %add3A_402 = arith.constant 64 : i32
      %add3A_403 = arith.addi %mul3A_316, %add3A_402 : i32
      %swap3A_404 = arith.index_cast %add3A_403 : i32 to index
      %swap3A_405 = tpu.vector_load %arg7[%swap3A_404] {strides = array<i32>} : memref<2048xf32, #tpu.memory_space<vmem>>, vector<16xf32>,
      %swap3A_406 = vector.shape_cast %swap3A_405 : vector<16xf32> to vector<16xf32>
      %swap3A_407 = vector.shape_cast %max3A_401 : vector<16xf32> to vector<16xf32>
      tpu.vector_store %arg7[%swap3A_404], %swap3A_407 {strides = array<i32>} : memref<2048xf32, #tpu.memory_space<vmem>>, vector<16xf32>,
      %add3A_408 = arith.constant 80 : i32
      %add3A_409 = arith.addi %mul3A_316, %add3A_408 : i32
      %get3A_410 = arith.index_cast %add3A_409 : i32 to index
      %get3A_411 = tpu.vector_load %arg7[%get3A_410] {strides = array<i32>} : memref<2048xf32, #tpu.memory_space<vmem>>, vector<16xf32>,
      %get3A_412 = vector.shape_cast %get3A_411 : vector<16xf32> to vector<16xf32>
      %add3A_413 = arith.constant 80 : i32
      %add3A_414 = arith.addi %mul3A_322, %add3A_413 : i32
      %get3A_415 = arith.index_cast %add3A_414 : i32 to index
      %get3A_416 = tpu.vector_load %arg5[%get3A_415] {strides = array<i32>} : memref<65536xf32, #tpu.memory_space<vmem>>, vector<16xf32>,
      %get3A_417 = vector.shape_cast %get3A_416 : vector<16xf32> to vector<16xf32>
      %max3A_418 = arith.maximumf %get3A_412, %get3A_417 : vector<16xf32>
      %add3A_419 = arith.constant 80 : i32
      %add3A_420 = arith.addi %mul3A_316, %add3A_419 : i32
      %swap3A_421 = arith.index_cast %add3A_420 : i32 to index
      %swap3A_422 = tpu.vector_load %arg7[%swap3A_421] {strides = array<i32>} : memref<2048xf32, #tpu.memory_space<vmem>>, vector<16xf32>,
      %swap3A_423 = vector.shape_cast %swap3A_422 : vector<16xf32> to vector<16xf32>
      %swap3A_424 = vector.shape_cast %max3A_418 : vector<16xf32> to vector<16xf32>
      tpu.vector_store %arg7[%swap3A_421], %swap3A_424 {strides = array<i32>} : memref<2048xf32, #tpu.memory_space<vmem>>, vector<16xf32>,
      %add3A_425 = arith.constant 96 : i32
      %add3A_426 = arith.addi %mul3A_316, %add3A_425 : i32
      %get3A_427 = arith.index_cast %add3A_426 : i32 to index
      %get3A_428 = tpu.vector_load %arg7[%get3A_427] {strides = array<i32>} : memref<2048xf32, #tpu.memory_space<vmem>>, vector<16xf32>,
      %get3A_429 = vector.shape_cast %get3A_428 : vector<16xf32> to vector<16xf32>
      %add3A_430 = arith.constant 96 : i32
      %add3A_431 = arith.addi %mul3A_322, %add3A_430 : i32
      %get3A_432 = arith.index_cast %add3A_431 : i32 to index
      %get3A_433 = tpu.vector_load %arg5[%get3A_432] {strides = array<i32>} : memref<65536xf32, #tpu.memory_space<vmem>>, vector<16xf32>,
      %get3A_434 = vector.shape_cast %get3A_433 : vector<16xf32> to vector<16xf32>
      %max3A_435 = arith.maximumf %get3A_429, %get3A_434 : vector<16xf32>
      %add3A_436 = arith.constant 96 : i32
      %add3A_437 = arith.addi %mul3A_316, %add3A_436 : i32
      %swap3A_438 = arith.index_cast %add3A_437 : i32 to index
      %swap3A_439 = tpu.vector_load %arg7[%swap3A_438] {strides = array<i32>} : memref<2048xf32, #tpu.memory_space<vmem>>, vector<16xf32>,
      %swap3A_440 = vector.shape_cast %swap3A_439 : vector<16xf32> to vector<16xf32>
      %swap3A_441 = vector.shape_cast %max3A_435 : vector<16xf32> to vector<16xf32>
      tpu.vector_store %arg7[%swap3A_438], %swap3A_441 {strides = array<i32>} : memref<2048xf32, #tpu.memory_space<vmem>>, vector<16xf32>,
      %add3A_442 = arith.constant 112 : i32
      %add3A_443 = arith.addi %mul3A_316, %add3A_442 : i32
      %get3A_444 = arith.index_cast %add3A_443 : i32 to index
      %get3A_445 = tpu.vector_load %arg7[%get3A_444] {strides = array<i32>} : memref<2048xf32, #tpu.memory_space<vmem>>, vector<16xf32>,
      %get3A_446 = vector.shape_cast %get3A_445 : vector<16xf32> to vector<16xf32>
      %add3A_447 = arith.constant 112 : i32
      %add3A_448 = arith.addi %mul3A_322, %add3A_447 : i32
      %get3A_449 = arith.index_cast %add3A_448 : i32 to index
      %get3A_450 = tpu.vector_load %arg5[%get3A_449] {strides = array<i32>} : memref<65536xf32, #tpu.memory_space<vmem>>, vector<16xf32>,
      %get3A_451 = vector.shape_cast %get3A_450 : vector<16xf32> to vector<16xf32>
      %max3A_452 = arith.maximumf %get3A_446, %get3A_451 : vector<16xf32>
      %add3A_453 = arith.constant 112 : i32
      %add3A_454 = arith.addi %mul3A_316, %add3A_453 : i32
      %swap3A_455 = arith.index_cast %add3A_454 : i32 to index
      %swap3A_456 = tpu.vector_load %arg7[%swap3A_455] {strides = array<i32>} : memref<2048xf32, #tpu.memory_space<vmem>>, vector<16xf32>,
      %swap3A_457 = vector.shape_cast %swap3A_456 : vector<16xf32> to vector<16xf32>
      %swap3A_458 = vector.shape_cast %max3A_452 : vector<16xf32> to vector<16xf32>
      tpu.vector_store %arg7[%swap3A_455], %swap3A_458 {strides = array<i32>} : memref<2048xf32, #tpu.memory_space<vmem>>, vector<16xf32>,
      %slice3A_459 = vector.extract_strided_slice %get3A_24 {offsets = [3], sizes = [1], strides = [1]} : vector<16xi32> to vector<1xi32>
      %squeeze3A_460 = vector.extract %slice3A_459[0] : i32 from vector<1xi32>
      %mul3A_461 = arith.constant 128 : i32
      %mul3A_462 = arith.muli %squeeze3A_460, %mul3A_461 : i32
      %mul3A_463 = arith.constant 16 : i32
      %mul3A_464 = arith.muli %scan3A_20, %mul3A_463 : i32
      %add3A_465 = arith.constant 3 : i32
      %add3A_466 = arith.addi %mul3A_464, %add3A_465 : i32
      %mul3A_467 = arith.constant 128 : i32
      %mul3A_468 = arith.muli %add3A_466, %mul3A_467 : i32
      %add3A_469 = arith.constant 0 : i32
      %add3A_470 = arith.addi %mul3A_462, %add3A_469 : i32
      %get3A_471 = arith.index_cast %add3A_470 : i32 to index
      %get3A_472 = tpu.vector_load %arg7[%get3A_471] {strides = array<i32>} : memref<2048xf32, #tpu.memory_space<vmem>>, vector<16xf32>,
      %get3A_473 = vector.shape_cast %get3A_472 : vector<16xf32> to vector<16xf32>
      %add3A_474 = arith.constant 0 : i32
      %add3A_475 = arith.addi %mul3A_468, %add3A_474 : i32
      %get3A_476 = arith.index_cast %add3A_475 : i32 to index
      %get3A_477 = tpu.vector_load %arg5[%get3A_476] {strides = array<i32>} : memref<65536xf32, #tpu.memory_space<vmem>>, vector<16xf32>,
      %get3A_478 = vector.shape_cast %get3A_477 : vector<16xf32> to vector<16xf32>
      %max3A_479 = arith.maximumf %get3A_473, %get3A_478 : vector<16xf32>
      %add3A_480 = arith.constant 0 : i32
      %add3A_481 = arith.addi %mul3A_462, %add3A_480 : i32
      %swap3A_482 = arith.index_cast %add3A_481 : i32 to index
      %swap3A_483 = tpu.vector_load %arg7[%swap3A_482] {strides = array<i32>} : memref<2048xf32, #tpu.memory_space<vmem>>, vector<16xf32>,
      %swap3A_484 = vector.shape_cast %swap3A_483 : vector<16xf32> to vector<16xf32>
      %swap3A_485 = vector.shape_cast %max3A_479 : vector<16xf32> to vector<16xf32>
      tpu.vector_store %arg7[%swap3A_482], %swap3A_485 {strides = array<i32>} : memref<2048xf32, #tpu.memory_space<vmem>>, vector<16xf32>,
      %add3A_486 = arith.constant 16 : i32
      %add3A_487 = arith.addi %mul3A_462, %add3A_486 : i32
      %get3A_488 = arith.index_cast %add3A_487 : i32 to index
      %get3A_489 = tpu.vector_load %arg7[%get3A_488] {strides = array<i32>} : memref<2048xf32, #tpu.memory_space<vmem>>, vector<16xf32>,
      %get3A_490 = vector.shape_cast %get3A_489 : vector<16xf32> to vector<16xf32>
      %add3A_491 = arith.constant 16 : i32
      %add3A_492 = arith.addi %mul3A_468, %add3A_491 : i32
      %get3A_493 = arith.index_cast %add3A_492 : i32 to index
      %get3A_494 = tpu.vector_load %arg5[%get3A_493] {strides = array<i32>} : memref<65536xf32, #tpu.memory_space<vmem>>, vector<16xf32>,
      %get3A_495 = vector.shape_cast %get3A_494 : vector<16xf32> to vector<16xf32>
      %max3A_496 = arith.maximumf %get3A_490, %get3A_495 : vector<16xf32>
      %add3A_497 = arith.constant 16 : i32
      %add3A_498 = arith.addi %mul3A_462, %add3A_497 : i32
      %swap3A_499 = arith.index_cast %add3A_498 : i32 to index
      %swap3A_500 = tpu.vector_load %arg7[%swap3A_499] {strides = array<i32>} : memref<2048xf32, #tpu.memory_space<vmem>>, vector<16xf32>,
      %swap3A_501 = vector.shape_cast %swap3A_500 : vector<16xf32> to vector<16xf32>
      %swap3A_502 = vector.shape_cast %max3A_496 : vector<16xf32> to vector<16xf32>
      tpu.vector_store %arg7[%swap3A_499], %swap3A_502 {strides = array<i32>} : memref<2048xf32, #tpu.memory_space<vmem>>, vector<16xf32>,
      %add3A_503 = arith.constant 32 : i32
      %add3A_504 = arith.addi %mul3A_462, %add3A_503 : i32
      %get3A_505 = arith.index_cast %add3A_504 : i32 to index
      %get3A_506 = tpu.vector_load %arg7[%get3A_505] {strides = array<i32>} : memref<2048xf32, #tpu.memory_space<vmem>>, vector<16xf32>,
      %get3A_507 = vector.shape_cast %get3A_506 : vector<16xf32> to vector<16xf32>
      %add3A_508 = arith.constant 32 : i32
      %add3A_509 = arith.addi %mul3A_468, %add3A_508 : i32
      %get3A_510 = arith.index_cast %add3A_509 : i32 to index
      %get3A_511 = tpu.vector_load %arg5[%get3A_510] {strides = array<i32>} : memref<65536xf32, #tpu.memory_space<vmem>>, vector<16xf32>,
      %get3A_512 = vector.shape_cast %get3A_511 : vector<16xf32> to vector<16xf32>
      %max3A_513 = arith.maximumf %get3A_507, %get3A_512 : vector<16xf32>
      %add3A_514 = arith.constant 32 : i32
      %add3A_515 = arith.addi %mul3A_462, %add3A_514 : i32
      %swap3A_516 = arith.index_cast %add3A_515 : i32 to index
      %swap3A_517 = tpu.vector_load %arg7[%swap3A_516] {strides = array<i32>} : memref<2048xf32, #tpu.memory_space<vmem>>, vector<16xf32>,
      %swap3A_518 = vector.shape_cast %swap3A_517 : vector<16xf32> to vector<16xf32>
      %swap3A_519 = vector.shape_cast %max3A_513 : vector<16xf32> to vector<16xf32>
      tpu.vector_store %arg7[%swap3A_516], %swap3A_519 {strides = array<i32>} : memref<2048xf32, #tpu.memory_space<vmem>>, vector<16xf32>,
      %add3A_520 = arith.constant 48 : i32
      %add3A_521 = arith.addi %mul3A_462, %add3A_520 : i32
      %get3A_522 = arith.index_cast %add3A_521 : i32 to index
      %get3A_523 = tpu.vector_load %arg7[%get3A_522] {strides = array<i32>} : memref<2048xf32, #tpu.memory_space<vmem>>, vector<16xf32>,
      %get3A_524 = vector.shape_cast %get3A_523 : vector<16xf32> to vector<16xf32>
      %add3A_525 = arith.constant 48 : i32
      %add3A_526 = arith.addi %mul3A_468, %add3A_525 : i32
      %get3A_527 = arith.index_cast %add3A_526 : i32 to index
      %get3A_528 = tpu.vector_load %arg5[%get3A_527] {strides = array<i32>} : memref<65536xf32, #tpu.memory_space<vmem>>, vector<16xf32>,
      %get3A_529 = vector.shape_cast %get3A_528 : vector<16xf32> to vector<16xf32>
      %max3A_530 = arith.maximumf %get3A_524, %get3A_529 : vector<16xf32>
      %add3A_531 = arith.constant 48 : i32
      %add3A_532 = arith.addi %mul3A_462, %add3A_531 : i32
      %swap3A_533 = arith.index_cast %add3A_532 : i32 to index
      %swap3A_534 = tpu.vector_load %arg7[%swap3A_533] {strides = array<i32>} : memref<2048xf32, #tpu.memory_space<vmem>>, vector<16xf32>,
      %swap3A_535 = vector.shape_cast %swap3A_534 : vector<16xf32> to vector<16xf32>
      %swap3A_536 = vector.shape_cast %max3A_530 : vector<16xf32> to vector<16xf32>
      tpu.vector_store %arg7[%swap3A_533], %swap3A_536 {strides = array<i32>} : memref<2048xf32, #tpu.memory_space<vmem>>, vector<16xf32>,
      %add3A_537 = arith.constant 64 : i32
      %add3A_538 = arith.addi %mul3A_462, %add3A_537 : i32
      %get3A_539 = arith.index_cast %add3A_538 : i32 to index
      %get3A_540 = tpu.vector_load %arg7[%get3A_539] {strides = array<i32>} : memref<2048xf32, #tpu.memory_space<vmem>>, vector<16xf32>,
      %get3A_541 = vector.shape_cast %get3A_540 : vector<16xf32> to vector<16xf32>
      %add3A_542 = arith.constant 64 : i32
      %add3A_543 = arith.addi %mul3A_468, %add3A_542 : i32
      %get3A_544 = arith.index_cast %add3A_543 : i32 to index
      %get3A_545 = tpu.vector_load %arg5[%get3A_544] {strides = array<i32>} : memref<65536xf32, #tpu.memory_space<vmem>>, vector<16xf32>,
      %get3A_546 = vector.shape_cast %get3A_545 : vector<16xf32> to vector<16xf32>
      %max3A_547 = arith.maximumf %get3A_541, %get3A_546 : vector<16xf32>
      %add3A_548 = arith.constant 64 : i32
      %add3A_549 = arith.addi %mul3A_462, %add3A_548 : i32
      %swap3A_550 = arith.index_cast %add3A_549 : i32 to index
      %swap3A_551 = tpu.vector_load %arg7[%swap3A_550] {strides = array<i32>} : memref<2048xf32, #tpu.memory_space<vmem>>, vector<16xf32>,
      %swap3A_552 = vector.shape_cast %swap3A_551 : vector<16xf32> to vector<16xf32>
      %swap3A_553 = vector.shape_cast %max3A_547 : vector<16xf32> to vector<16xf32>
      tpu.vector_store %arg7[%swap3A_550], %swap3A_553 {strides = array<i32>} : memref<2048xf32, #tpu.memory_space<vmem>>, vector<16xf32>,
      %add3A_554 = arith.constant 80 : i32
      %add3A_555 = arith.addi %mul3A_462, %add3A_554 : i32
      %get3A_556 = arith.index_cast %add3A_555 : i32 to index
      %get3A_557 = tpu.vector_load %arg7[%get3A_556] {strides = array<i32>} : memref<2048xf32, #tpu.memory_space<vmem>>, vector<16xf32>,
      %get3A_558 = vector.shape_cast %get3A_557 : vector<16xf32> to vector<16xf32>
      %add3A_559 = arith.constant 80 : i32
      %add3A_560 = arith.addi %mul3A_468, %add3A_559 : i32
      %get3A_561 = arith.index_cast %add3A_560 : i32 to index
      %get3A_562 = tpu.vector_load %arg5[%get3A_561] {strides = array<i32>} : memref<65536xf32, #tpu.memory_space<vmem>>, vector<16xf32>,
      %get3A_563 = vector.shape_cast %get3A_562 : vector<16xf32> to vector<16xf32>
      %max3A_564 = arith.maximumf %get3A_558, %get3A_563 : vector<16xf32>
      %add3A_565 = arith.constant 80 : i32
      %add3A_566 = arith.addi %mul3A_462, %add3A_565 : i32
      %swap3A_567 = arith.index_cast %add3A_566 : i32 to index
      %swap3A_568 = tpu.vector_load %arg7[%swap3A_567] {strides = array<i32>} : memref<2048xf32, #tpu.memory_space<vmem>>, vector<16xf32>,
      %swap3A_569 = vector.shape_cast %swap3A_568 : vector<16xf32> to vector<16xf32>
      %swap3A_570 = vector.shape_cast %max3A_564 : vector<16xf32> to vector<16xf32>
      tpu.vector_store %arg7[%swap3A_567], %swap3A_570 {strides = array<i32>} : memref<2048xf32, #tpu.memory_space<vmem>>, vector<16xf32>,
      %add3A_571 = arith.constant 96 : i32
      %add3A_572 = arith.addi %mul3A_462, %add3A_571 : i32
      %get3A_573 = arith.index_cast %add3A_572 : i32 to index
      %get3A_574 = tpu.vector_load %arg7[%get3A_573] {strides = array<i32>} : memref<2048xf32, #tpu.memory_space<vmem>>, vector<16xf32>,
      %get3A_575 = vector.shape_cast %get3A_574 : vector<16xf32> to vector<16xf32>
      %add3A_576 = arith.constant 96 : i32
      %add3A_577 = arith.addi %mul3A_468, %add3A_576 : i32
      %get3A_578 = arith.index_cast %add3A_577 : i32 to index
      %get3A_579 = tpu.vector_load %arg5[%get3A_578] {strides = array<i32>} : memref<65536xf32, #tpu.memory_space<vmem>>, vector<16xf32>,
      %get3A_580 = vector.shape_cast %get3A_579 : vector<16xf32> to vector<16xf32>
      %max3A_581 = arith.maximumf %get3A_575, %get3A_580 : vector<16xf32>
      %add3A_582 = arith.constant 96 : i32
      %add3A_583 = arith.addi %mul3A_462, %add3A_582 : i32
      %swap3A_584 = arith.index_cast %add3A_583 : i32 to index
      %swap3A_585 = tpu.vector_load %arg7[%swap3A_584] {strides = array<i32>} : memref<2048xf32, #tpu.memory_space<vmem>>, vector<16xf32>,
      %swap3A_586 = vector.shape_cast %swap3A_585 : vector<16xf32> to vector<16xf32>
      %swap3A_587 = vector.shape_cast %max3A_581 : vector<16xf32> to vector<16xf32>
      tpu.vector_store %arg7[%swap3A_584], %swap3A_587 {strides = array<i32>} : memref<2048xf32, #tpu.memory_space<vmem>>, vector<16xf32>,
      %add3A_588 = arith.constant 112 : i32
      %add3A_589 = arith.addi %mul3A_462, %add3A_588 : i32
      %get3A_590 = arith.index_cast %add3A_589 : i32 to index
      %get3A_591 = tpu.vector_load %arg7[%get3A_590] {strides = array<i32>} : memref<2048xf32, #tpu.memory_space<vmem>>, vector<16xf32>,
      %get3A_592 = vector.shape_cast %get3A_591 : vector<16xf32> to vector<16xf32>
      %add3A_593 = arith.constant 112 : i32
      %add3A_594 = arith.addi %mul3A_468, %add3A_593 : i32
      %get3A_595 = arith.index_cast %add3A_594 : i32 to index
      %get3A_596 = tpu.vector_load %arg5[%get3A_595] {strides = array<i32>} : memref<65536xf32, #tpu.memory_space<vmem>>, vector<16xf32>,
      %get3A_597 = vector.shape_cast %get3A_596 : vector<16xf32> to vector<16xf32>
      %max3A_598 = arith.maximumf %get3A_592, %get3A_597 : vector<16xf32>
      %add3A_599 = arith.constant 112 : i32
      %add3A_600 = arith.addi %mul3A_462, %add3A_599 : i32
      %swap3A_601 = arith.index_cast %add3A_600 : i32 to index
      %swap3A_602 = tpu.vector_load %arg7[%swap3A_601] {strides = array<i32>} : memref<2048xf32, #tpu.memory_space<vmem>>, vector<16xf32>,
      %swap3A_603 = vector.shape_cast %swap3A_602 : vector<16xf32> to vector<16xf32>
      %swap3A_604 = vector.shape_cast %max3A_598 : vector<16xf32> to vector<16xf32>
      tpu.vector_store %arg7[%swap3A_601], %swap3A_604 {strides = array<i32>} : memref<2048xf32, #tpu.memory_space<vmem>>, vector<16xf32>,
      %slice3A_605 = vector.extract_strided_slice %get3A_24 {offsets = [4], sizes = [1], strides = [1]} : vector<16xi32> to vector<1xi32>
      %squeeze3A_606 = vector.extract %slice3A_605[0] : i32 from vector<1xi32>
      %mul3A_607 = arith.constant 128 : i32
      %mul3A_608 = arith.muli %squeeze3A_606, %mul3A_607 : i32
      %mul3A_609 = arith.constant 16 : i32
      %mul3A_610 = arith.muli %scan3A_20, %mul3A_609 : i32
      %add3A_611 = arith.constant 4 : i32
      %add3A_612 = arith.addi %mul3A_610, %add3A_611 : i32
      %mul3A_613 = arith.constant 128 : i32
      %mul3A_614 = arith.muli %add3A_612, %mul3A_613 : i32
      %add3A_615 = arith.constant 0 : i32
      %add3A_616 = arith.addi %mul3A_608, %add3A_615 : i32
      %get3A_617 = arith.index_cast %add3A_616 : i32 to index
      %get3A_618 = tpu.vector_load %arg7[%get3A_617] {strides = array<i32>} : memref<2048xf32, #tpu.memory_space<vmem>>, vector<16xf32>,
      %get3A_619 = vector.shape_cast %get3A_618 : vector<16xf32> to vector<16xf32>
      %add3A_620 = arith.constant 0 : i32
      %add3A_621 = arith.addi %mul3A_614, %add3A_620 : i32
      %get3A_622 = arith.index_cast %add3A_621 : i32 to index
      %get3A_623 = tpu.vector_load %arg5[%get3A_622] {strides = array<i32>} : memref<65536xf32, #tpu.memory_space<vmem>>, vector<16xf32>,
      %get3A_624 = vector.shape_cast %get3A_623 : vector<16xf32> to vector<16xf32>
      %max3A_625 = arith.maximumf %get3A_619, %get3A_624 : vector<16xf32>
      %add3A_626 = arith.constant 0 : i32
      %add3A_627 = arith.addi %mul3A_608, %add3A_626 : i32
      %swap3A_628 = arith.index_cast %add3A_627 : i32 to index
      %swap3A_629 = tpu.vector_load %arg7[%swap3A_628] {strides = array<i32>} : memref<2048xf32, #tpu.memory_space<vmem>>, vector<16xf32>,
      %swap3A_630 = vector.shape_cast %swap3A_629 : vector<16xf32> to vector<16xf32>
      %swap3A_631 = vector.shape_cast %max3A_625 : vector<16xf32> to vector<16xf32>
      tpu.vector_store %arg7[%swap3A_628], %swap3A_631 {strides = array<i32>} : memref<2048xf32, #tpu.memory_space<vmem>>, vector<16xf32>,
      %add3A_632 = arith.constant 16 : i32
      %add3A_633 = arith.addi %mul3A_608, %add3A_632 : i32
      %get3A_634 = arith.index_cast %add3A_633 : i32 to index
      %get3A_635 = tpu.vector_load %arg7[%get3A_634] {strides = array<i32>} : memref<2048xf32, #tpu.memory_space<vmem>>, vector<16xf32>,
      %get3A_636 = vector.shape_cast %get3A_635 : vector<16xf32> to vector<16xf32>
      %add3A_637 = arith.constant 16 : i32
      %add3A_638 = arith.addi %mul3A_614, %add3A_637 : i32
      %get3A_639 = arith.index_cast %add3A_638 : i32 to index
      %get3A_640 = tpu.vector_load %arg5[%get3A_639] {strides = array<i32>} : memref<65536xf32, #tpu.memory_space<vmem>>, vector<16xf32>,
      %get3A_641 = vector.shape_cast %get3A_640 : vector<16xf32> to vector<16xf32>
      %max3A_642 = arith.maximumf %get3A_636, %get3A_641 : vector<16xf32>
      %add3A_643 = arith.constant 16 : i32
      %add3A_644 = arith.addi %mul3A_608, %add3A_643 : i32
      %swap3A_645 = arith.index_cast %add3A_644 : i32 to index
      %swap3A_646 = tpu.vector_load %arg7[%swap3A_645] {strides = array<i32>} : memref<2048xf32, #tpu.memory_space<vmem>>, vector<16xf32>,
      %swap3A_647 = vector.shape_cast %swap3A_646 : vector<16xf32> to vector<16xf32>
      %swap3A_648 = vector.shape_cast %max3A_642 : vector<16xf32> to vector<16xf32>
      tpu.vector_store %arg7[%swap3A_645], %swap3A_648 {strides = array<i32>} : memref<2048xf32, #tpu.memory_space<vmem>>, vector<16xf32>,
      %add3A_649 = arith.constant 32 : i32
      %add3A_650 = arith.addi %mul3A_608, %add3A_649 : i32
      %get3A_651 = arith.index_cast %add3A_650 : i32 to index
      %get3A_652 = tpu.vector_load %arg7[%get3A_651] {strides = array<i32>} : memref<2048xf32, #tpu.memory_space<vmem>>, vector<16xf32>,
      %get3A_653 = vector.shape_cast %get3A_652 : vector<16xf32> to vector<16xf32>
      %add3A_654 = arith.constant 32 : i32
      %add3A_655 = arith.addi %mul3A_614, %add3A_654 : i32
      %get3A_656 = arith.index_cast %add3A_655 : i32 to index
      %get3A_657 = tpu.vector_load %arg5[%get3A_656] {strides = array<i32>} : memref<65536xf32, #tpu.memory_space<vmem>>, vector<16xf32>,
      %get3A_658 = vector.shape_cast %get3A_657 : vector<16xf32> to vector<16xf32>
      %max3A_659 = arith.maximumf %get3A_653, %get3A_658 : vector<16xf32>
      %add3A_660 = arith.constant 32 : i32
      %add3A_661 = arith.addi %mul3A_608, %add3A_660 : i32
      %swap3A_662 = arith.index_cast %add3A_661 : i32 to index
      %swap3A_663 = tpu.vector_load %arg7[%swap3A_662] {strides = array<i32>} : memref<2048xf32, #tpu.memory_space<vmem>>, vector<16xf32>,
      %swap3A_664 = vector.shape_cast %swap3A_663 : vector<16xf32> to vector<16xf32>
      %swap3A_665 = vector.shape_cast %max3A_659 : vector<16xf32> to vector<16xf32>
      tpu.vector_store %arg7[%swap3A_662], %swap3A_665 {strides = array<i32>} : memref<2048xf32, #tpu.memory_space<vmem>>, vector<16xf32>,
      %add3A_666 = arith.constant 48 : i32
      %add3A_667 = arith.addi %mul3A_608, %add3A_666 : i32
      %get3A_668 = arith.index_cast %add3A_667 : i32 to index
      %get3A_669 = tpu.vector_load %arg7[%get3A_668] {strides = array<i32>} : memref<2048xf32, #tpu.memory_space<vmem>>, vector<16xf32>,
      %get3A_670 = vector.shape_cast %get3A_669 : vector<16xf32> to vector<16xf32>
      %add3A_671 = arith.constant 48 : i32
      %add3A_672 = arith.addi %mul3A_614, %add3A_671 : i32
      %get3A_673 = arith.index_cast %add3A_672 : i32 to index
      %get3A_674 = tpu.vector_load %arg5[%get3A_673] {strides = array<i32>} : memref<65536xf32, #tpu.memory_space<vmem>>, vector<16xf32>,
      %get3A_675 = vector.shape_cast %get3A_674 : vector<16xf32> to vector<16xf32>
      %max3A_676 = arith.maximumf %get3A_670, %get3A_675 : vector<16xf32>
      %add3A_677 = arith.constant 48 : i32
      %add3A_678 = arith.addi %mul3A_608, %add3A_677 : i32
      %swap3A_679 = arith.index_cast %add3A_678 : i32 to index
      %swap3A_680 = tpu.vector_load %arg7[%swap3A_679] {strides = array<i32>} : memref<2048xf32, #tpu.memory_space<vmem>>, vector<16xf32>,
      %swap3A_681 = vector.shape_cast %swap3A_680 : vector<16xf32> to vector<16xf32>
      %swap3A_682 = vector.shape_cast %max3A_676 : vector<16xf32> to vector<16xf32>
      tpu.vector_store %arg7[%swap3A_679], %swap3A_682 {strides = array<i32>} : memref<2048xf32, #tpu.memory_space<vmem>>, vector<16xf32>,
      %add3A_683 = arith.constant 64 : i32
      %add3A_684 = arith.addi %mul3A_608, %add3A_683 : i32
      %get3A_685 = arith.index_cast %add3A_684 : i32 to index
      %get3A_686 = tpu.vector_load %arg7[%get3A_685] {strides = array<i32>} : memref<2048xf32, #tpu.memory_space<vmem>>, vector<16xf32>,
      %get3A_687 = vector.shape_cast %get3A_686 : vector<16xf32> to vector<16xf32>
      %add3A_688 = arith.constant 64 : i32
      %add3A_689 = arith.addi %mul3A_614, %add3A_688 : i32
      %get3A_690 = arith.index_cast %add3A_689 : i32 to index
      %get3A_691 = tpu.vector_load %arg5[%get3A_690] {strides = array<i32>} : memref<65536xf32, #tpu.memory_space<vmem>>, vector<16xf32>,
      %get3A_692 = vector.shape_cast %get3A_691 : vector<16xf32> to vector<16xf32>
      %max3A_693 = arith.maximumf %get3A_687, %get3A_692 : vector<16xf32>
      %add3A_694 = arith.constant 64 : i32
      %add3A_695 = arith.addi %mul3A_608, %add3A_694 : i32
      %swap3A_696 = arith.index_cast %add3A_695 : i32 to index
      %swap3A_697 = tpu.vector_load %arg7[%swap3A_696] {strides = array<i32>} : memref<2048xf32, #tpu.memory_space<vmem>>, vector<16xf32>,
      %swap3A_698 = vector.shape_cast %swap3A_697 : vector<16xf32> to vector<16xf32>
      %swap3A_699 = vector.shape_cast %max3A_693 : vector<16xf32> to vector<16xf32>
      tpu.vector_store %arg7[%swap3A_696], %swap3A_699 {strides = array<i32>} : memref<2048xf32, #tpu.memory_space<vmem>>, vector<16xf32>,
      %add3A_700 = arith.constant 80 : i32
      %add3A_701 = arith.addi %mul3A_608, %add3A_700 : i32
      %get3A_702 = arith.index_cast %add3A_701 : i32 to index
      %get3A_703 = tpu.vector_load %arg7[%get3A_702] {strides = array<i32>} : memref<2048xf32, #tpu.memory_space<vmem>>, vector<16xf32>,
      %get3A_704 = vector.shape_cast %get3A_703 : vector<16xf32> to vector<16xf32>
      %add3A_705 = arith.constant 80 : i32
      %add3A_706 = arith.addi %mul3A_614, %add3A_705 : i32
      %get3A_707 = arith.index_cast %add3A_706 : i32 to index
      %get3A_708 = tpu.vector_load %arg5[%get3A_707] {strides = array<i32>} : memref<65536xf32, #tpu.memory_space<vmem>>, vector<16xf32>,
      %get3A_709 = vector.shape_cast %get3A_708 : vector<16xf32> to vector<16xf32>
      %max3A_710 = arith.maximumf %get3A_704, %get3A_709 : vector<16xf32>
      %add3A_711 = arith.constant 80 : i32
      %add3A_712 = arith.addi %mul3A_608, %add3A_711 : i32
      %swap3A_713 = arith.index_cast %add3A_712 : i32 to index
      %swap3A_714 = tpu.vector_load %arg7[%swap3A_713] {strides = array<i32>} : memref<2048xf32, #tpu.memory_space<vmem>>, vector<16xf32>,
      %swap3A_715 = vector.shape_cast %swap3A_714 : vector<16xf32> to vector<16xf32>
      %swap3A_716 = vector.shape_cast %max3A_710 : vector<16xf32> to vector<16xf32>
      tpu.vector_store %arg7[%swap3A_713], %swap3A_716 {strides = array<i32>} : memref<2048xf32, #tpu.memory_space<vmem>>, vector<16xf32>,
      %add3A_717 = arith.constant 96 : i32
      %add3A_718 = arith.addi %mul3A_608, %add3A_717 : i32
      %get3A_719 = arith.index_cast %add3A_718 : i32 to index
      %get3A_720 = tpu.vector_load %arg7[%get3A_719] {strides = array<i32>} : memref<2048xf32, #tpu.memory_space<vmem>>, vector<16xf32>,
      %get3A_721 = vector.shape_cast %get3A_720 : vector<16xf32> to vector<16xf32>
      %add3A_722 = arith.constant 96 : i32
      %add3A_723 = arith.addi %mul3A_614, %add3A_722 : i32
      %get3A_724 = arith.index_cast %add3A_723 : i32 to index
      %get3A_725 = tpu.vector_load %arg5[%get3A_724] {strides = array<i32>} : memref<65536xf32, #tpu.memory_space<vmem>>, vector<16xf32>,
      %get3A_726 = vector.shape_cast %get3A_725 : vector<16xf32> to vector<16xf32>
      %max3A_727 = arith.maximumf %get3A_721, %get3A_726 : vector<16xf32>
      %add3A_728 = arith.constant 96 : i32
      %add3A_729 = arith.addi %mul3A_608, %add3A_728 : i32
      %swap3A_730 = arith.index_cast %add3A_729 : i32 to index
      %swap3A_731 = tpu.vector_load %arg7[%swap3A_730] {strides = array<i32>} : memref<2048xf32, #tpu.memory_space<vmem>>, vector<16xf32>,
      %swap3A_732 = vector.shape_cast %swap3A_731 : vector<16xf32> to vector<16xf32>
      %swap3A_733 = vector.shape_cast %max3A_727 : vector<16xf32> to vector<16xf32>
      tpu.vector_store %arg7[%swap3A_730], %swap3A_733 {strides = array<i32>} : memref<2048xf32, #tpu.memory_space<vmem>>, vector<16xf32>,
      %add3A_734 = arith.constant 112 : i32
      %add3A_735 = arith.addi %mul3A_608, %add3A_734 : i32
      %get3A_736 = arith.index_cast %add3A_735 : i32 to index
      %get3A_737 = tpu.vector_load %arg7[%get3A_736] {strides = array<i32>} : memref<2048xf32, #tpu.memory_space<vmem>>, vector<16xf32>,
      %get3A_738 = vector.shape_cast %get3A_737 : vector<16xf32> to vector<16xf32>
      %add3A_739 = arith.constant 112 : i32
      %add3A_740 = arith.addi %mul3A_614, %add3A_739 : i32
      %get3A_741 = arith.index_cast %add3A_740 : i32 to index
      %get3A_742 = tpu.vector_load %arg5[%get3A_741] {strides = array<i32>} : memref<65536xf32, #tpu.memory_space<vmem>>, vector<16xf32>,
      %get3A_743 = vector.shape_cast %get3A_742 : vector<16xf32> to vector<16xf32>
      %max3A_744 = arith.maximumf %get3A_738, %get3A_743 : vector<16xf32>
      %add3A_745 = arith.constant 112 : i32
      %add3A_746 = arith.addi %mul3A_608, %add3A_745 : i32
      %swap3A_747 = arith.index_cast %add3A_746 : i32 to index
      %swap3A_748 = tpu.vector_load %arg7[%swap3A_747] {strides = array<i32>} : memref<2048xf32, #tpu.memory_space<vmem>>, vector<16xf32>,
      %swap3A_749 = vector.shape_cast %swap3A_748 : vector<16xf32> to vector<16xf32>
      %swap3A_750 = vector.shape_cast %max3A_744 : vector<16xf32> to vector<16xf32>
      tpu.vector_store %arg7[%swap3A_747], %swap3A_750 {strides = array<i32>} : memref<2048xf32, #tpu.memory_space<vmem>>, vector<16xf32>,
      %slice3A_751 = vector.extract_strided_slice %get3A_24 {offsets = [5], sizes = [1], strides = [1]} : vector<16xi32> to vector<1xi32>
      %squeeze3A_752 = vector.extract %slice3A_751[0] : i32 from vector<1xi32>
      %mul3A_753 = arith.constant 128 : i32
      %mul3A_754 = arith.muli %squeeze3A_752, %mul3A_753 : i32
      %mul3A_755 = arith.constant 16 : i32
      %mul3A_756 = arith.muli %scan3A_20, %mul3A_755 : i32
      %add3A_757 = arith.constant 5 : i32
      %add3A_758 = arith.addi %mul3A_756, %add3A_757 : i32
      %mul3A_759 = arith.constant 128 : i32
      %mul3A_760 = arith.muli %add3A_758, %mul3A_759 : i32
      %add3A_761 = arith.constant 0 : i32
      %add3A_762 = arith.addi %mul3A_754, %add3A_761 : i32
      %get3A_763 = arith.index_cast %add3A_762 : i32 to index
      %get3A_764 = tpu.vector_load %arg7[%get3A_763] {strides = array<i32>} : memref<2048xf32, #tpu.memory_space<vmem>>, vector<16xf32>,
      %get3A_765 = vector.shape_cast %get3A_764 : vector<16xf32> to vector<16xf32>
      %add3A_766 = arith.constant 0 : i32
      %add3A_767 = arith.addi %mul3A_760, %add3A_766 : i32
      %get3A_768 = arith.index_cast %add3A_767 : i32 to index
      %get3A_769 = tpu.vector_load %arg5[%get3A_768] {strides = array<i32>} : memref<65536xf32, #tpu.memory_space<vmem>>, vector<16xf32>,
      %get3A_770 = vector.shape_cast %get3A_769 : vector<16xf32> to vector<16xf32>
      %max3A_771 = arith.maximumf %get3A_765, %get3A_770 : vector<16xf32>
      %add3A_772 = arith.constant 0 : i32
      %add3A_773 = arith.addi %mul3A_754, %add3A_772 : i32
      %swap3A_774 = arith.index_cast %add3A_773 : i32 to index
      %swap3A_775 = tpu.vector_load %arg7[%swap3A_774] {strides = array<i32>} : memref<2048xf32, #tpu.memory_space<vmem>>, vector<16xf32>,
      %swap3A_776 = vector.shape_cast %swap3A_775 : vector<16xf32> to vector<16xf32>
      %swap3A_777 = vector.shape_cast %max3A_771 : vector<16xf32> to vector<16xf32>
      tpu.vector_store %arg7[%swap3A_774], %swap3A_777 {strides = array<i32>} : memref<2048xf32, #tpu.memory_space<vmem>>, vector<16xf32>,
      %add3A_778 = arith.constant 16 : i32
      %add3A_779 = arith.addi %mul3A_754, %add3A_778 : i32
      %get3A_780 = arith.index_cast %add3A_779 : i32 to index
      %get3A_781 = tpu.vector_load %arg7[%get3A_780] {strides = array<i32>} : memref<2048xf32, #tpu.memory_space<vmem>>, vector<16xf32>,
      %get3A_782 = vector.shape_cast %get3A_781 : vector<16xf32> to vector<16xf32>
      %add3A_783 = arith.constant 16 : i32
      %add3A_784 = arith.addi %mul3A_760, %add3A_783 : i32
      %get3A_785 = arith.index_cast %add3A_784 : i32 to index
      %get3A_786 = tpu.vector_load %arg5[%get3A_785] {strides = array<i32>} : memref<65536xf32, #tpu.memory_space<vmem>>, vector<16xf32>,
      %get3A_787 = vector.shape_cast %get3A_786 : vector<16xf32> to vector<16xf32>
      %max3A_788 = arith.maximumf %get3A_782, %get3A_787 : vector<16xf32>
      %add3A_789 = arith.constant 16 : i32
      %add3A_790 = arith.addi %mul3A_754, %add3A_789 : i32
      %swap3A_791 = arith.index_cast %add3A_790 : i32 to index
      %swap3A_792 = tpu.vector_load %arg7[%swap3A_791] {strides = array<i32>} : memref<2048xf32, #tpu.memory_space<vmem>>, vector<16xf32>,
      %swap3A_793 = vector.shape_cast %swap3A_792 : vector<16xf32> to vector<16xf32>
      %swap3A_794 = vector.shape_cast %max3A_788 : vector<16xf32> to vector<16xf32>
      tpu.vector_store %arg7[%swap3A_791], %swap3A_794 {strides = array<i32>} : memref<2048xf32, #tpu.memory_space<vmem>>, vector<16xf32>,
      %add3A_795 = arith.constant 32 : i32
      %add3A_796 = arith.addi %mul3A_754, %add3A_795 : i32
      %get3A_797 = arith.index_cast %add3A_796 : i32 to index
      %get3A_798 = tpu.vector_load %arg7[%get3A_797] {strides = array<i32>} : memref<2048xf32, #tpu.memory_space<vmem>>, vector<16xf32>,
      %get3A_799 = vector.shape_cast %get3A_798 : vector<16xf32> to vector<16xf32>
      %add3A_800 = arith.constant 32 : i32
      %add3A_801 = arith.addi %mul3A_760, %add3A_800 : i32
      %get3A_802 = arith.index_cast %add3A_801 : i32 to index
      %get3A_803 = tpu.vector_load %arg5[%get3A_802] {strides = array<i32>} : memref<65536xf32, #tpu.memory_space<vmem>>, vector<16xf32>,
      %get3A_804 = vector.shape_cast %get3A_803 : vector<16xf32> to vector<16xf32>
      %max3A_805 = arith.maximumf %get3A_799, %get3A_804 : vector<16xf32>
      %add3A_806 = arith.constant 32 : i32
      %add3A_807 = arith.addi %mul3A_754, %add3A_806 : i32
      %swap3A_808 = arith.index_cast %add3A_807 : i32 to index
      %swap3A_809 = tpu.vector_load %arg7[%swap3A_808] {strides = array<i32>} : memref<2048xf32, #tpu.memory_space<vmem>>, vector<16xf32>,
      %swap3A_810 = vector.shape_cast %swap3A_809 : vector<16xf32> to vector<16xf32>
      %swap3A_811 = vector.shape_cast %max3A_805 : vector<16xf32> to vector<16xf32>
      tpu.vector_store %arg7[%swap3A_808], %swap3A_811 {strides = array<i32>} : memref<2048xf32, #tpu.memory_space<vmem>>, vector<16xf32>,
      %add3A_812 = arith.constant 48 : i32
      %add3A_813 = arith.addi %mul3A_754, %add3A_812 : i32
      %get3A_814 = arith.index_cast %add3A_813 : i32 to index
      %get3A_815 = tpu.vector_load %arg7[%get3A_814] {strides = array<i32>} : memref<2048xf32, #tpu.memory_space<vmem>>, vector<16xf32>,
      %get3A_816 = vector.shape_cast %get3A_815 : vector<16xf32> to vector<16xf32>
      %add3A_817 = arith.constant 48 : i32
      %add3A_818 = arith.addi %mul3A_760, %add3A_817 : i32
      %get3A_819 = arith.index_cast %add3A_818 : i32 to index
      %get3A_820 = tpu.vector_load %arg5[%get3A_819] {strides = array<i32>} : memref<65536xf32, #tpu.memory_space<vmem>>, vector<16xf32>,
      %get3A_821 = vector.shape_cast %get3A_820 : vector<16xf32> to vector<16xf32>
      %max3A_822 = arith.maximumf %get3A_816, %get3A_821 : vector<16xf32>
      %add3A_823 = arith.constant 48 : i32
      %add3A_824 = arith.addi %mul3A_754, %add3A_823 : i32
      %swap3A_825 = arith.index_cast %add3A_824 : i32 to index
      %swap3A_826 = tpu.vector_load %arg7[%swap3A_825] {strides = array<i32>} : memref<2048xf32, #tpu.memory_space<vmem>>, vector<16xf32>,
      %swap3A_827 = vector.shape_cast %swap3A_826 : vector<16xf32> to vector<16xf32>
      %swap3A_828 = vector.shape_cast %max3A_822 : vector<16xf32> to vector<16xf32>
      tpu.vector_store %arg7[%swap3A_825], %swap3A_828 {strides = array<i32>} : memref<2048xf32, #tpu.memory_space<vmem>>, vector<16xf32>,
      %add3A_829 = arith.constant 64 : i32
      %add3A_830 = arith.addi %mul3A_754, %add3A_829 : i32
      %get3A_831 = arith.index_cast %add3A_830 : i32 to index
      %get3A_832 = tpu.vector_load %arg7[%get3A_831] {strides = array<i32>} : memref<2048xf32, #tpu.memory_space<vmem>>, vector<16xf32>,
      %get3A_833 = vector.shape_cast %get3A_832 : vector<16xf32> to vector<16xf32>
      %add3A_834 = arith.constant 64 : i32
      %add3A_835 = arith.addi %mul3A_760, %add3A_834 : i32
      %get3A_836 = arith.index_cast %add3A_835 : i32 to index
      %get3A_837 = tpu.vector_load %arg5[%get3A_836] {strides = array<i32>} : memref<65536xf32, #tpu.memory_space<vmem>>, vector<16xf32>,
      %get3A_838 = vector.shape_cast %get3A_837 : vector<16xf32> to vector<16xf32>
      %max3A_839 = arith.maximumf %get3A_833, %get3A_838 : vector<16xf32>
      %add3A_840 = arith.constant 64 : i32
      %add3A_841 = arith.addi %mul3A_754, %add3A_840 : i32
      %swap3A_842 = arith.index_cast %add3A_841 : i32 to index
      %swap3A_843 = tpu.vector_load %arg7[%swap3A_842] {strides = array<i32>} : memref<2048xf32, #tpu.memory_space<vmem>>, vector<16xf32>,
      %swap3A_844 = vector.shape_cast %swap3A_843 : vector<16xf32> to vector<16xf32>
      %swap3A_845 = vector.shape_cast %max3A_839 : vector<16xf32> to vector<16xf32>
      tpu.vector_store %arg7[%swap3A_842], %swap3A_845 {strides = array<i32>} : memref<2048xf32, #tpu.memory_space<vmem>>, vector<16xf32>,
      %add3A_846 = arith.constant 80 : i32
      %add3A_847 = arith.addi %mul3A_754, %add3A_846 : i32
      %get3A_848 = arith.index_cast %add3A_847 : i32 to index
      %get3A_849 = tpu.vector_load %arg7[%get3A_848] {strides = array<i32>} : memref<2048xf32, #tpu.memory_space<vmem>>, vector<16xf32>,
      %get3A_850 = vector.shape_cast %get3A_849 : vector<16xf32> to vector<16xf32>
      %add3A_851 = arith.constant 80 : i32
      %add3A_852 = arith.addi %mul3A_760, %add3A_851 : i32
      %get3A_853 = arith.index_cast %add3A_852 : i32 to index
      %get3A_854 = tpu.vector_load %arg5[%get3A_853] {strides = array<i32>} : memref<65536xf32, #tpu.memory_space<vmem>>, vector<16xf32>,
      %get3A_855 = vector.shape_cast %get3A_854 : vector<16xf32> to vector<16xf32>
      %max3A_856 = arith.maximumf %get3A_850, %get3A_855 : vector<16xf32>
      %add3A_857 = arith.constant 80 : i32
      %add3A_858 = arith.addi %mul3A_754, %add3A_857 : i32
      %swap3A_859 = arith.index_cast %add3A_858 : i32 to index
      %swap3A_860 = tpu.vector_load %arg7[%swap3A_859] {strides = array<i32>} : memref<2048xf32, #tpu.memory_space<vmem>>, vector<16xf32>,
      %swap3A_861 = vector.shape_cast %swap3A_860 : vector<16xf32> to vector<16xf32>
      %swap3A_862 = vector.shape_cast %max3A_856 : vector<16xf32> to vector<16xf32>
      tpu.vector_store %arg7[%swap3A_859], %swap3A_862 {strides = array<i32>} : memref<2048xf32, #tpu.memory_space<vmem>>, vector<16xf32>,
      %add3A_863 = arith.constant 96 : i32
      %add3A_864 = arith.addi %mul3A_754, %add3A_863 : i32
      %get3A_865 = arith.index_cast %add3A_864 : i32 to index
      %get3A_866 = tpu.vector_load %arg7[%get3A_865] {strides = array<i32>} : memref<2048xf32, #tpu.memory_space<vmem>>, vector<16xf32>,
      %get3A_867 = vector.shape_cast %get3A_866 : vector<16xf32> to vector<16xf32>
      %add3A_868 = arith.constant 96 : i32
      %add3A_869 = arith.addi %mul3A_760, %add3A_868 : i32
      %get3A_870 = arith.index_cast %add3A_869 : i32 to index
      %get3A_871 = tpu.vector_load %arg5[%get3A_870] {strides = array<i32>} : memref<65536xf32, #tpu.memory_space<vmem>>, vector<16xf32>,
      %get3A_872 = vector.shape_cast %get3A_871 : vector<16xf32> to vector<16xf32>
      %max3A_873 = arith.maximumf %get3A_867, %get3A_872 : vector<16xf32>
      %add3A_874 = arith.constant 96 : i32
      %add3A_875 = arith.addi %mul3A_754, %add3A_874 : i32
      %swap3A_876 = arith.index_cast %add3A_875 : i32 to index
      %swap3A_877 = tpu.vector_load %arg7[%swap3A_876] {strides = array<i32>} : memref<2048xf32, #tpu.memory_space<vmem>>, vector<16xf32>,
      %swap3A_878 = vector.shape_cast %swap3A_877 : vector<16xf32> to vector<16xf32>
      %swap3A_879 = vector.shape_cast %max3A_873 : vector<16xf32> to vector<16xf32>
      tpu.vector_store %arg7[%swap3A_876], %swap3A_879 {strides = array<i32>} : memref<2048xf32, #tpu.memory_space<vmem>>, vector<16xf32>,
      %add3A_880 = arith.constant 112 : i32
      %add3A_881 = arith.addi %mul3A_754, %add3A_880 : i32
      %get3A_882 = arith.index_cast %add3A_881 : i32 to index
      %get3A_883 = tpu.vector_load %arg7[%get3A_882] {strides = array<i32>} : memref<2048xf32, #tpu.memory_space<vmem>>, vector<16xf32>,
      %get3A_884 = vector.shape_cast %get3A_883 : vector<16xf32> to vector<16xf32>
      %add3A_885 = arith.constant 112 : i32
      %add3A_886 = arith.addi %mul3A_760, %add3A_885 : i32
      %get3A_887 = arith.index_cast %add3A_886 : i32 to index
      %get3A_888 = tpu.vector_load %arg5[%get3A_887] {strides = array<i32>} : memref<65536xf32, #tpu.memory_space<vmem>>, vector<16xf32>,
      %get3A_889 = vector.shape_cast %get3A_888 : vector<16xf32> to vector<16xf32>
      %max3A_890 = arith.maximumf %get3A_884, %get3A_889 : vector<16xf32>
      %add3A_891 = arith.constant 112 : i32
      %add3A_892 = arith.addi %mul3A_754, %add3A_891 : i32
      %swap3A_893 = arith.index_cast %add3A_892 : i32 to index
      %swap3A_894 = tpu.vector_load %arg7[%swap3A_893] {strides = array<i32>} : memref<2048xf32, #tpu.memory_space<vmem>>, vector<16xf32>,
      %swap3A_895 = vector.shape_cast %swap3A_894 : vector<16xf32> to vector<16xf32>
      %swap3A_896 = vector.shape_cast %max3A_890 : vector<16xf32> to vector<16xf32>
      tpu.vector_store %arg7[%swap3A_893], %swap3A_896 {strides = array<i32>} : memref<2048xf32, #tpu.memory_space<vmem>>, vector<16xf32>,
      %slice3A_897 = vector.extract_strided_slice %get3A_24 {offsets = [6], sizes = [1], strides = [1]} : vector<16xi32> to vector<1xi32>
      %squeeze3A_898 = vector.extract %slice3A_897[0] : i32 from vector<1xi32>
      %mul3A_899 = arith.constant 128 : i32
      %mul3A_900 = arith.muli %squeeze3A_898, %mul3A_899 : i32
      %mul3A_901 = arith.constant 16 : i32
      %mul3A_902 = arith.muli %scan3A_20, %mul3A_901 : i32
      %add3A_903 = arith.constant 6 : i32
      %add3A_904 = arith.addi %mul3A_902, %add3A_903 : i32
      %mul3A_905 = arith.constant 128 : i32
      %mul3A_906 = arith.muli %add3A_904, %mul3A_905 : i32
      %add3A_907 = arith.constant 0 : i32
      %add3A_908 = arith.addi %mul3A_900, %add3A_907 : i32
      %get3A_909 = arith.index_cast %add3A_908 : i32 to index
      %get3A_910 = tpu.vector_load %arg7[%get3A_909] {strides = array<i32>} : memref<2048xf32, #tpu.memory_space<vmem>>, vector<16xf32>,
      %get3A_911 = vector.shape_cast %get3A_910 : vector<16xf32> to vector<16xf32>
      %add3A_912 = arith.constant 0 : i32
      %add3A_913 = arith.addi %mul3A_906, %add3A_912 : i32
      %get3A_914 = arith.index_cast %add3A_913 : i32 to index
      %get3A_915 = tpu.vector_load %arg5[%get3A_914] {strides = array<i32>} : memref<65536xf32, #tpu.memory_space<vmem>>, vector<16xf32>,
      %get3A_916 = vector.shape_cast %get3A_915 : vector<16xf32> to vector<16xf32>
      %max3A_917 = arith.maximumf %get3A_911, %get3A_916 : vector<16xf32>
      %add3A_918 = arith.constant 0 : i32
      %add3A_919 = arith.addi %mul3A_900, %add3A_918 : i32
      %swap3A_920 = arith.index_cast %add3A_919 : i32 to index
      %swap3A_921 = tpu.vector_load %arg7[%swap3A_920] {strides = array<i32>} : memref<2048xf32, #tpu.memory_space<vmem>>, vector<16xf32>,
      %swap3A_922 = vector.shape_cast %swap3A_921 : vector<16xf32> to vector<16xf32>
      %swap3A_923 = vector.shape_cast %max3A_917 : vector<16xf32> to vector<16xf32>
      tpu.vector_store %arg7[%swap3A_920], %swap3A_923 {strides = array<i32>} : memref<2048xf32, #tpu.memory_space<vmem>>, vector<16xf32>,
      %add3A_924 = arith.constant 16 : i32
      %add3A_925 = arith.addi %mul3A_900, %add3A_924 : i32
      %get3A_926 = arith.index_cast %add3A_925 : i32 to index
      %get3A_927 = tpu.vector_load %arg7[%get3A_926] {strides = array<i32>} : memref<2048xf32, #tpu.memory_space<vmem>>, vector<16xf32>,
      %get3A_928 = vector.shape_cast %get3A_927 : vector<16xf32> to vector<16xf32>
      %add3A_929 = arith.constant 16 : i32
      %add3A_930 = arith.addi %mul3A_906, %add3A_929 : i32
      %get3A_931 = arith.index_cast %add3A_930 : i32 to index
      %get3A_932 = tpu.vector_load %arg5[%get3A_931] {strides = array<i32>} : memref<65536xf32, #tpu.memory_space<vmem>>, vector<16xf32>,
      %get3A_933 = vector.shape_cast %get3A_932 : vector<16xf32> to vector<16xf32>
      %max3A_934 = arith.maximumf %get3A_928, %get3A_933 : vector<16xf32>
      %add3A_935 = arith.constant 16 : i32
      %add3A_936 = arith.addi %mul3A_900, %add3A_935 : i32
      %swap3A_937 = arith.index_cast %add3A_936 : i32 to index
      %swap3A_938 = tpu.vector_load %arg7[%swap3A_937] {strides = array<i32>} : memref<2048xf32, #tpu.memory_space<vmem>>, vector<16xf32>,
      %swap3A_939 = vector.shape_cast %swap3A_938 : vector<16xf32> to vector<16xf32>
      %swap3A_940 = vector.shape_cast %max3A_934 : vector<16xf32> to vector<16xf32>
      tpu.vector_store %arg7[%swap3A_937], %swap3A_940 {strides = array<i32>} : memref<2048xf32, #tpu.memory_space<vmem>>, vector<16xf32>,
      %add3A_941 = arith.constant 32 : i32
      %add3A_942 = arith.addi %mul3A_900, %add3A_941 : i32
      %get3A_943 = arith.index_cast %add3A_942 : i32 to index
      %get3A_944 = tpu.vector_load %arg7[%get3A_943] {strides = array<i32>} : memref<2048xf32, #tpu.memory_space<vmem>>, vector<16xf32>,
      %get3A_945 = vector.shape_cast %get3A_944 : vector<16xf32> to vector<16xf32>
      %add3A_946 = arith.constant 32 : i32
      %add3A_947 = arith.addi %mul3A_906, %add3A_946 : i32
      %get3A_948 = arith.index_cast %add3A_947 : i32 to index
      %get3A_949 = tpu.vector_load %arg5[%get3A_948] {strides = array<i32>} : memref<65536xf32, #tpu.memory_space<vmem>>, vector<16xf32>,
      %get3A_950 = vector.shape_cast %get3A_949 : vector<16xf32> to vector<16xf32>
      %max3A_951 = arith.maximumf %get3A_945, %get3A_950 : vector<16xf32>
      %add3A_952 = arith.constant 32 : i32
      %add3A_953 = arith.addi %mul3A_900, %add3A_952 : i32
      %swap3A_954 = arith.index_cast %add3A_953 : i32 to index
      %swap3A_955 = tpu.vector_load %arg7[%swap3A_954] {strides = array<i32>} : memref<2048xf32, #tpu.memory_space<vmem>>, vector<16xf32>,
      %swap3A_956 = vector.shape_cast %swap3A_955 : vector<16xf32> to vector<16xf32>
      %swap3A_957 = vector.shape_cast %max3A_951 : vector<16xf32> to vector<16xf32>
      tpu.vector_store %arg7[%swap3A_954], %swap3A_957 {strides = array<i32>} : memref<2048xf32, #tpu.memory_space<vmem>>, vector<16xf32>,
      %add3A_958 = arith.constant 48 : i32
      %add3A_959 = arith.addi %mul3A_900, %add3A_958 : i32
      %get3A_960 = arith.index_cast %add3A_959 : i32 to index
      %get3A_961 = tpu.vector_load %arg7[%get3A_960] {strides = array<i32>} : memref<2048xf32, #tpu.memory_space<vmem>>, vector<16xf32>,
      %get3A_962 = vector.shape_cast %get3A_961 : vector<16xf32> to vector<16xf32>
      %add3A_963 = arith.constant 48 : i32
      %add3A_964 = arith.addi %mul3A_906, %add3A_963 : i32
      %get3A_965 = arith.index_cast %add3A_964 : i32 to index
      %get3A_966 = tpu.vector_load %arg5[%get3A_965] {strides = array<i32>} : memref<65536xf32, #tpu.memory_space<vmem>>, vector<16xf32>,
      %get3A_967 = vector.shape_cast %get3A_966 : vector<16xf32> to vector<16xf32>
      %max3A_968 = arith.maximumf %get3A_962, %get3A_967 : vector<16xf32>
      %add3A_969 = arith.constant 48 : i32
      %add3A_970 = arith.addi %mul3A_900, %add3A_969 : i32
      %swap3A_971 = arith.index_cast %add3A_970 : i32 to index
      %swap3A_972 = tpu.vector_load %arg7[%swap3A_971] {strides = array<i32>} : memref<2048xf32, #tpu.memory_space<vmem>>, vector<16xf32>,
      %swap3A_973 = vector.shape_cast %swap3A_972 : vector<16xf32> to vector<16xf32>
      %swap3A_974 = vector.shape_cast %max3A_968 : vector<16xf32> to vector<16xf32>
      tpu.vector_store %arg7[%swap3A_971], %swap3A_974 {strides = array<i32>} : memref<2048xf32, #tpu.memory_space<vmem>>, vector<16xf32>,
      %add3A_975 = arith.constant 64 : i32
      %add3A_976 = arith.addi %mul3A_900, %add3A_975 : i32
      %get3A_977 = arith.index_cast %add3A_976 : i32 to index
      %get3A_978 = tpu.vector_load %arg7[%get3A_977] {strides = array<i32>} : memref<2048xf32, #tpu.memory_space<vmem>>, vector<16xf32>,
      %get3A_979 = vector.shape_cast %get3A_978 : vector<16xf32> to vector<16xf32>
      %add3A_980 = arith.constant 64 : i32
      %add3A_981 = arith.addi %mul3A_906, %add3A_980 : i32
      %get3A_982 = arith.index_cast %add3A_981 : i32 to index
      %get3A_983 = tpu.vector_load %arg5[%get3A_982] {strides = array<i32>} : memref<65536xf32, #tpu.memory_space<vmem>>, vector<16xf32>,
      %get3A_984 = vector.shape_cast %get3A_983 : vector<16xf32> to vector<16xf32>
      %max3A_985 = arith.maximumf %get3A_979, %get3A_984 : vector<16xf32>
      %add3A_986 = arith.constant 64 : i32
      %add3A_987 = arith.addi %mul3A_900, %add3A_986 : i32
      %swap3A_988 = arith.index_cast %add3A_987 : i32 to index
      %swap3A_989 = tpu.vector_load %arg7[%swap3A_988] {strides = array<i32>} : memref<2048xf32, #tpu.memory_space<vmem>>, vector<16xf32>,
      %swap3A_990 = vector.shape_cast %swap3A_989 : vector<16xf32> to vector<16xf32>
      %swap3A_991 = vector.shape_cast %max3A_985 : vector<16xf32> to vector<16xf32>
      tpu.vector_store %arg7[%swap3A_988], %swap3A_991 {strides = array<i32>} : memref<2048xf32, #tpu.memory_space<vmem>>, vector<16xf32>,
      %add3A_992 = arith.constant 80 : i32
      %add3A_993 = arith.addi %mul3A_900, %add3A_992 : i32
      %get3A_994 = arith.index_cast %add3A_993 : i32 to index
      %get3A_995 = tpu.vector_load %arg7[%get3A_994] {strides = array<i32>} : memref<2048xf32, #tpu.memory_space<vmem>>, vector<16xf32>,
      %get3A_996 = vector.shape_cast %get3A_995 : vector<16xf32> to vector<16xf32>
      %add3A_997 = arith.constant 80 : i32
      %add3A_998 = arith.addi %mul3A_906, %add3A_997 : i32
      %get3A_999 = arith.index_cast %add3A_998 : i32 to index
      %get3A_1000 = tpu.vector_load %arg5[%get3A_999] {strides = array<i32>} : memref<65536xf32, #tpu.memory_space<vmem>>, vector<16xf32>,
      %get3A_1001 = vector.shape_cast %get3A_1000 : vector<16xf32> to vector<16xf32>
      %max3A_1002 = arith.maximumf %get3A_996, %get3A_1001 : vector<16xf32>
      %add3A_1003 = arith.constant 80 : i32
      %add3A_1004 = arith.addi %mul3A_900, %add3A_1003 : i32
      %swap3A_1005 = arith.index_cast %add3A_1004 : i32 to index
      %swap3A_1006 = tpu.vector_load %arg7[%swap3A_1005] {strides = array<i32>} : memref<2048xf32, #tpu.memory_space<vmem>>, vector<16xf32>,
      %swap3A_1007 = vector.shape_cast %swap3A_1006 : vector<16xf32> to vector<16xf32>
      %swap3A_1008 = vector.shape_cast %max3A_1002 : vector<16xf32> to vector<16xf32>
      tpu.vector_store %arg7[%swap3A_1005], %swap3A_1008 {strides = array<i32>} : memref<2048xf32, #tpu.memory_space<vmem>>, vector<16xf32>,
      %add3A_1009 = arith.constant 96 : i32
      %add3A_1010 = arith.addi %mul3A_900, %add3A_1009 : i32
      %get3A_1011 = arith.index_cast %add3A_1010 : i32 to index
      %get3A_1012 = tpu.vector_load %arg7[%get3A_1011] {strides = array<i32>} : memref<2048xf32, #tpu.memory_space<vmem>>, vector<16xf32>,
      %get3A_1013 = vector.shape_cast %get3A_1012 : vector<16xf32> to vector<16xf32>
      %add3A_1014 = arith.constant 96 : i32
      %add3A_1015 = arith.addi %mul3A_906, %add3A_1014 : i32
      %get3A_1016 = arith.index_cast %add3A_1015 : i32 to index
      %get3A_1017 = tpu.vector_load %arg5[%get3A_1016] {strides = array<i32>} : memref<65536xf32, #tpu.memory_space<vmem>>, vector<16xf32>,
      %get3A_1018 = vector.shape_cast %get3A_1017 : vector<16xf32> to vector<16xf32>
      %max3A_1019 = arith.maximumf %get3A_1013, %get3A_1018 : vector<16xf32>
      %add3A_1020 = arith.constant 96 : i32
      %add3A_1021 = arith.addi %mul3A_900, %add3A_1020 : i32
      %swap3A_1022 = arith.index_cast %add3A_1021 : i32 to index
      %swap3A_1023 = tpu.vector_load %arg7[%swap3A_1022] {strides = array<i32>} : memref<2048xf32, #tpu.memory_space<vmem>>, vector<16xf32>,
      %swap3A_1024 = vector.shape_cast %swap3A_1023 : vector<16xf32> to vector<16xf32>
      %swap3A_1025 = vector.shape_cast %max3A_1019 : vector<16xf32> to vector<16xf32>
      tpu.vector_store %arg7[%swap3A_1022], %swap3A_1025 {strides = array<i32>} : memref<2048xf32, #tpu.memory_space<vmem>>, vector<16xf32>,
      %add3A_1026 = arith.constant 112 : i32
      %add3A_1027 = arith.addi %mul3A_900, %add3A_1026 : i32
      %get3A_1028 = arith.index_cast %add3A_1027 : i32 to index
      %get3A_1029 = tpu.vector_load %arg7[%get3A_1028] {strides = array<i32>} : memref<2048xf32, #tpu.memory_space<vmem>>, vector<16xf32>,
      %get3A_1030 = vector.shape_cast %get3A_1029 : vector<16xf32> to vector<16xf32>
      %add3A_1031 = arith.constant 112 : i32
      %add3A_1032 = arith.addi %mul3A_906, %add3A_1031 : i32
      %get3A_1033 = arith.index_cast %add3A_1032 : i32 to index
      %get3A_1034 = tpu.vector_load %arg5[%get3A_1033] {strides = array<i32>} : memref<65536xf32, #tpu.memory_space<vmem>>, vector<16xf32>,
      %get3A_1035 = vector.shape_cast %get3A_1034 : vector<16xf32> to vector<16xf32>
      %max3A_1036 = arith.maximumf %get3A_1030, %get3A_1035 : vector<16xf32>
      %add3A_1037 = arith.constant 112 : i32
      %add3A_1038 = arith.addi %mul3A_900, %add3A_1037 : i32
      %swap3A_1039 = arith.index_cast %add3A_1038 : i32 to index
      %swap3A_1040 = tpu.vector_load %arg7[%swap3A_1039] {strides = array<i32>} : memref<2048xf32, #tpu.memory_space<vmem>>, vector<16xf32>,
      %swap3A_1041 = vector.shape_cast %swap3A_1040 : vector<16xf32> to vector<16xf32>
      %swap3A_1042 = vector.shape_cast %max3A_1036 : vector<16xf32> to vector<16xf32>
      tpu.vector_store %arg7[%swap3A_1039], %swap3A_1042 {strides = array<i32>} : memref<2048xf32, #tpu.memory_space<vmem>>, vector<16xf32>,
      %slice3A_1043 = vector.extract_strided_slice %get3A_24 {offsets = [7], sizes = [1], strides = [1]} : vector<16xi32> to vector<1xi32>
      %squeeze3A_1044 = vector.extract %slice3A_1043[0] : i32 from vector<1xi32>
      %mul3A_1045 = arith.constant 128 : i32
      %mul3A_1046 = arith.muli %squeeze3A_1044, %mul3A_1045 : i32
      %mul3A_1047 = arith.constant 16 : i32
      %mul3A_1048 = arith.muli %scan3A_20, %mul3A_1047 : i32
      %add3A_1049 = arith.constant 7 : i32
      %add3A_1050 = arith.addi %mul3A_1048, %add3A_1049 : i32
      %mul3A_1051 = arith.constant 128 : i32
      %mul3A_1052 = arith.muli %add3A_1050, %mul3A_1051 : i32
      %add3A_1053 = arith.constant 0 : i32
      %add3A_1054 = arith.addi %mul3A_1046, %add3A_1053 : i32
      %get3A_1055 = arith.index_cast %add3A_1054 : i32 to index
      %get3A_1056 = tpu.vector_load %arg7[%get3A_1055] {strides = array<i32>} : memref<2048xf32, #tpu.memory_space<vmem>>, vector<16xf32>,
      %get3A_1057 = vector.shape_cast %get3A_1056 : vector<16xf32> to vector<16xf32>
      %add3A_1058 = arith.constant 0 : i32
      %add3A_1059 = arith.addi %mul3A_1052, %add3A_1058 : i32
      %get3A_1060 = arith.index_cast %add3A_1059 : i32 to index
      %get3A_1061 = tpu.vector_load %arg5[%get3A_1060] {strides = array<i32>} : memref<65536xf32, #tpu.memory_space<vmem>>, vector<16xf32>,
      %get3A_1062 = vector.shape_cast %get3A_1061 : vector<16xf32> to vector<16xf32>
      %max3A_1063 = arith.maximumf %get3A_1057, %get3A_1062 : vector<16xf32>
      %add3A_1064 = arith.constant 0 : i32
      %add3A_1065 = arith.addi %mul3A_1046, %add3A_1064 : i32
      %swap3A_1066 = arith.index_cast %add3A_1065 : i32 to index
      %swap3A_1067 = tpu.vector_load %arg7[%swap3A_1066] {strides = array<i32>} : memref<2048xf32, #tpu.memory_space<vmem>>, vector<16xf32>,
      %swap3A_1068 = vector.shape_cast %swap3A_1067 : vector<16xf32> to vector<16xf32>
      %swap3A_1069 = vector.shape_cast %max3A_1063 : vector<16xf32> to vector<16xf32>
      tpu.vector_store %arg7[%swap3A_1066], %swap3A_1069 {strides = array<i32>} : memref<2048xf32, #tpu.memory_space<vmem>>, vector<16xf32>,
      %add3A_1070 = arith.constant 16 : i32
      %add3A_1071 = arith.addi %mul3A_1046, %add3A_1070 : i32
      %get3A_1072 = arith.index_cast %add3A_1071 : i32 to index
      %get3A_1073 = tpu.vector_load %arg7[%get3A_1072] {strides = array<i32>} : memref<2048xf32, #tpu.memory_space<vmem>>, vector<16xf32>,
      %get3A_1074 = vector.shape_cast %get3A_1073 : vector<16xf32> to vector<16xf32>
      %add3A_1075 = arith.constant 16 : i32
      %add3A_1076 = arith.addi %mul3A_1052, %add3A_1075 : i32
      %get3A_1077 = arith.index_cast %add3A_1076 : i32 to index
      %get3A_1078 = tpu.vector_load %arg5[%get3A_1077] {strides = array<i32>} : memref<65536xf32, #tpu.memory_space<vmem>>, vector<16xf32>,
      %get3A_1079 = vector.shape_cast %get3A_1078 : vector<16xf32> to vector<16xf32>
      %max3A_1080 = arith.maximumf %get3A_1074, %get3A_1079 : vector<16xf32>
      %add3A_1081 = arith.constant 16 : i32
      %add3A_1082 = arith.addi %mul3A_1046, %add3A_1081 : i32
      %swap3A_1083 = arith.index_cast %add3A_1082 : i32 to index
      %swap3A_1084 = tpu.vector_load %arg7[%swap3A_1083] {strides = array<i32>} : memref<2048xf32, #tpu.memory_space<vmem>>, vector<16xf32>,
      %swap3A_1085 = vector.shape_cast %swap3A_1084 : vector<16xf32> to vector<16xf32>
      %swap3A_1086 = vector.shape_cast %max3A_1080 : vector<16xf32> to vector<16xf32>
      tpu.vector_store %arg7[%swap3A_1083], %swap3A_1086 {strides = array<i32>} : memref<2048xf32, #tpu.memory_space<vmem>>, vector<16xf32>,
      %add3A_1087 = arith.constant 32 : i32
      %add3A_1088 = arith.addi %mul3A_1046, %add3A_1087 : i32
      %get3A_1089 = arith.index_cast %add3A_1088 : i32 to index
      %get3A_1090 = tpu.vector_load %arg7[%get3A_1089] {strides = array<i32>} : memref<2048xf32, #tpu.memory_space<vmem>>, vector<16xf32>,
      %get3A_1091 = vector.shape_cast %get3A_1090 : vector<16xf32> to vector<16xf32>
      %add3A_1092 = arith.constant 32 : i32
      %add3A_1093 = arith.addi %mul3A_1052, %add3A_1092 : i32
      %get3A_1094 = arith.index_cast %add3A_1093 : i32 to index
      %get3A_1095 = tpu.vector_load %arg5[%get3A_1094] {strides = array<i32>} : memref<65536xf32, #tpu.memory_space<vmem>>, vector<16xf32>,
      %get3A_1096 = vector.shape_cast %get3A_1095 : vector<16xf32> to vector<16xf32>
      %max3A_1097 = arith.maximumf %get3A_1091, %get3A_1096 : vector<16xf32>
      %add3A_1098 = arith.constant 32 : i32
      %add3A_1099 = arith.addi %mul3A_1046, %add3A_1098 : i32
      %swap3A_1100 = arith.index_cast %add3A_1099 : i32 to index
      %swap3A_1101 = tpu.vector_load %arg7[%swap3A_1100] {strides = array<i32>} : memref<2048xf32, #tpu.memory_space<vmem>>, vector<16xf32>,
      %swap3A_1102 = vector.shape_cast %swap3A_1101 : vector<16xf32> to vector<16xf32>
      %swap3A_1103 = vector.shape_cast %max3A_1097 : vector<16xf32> to vector<16xf32>
      tpu.vector_store %arg7[%swap3A_1100], %swap3A_1103 {strides = array<i32>} : memref<2048xf32, #tpu.memory_space<vmem>>, vector<16xf32>,
      %add3A_1104 = arith.constant 48 : i32
      %add3A_1105 = arith.addi %mul3A_1046, %add3A_1104 : i32
      %get3A_1106 = arith.index_cast %add3A_1105 : i32 to index
      %get3A_1107 = tpu.vector_load %arg7[%get3A_1106] {strides = array<i32>} : memref<2048xf32, #tpu.memory_space<vmem>>, vector<16xf32>,
      %get3A_1108 = vector.shape_cast %get3A_1107 : vector<16xf32> to vector<16xf32>
      %add3A_1109 = arith.constant 48 : i32
      %add3A_1110 = arith.addi %mul3A_1052, %add3A_1109 : i32
      %get3A_1111 = arith.index_cast %add3A_1110 : i32 to index
      %get3A_1112 = tpu.vector_load %arg5[%get3A_1111] {strides = array<i32>} : memref<65536xf32, #tpu.memory_space<vmem>>, vector<16xf32>,
      %get3A_1113 = vector.shape_cast %get3A_1112 : vector<16xf32> to vector<16xf32>
      %max3A_1114 = arith.maximumf %get3A_1108, %get3A_1113 : vector<16xf32>
      %add3A_1115 = arith.constant 48 : i32
      %add3A_1116 = arith.addi %mul3A_1046, %add3A_1115 : i32
      %swap3A_1117 = arith.index_cast %add3A_1116 : i32 to index
      %swap3A_1118 = tpu.vector_load %arg7[%swap3A_1117] {strides = array<i32>} : memref<2048xf32, #tpu.memory_space<vmem>>, vector<16xf32>,
      %swap3A_1119 = vector.shape_cast %swap3A_1118 : vector<16xf32> to vector<16xf32>
      %swap3A_1120 = vector.shape_cast %max3A_1114 : vector<16xf32> to vector<16xf32>
      tpu.vector_store %arg7[%swap3A_1117], %swap3A_1120 {strides = array<i32>} : memref<2048xf32, #tpu.memory_space<vmem>>, vector<16xf32>,
      %add3A_1121 = arith.constant 64 : i32
      %add3A_1122 = arith.addi %mul3A_1046, %add3A_1121 : i32
      %get3A_1123 = arith.index_cast %add3A_1122 : i32 to index
      %get3A_1124 = tpu.vector_load %arg7[%get3A_1123] {strides = array<i32>} : memref<2048xf32, #tpu.memory_space<vmem>>, vector<16xf32>,
      %get3A_1125 = vector.shape_cast %get3A_1124 : vector<16xf32> to vector<16xf32>
      %add3A_1126 = arith.constant 64 : i32
      %add3A_1127 = arith.addi %mul3A_1052, %add3A_1126 : i32
      %get3A_1128 = arith.index_cast %add3A_1127 : i32 to index
      %get3A_1129 = tpu.vector_load %arg5[%get3A_1128] {strides = array<i32>} : memref<65536xf32, #tpu.memory_space<vmem>>, vector<16xf32>,
      %get3A_1130 = vector.shape_cast %get3A_1129 : vector<16xf32> to vector<16xf32>
      %max3A_1131 = arith.maximumf %get3A_1125, %get3A_1130 : vector<16xf32>
      %add3A_1132 = arith.constant 64 : i32
      %add3A_1133 = arith.addi %mul3A_1046, %add3A_1132 : i32
      %swap3A_1134 = arith.index_cast %add3A_1133 : i32 to index
      %swap3A_1135 = tpu.vector_load %arg7[%swap3A_1134] {strides = array<i32>} : memref<2048xf32, #tpu.memory_space<vmem>>, vector<16xf32>,
      %swap3A_1136 = vector.shape_cast %swap3A_1135 : vector<16xf32> to vector<16xf32>
      %swap3A_1137 = vector.shape_cast %max3A_1131 : vector<16xf32> to vector<16xf32>
      tpu.vector_store %arg7[%swap3A_1134], %swap3A_1137 {strides = array<i32>} : memref<2048xf32, #tpu.memory_space<vmem>>, vector<16xf32>,
      %add3A_1138 = arith.constant 80 : i32
      %add3A_1139 = arith.addi %mul3A_1046, %add3A_1138 : i32
      %get3A_1140 = arith.index_cast %add3A_1139 : i32 to index
      %get3A_1141 = tpu.vector_load %arg7[%get3A_1140] {strides = array<i32>} : memref<2048xf32, #tpu.memory_space<vmem>>, vector<16xf32>,
      %get3A_1142 = vector.shape_cast %get3A_1141 : vector<16xf32> to vector<16xf32>
      %add3A_1143 = arith.constant 80 : i32
      %add3A_1144 = arith.addi %mul3A_1052, %add3A_1143 : i32
      %get3A_1145 = arith.index_cast %add3A_1144 : i32 to index
      %get3A_1146 = tpu.vector_load %arg5[%get3A_1145] {strides = array<i32>} : memref<65536xf32, #tpu.memory_space<vmem>>, vector<16xf32>,
      %get3A_1147 = vector.shape_cast %get3A_1146 : vector<16xf32> to vector<16xf32>
      %max3A_1148 = arith.maximumf %get3A_1142, %get3A_1147 : vector<16xf32>
      %add3A_1149 = arith.constant 80 : i32
      %add3A_1150 = arith.addi %mul3A_1046, %add3A_1149 : i32
      %swap3A_1151 = arith.index_cast %add3A_1150 : i32 to index
      %swap3A_1152 = tpu.vector_load %arg7[%swap3A_1151] {strides = array<i32>} : memref<2048xf32, #tpu.memory_space<vmem>>, vector<16xf32>,
      %swap3A_1153 = vector.shape_cast %swap3A_1152 : vector<16xf32> to vector<16xf32>
      %swap3A_1154 = vector.shape_cast %max3A_1148 : vector<16xf32> to vector<16xf32>
      tpu.vector_store %arg7[%swap3A_1151], %swap3A_1154 {strides = array<i32>} : memref<2048xf32, #tpu.memory_space<vmem>>, vector<16xf32>,
      %add3A_1155 = arith.constant 96 : i32
      %add3A_1156 = arith.addi %mul3A_1046, %add3A_1155 : i32
      %get3A_1157 = arith.index_cast %add3A_1156 : i32 to index
      %get3A_1158 = tpu.vector_load %arg7[%get3A_1157] {strides = array<i32>} : memref<2048xf32, #tpu.memory_space<vmem>>, vector<16xf32>,
      %get3A_1159 = vector.shape_cast %get3A_1158 : vector<16xf32> to vector<16xf32>
      %add3A_1160 = arith.constant 96 : i32
      %add3A_1161 = arith.addi %mul3A_1052, %add3A_1160 : i32
      %get3A_1162 = arith.index_cast %add3A_1161 : i32 to index
      %get3A_1163 = tpu.vector_load %arg5[%get3A_1162] {strides = array<i32>} : memref<65536xf32, #tpu.memory_space<vmem>>, vector<16xf32>,
      %get3A_1164 = vector.shape_cast %get3A_1163 : vector<16xf32> to vector<16xf32>
      %max3A_1165 = arith.maximumf %get3A_1159, %get3A_1164 : vector<16xf32>
      %add3A_1166 = arith.constant 96 : i32
      %add3A_1167 = arith.addi %mul3A_1046, %add3A_1166 : i32
      %swap3A_1168 = arith.index_cast %add3A_1167 : i32 to index
      %swap3A_1169 = tpu.vector_load %arg7[%swap3A_1168] {strides = array<i32>} : memref<2048xf32, #tpu.memory_space<vmem>>, vector<16xf32>,
      %swap3A_1170 = vector.shape_cast %swap3A_1169 : vector<16xf32> to vector<16xf32>
      %swap3A_1171 = vector.shape_cast %max3A_1165 : vector<16xf32> to vector<16xf32>
      tpu.vector_store %arg7[%swap3A_1168], %swap3A_1171 {strides = array<i32>} : memref<2048xf32, #tpu.memory_space<vmem>>, vector<16xf32>,
      %add3A_1172 = arith.constant 112 : i32
      %add3A_1173 = arith.addi %mul3A_1046, %add3A_1172 : i32
      %get3A_1174 = arith.index_cast %add3A_1173 : i32 to index
      %get3A_1175 = tpu.vector_load %arg7[%get3A_1174] {strides = array<i32>} : memref<2048xf32, #tpu.memory_space<vmem>>, vector<16xf32>,
      %get3A_1176 = vector.shape_cast %get3A_1175 : vector<16xf32> to vector<16xf32>
      %add3A_1177 = arith.constant 112 : i32
      %add3A_1178 = arith.addi %mul3A_1052, %add3A_1177 : i32
      %get3A_1179 = arith.index_cast %add3A_1178 : i32 to index
      %get3A_1180 = tpu.vector_load %arg5[%get3A_1179] {strides = array<i32>} : memref<65536xf32, #tpu.memory_space<vmem>>, vector<16xf32>,
      %get3A_1181 = vector.shape_cast %get3A_1180 : vector<16xf32> to vector<16xf32>
      %max3A_1182 = arith.maximumf %get3A_1176, %get3A_1181 : vector<16xf32>
      %add3A_1183 = arith.constant 112 : i32
      %add3A_1184 = arith.addi %mul3A_1046, %add3A_1183 : i32
      %swap3A_1185 = arith.index_cast %add3A_1184 : i32 to index
      %swap3A_1186 = tpu.vector_load %arg7[%swap3A_1185] {strides = array<i32>} : memref<2048xf32, #tpu.memory_space<vmem>>, vector<16xf32>,
      %swap3A_1187 = vector.shape_cast %swap3A_1186 : vector<16xf32> to vector<16xf32>
      %swap3A_1188 = vector.shape_cast %max3A_1182 : vector<16xf32> to vector<16xf32>
      tpu.vector_store %arg7[%swap3A_1185], %swap3A_1188 {strides = array<i32>} : memref<2048xf32, #tpu.memory_space<vmem>>, vector<16xf32>,
      %slice3A_1189 = vector.extract_strided_slice %get3A_24 {offsets = [8], sizes = [1], strides = [1]} : vector<16xi32> to vector<1xi32>
      %squeeze3A_1190 = vector.extract %slice3A_1189[0] : i32 from vector<1xi32>
      %mul3A_1191 = arith.constant 128 : i32
      %mul3A_1192 = arith.muli %squeeze3A_1190, %mul3A_1191 : i32
      %mul3A_1193 = arith.constant 16 : i32
      %mul3A_1194 = arith.muli %scan3A_20, %mul3A_1193 : i32
      %add3A_1195 = arith.constant 8 : i32
      %add3A_1196 = arith.addi %mul3A_1194, %add3A_1195 : i32
      %mul3A_1197 = arith.constant 128 : i32
      %mul3A_1198 = arith.muli %add3A_1196, %mul3A_1197 : i32
      %add3A_1199 = arith.constant 0 : i32
      %add3A_1200 = arith.addi %mul3A_1192, %add3A_1199 : i32
      %get3A_1201 = arith.index_cast %add3A_1200 : i32 to index
      %get3A_1202 = tpu.vector_load %arg7[%get3A_1201] {strides = array<i32>} : memref<2048xf32, #tpu.memory_space<vmem>>, vector<16xf32>,
      %get3A_1203 = vector.shape_cast %get3A_1202 : vector<16xf32> to vector<16xf32>
      %add3A_1204 = arith.constant 0 : i32
      %add3A_1205 = arith.addi %mul3A_1198, %add3A_1204 : i32
      %get3A_1206 = arith.index_cast %add3A_1205 : i32 to index
      %get3A_1207 = tpu.vector_load %arg5[%get3A_1206] {strides = array<i32>} : memref<65536xf32, #tpu.memory_space<vmem>>, vector<16xf32>,
      %get3A_1208 = vector.shape_cast %get3A_1207 : vector<16xf32> to vector<16xf32>
      %max3A_1209 = arith.maximumf %get3A_1203, %get3A_1208 : vector<16xf32>
      %add3A_1210 = arith.constant 0 : i32
      %add3A_1211 = arith.addi %mul3A_1192, %add3A_1210 : i32
      %swap3A_1212 = arith.index_cast %add3A_1211 : i32 to index
      %swap3A_1213 = tpu.vector_load %arg7[%swap3A_1212] {strides = array<i32>} : memref<2048xf32, #tpu.memory_space<vmem>>, vector<16xf32>,
      %swap3A_1214 = vector.shape_cast %swap3A_1213 : vector<16xf32> to vector<16xf32>
      %swap3A_1215 = vector.shape_cast %max3A_1209 : vector<16xf32> to vector<16xf32>
      tpu.vector_store %arg7[%swap3A_1212], %swap3A_1215 {strides = array<i32>} : memref<2048xf32, #tpu.memory_space<vmem>>, vector<16xf32>,
      %add3A_1216 = arith.constant 16 : i32
      %add3A_1217 = arith.addi %mul3A_1192, %add3A_1216 : i32
      %get3A_1218 = arith.index_cast %add3A_1217 : i32 to index
      %get3A_1219 = tpu.vector_load %arg7[%get3A_1218] {strides = array<i32>} : memref<2048xf32, #tpu.memory_space<vmem>>, vector<16xf32>,
      %get3A_1220 = vector.shape_cast %get3A_1219 : vector<16xf32> to vector<16xf32>
      %add3A_1221 = arith.constant 16 : i32
      %add3A_1222 = arith.addi %mul3A_1198, %add3A_1221 : i32
      %get3A_1223 = arith.index_cast %add3A_1222 : i32 to index
      %get3A_1224 = tpu.vector_load %arg5[%get3A_1223] {strides = array<i32>} : memref<65536xf32, #tpu.memory_space<vmem>>, vector<16xf32>,
      %get3A_1225 = vector.shape_cast %get3A_1224 : vector<16xf32> to vector<16xf32>
      %max3A_1226 = arith.maximumf %get3A_1220, %get3A_1225 : vector<16xf32>
      %add3A_1227 = arith.constant 16 : i32
      %add3A_1228 = arith.addi %mul3A_1192, %add3A_1227 : i32
      %swap3A_1229 = arith.index_cast %add3A_1228 : i32 to index
      %swap3A_1230 = tpu.vector_load %arg7[%swap3A_1229] {strides = array<i32>} : memref<2048xf32, #tpu.memory_space<vmem>>, vector<16xf32>,
      %swap3A_1231 = vector.shape_cast %swap3A_1230 : vector<16xf32> to vector<16xf32>
      %swap3A_1232 = vector.shape_cast %max3A_1226 : vector<16xf32> to vector<16xf32>
      tpu.vector_store %arg7[%swap3A_1229], %swap3A_1232 {strides = array<i32>} : memref<2048xf32, #tpu.memory_space<vmem>>, vector<16xf32>,
      %add3A_1233 = arith.constant 32 : i32
      %add3A_1234 = arith.addi %mul3A_1192, %add3A_1233 : i32
      %get3A_1235 = arith.index_cast %add3A_1234 : i32 to index
      %get3A_1236 = tpu.vector_load %arg7[%get3A_1235] {strides = array<i32>} : memref<2048xf32, #tpu.memory_space<vmem>>, vector<16xf32>,
      %get3A_1237 = vector.shape_cast %get3A_1236 : vector<16xf32> to vector<16xf32>
      %add3A_1238 = arith.constant 32 : i32
      %add3A_1239 = arith.addi %mul3A_1198, %add3A_1238 : i32
      %get3A_1240 = arith.index_cast %add3A_1239 : i32 to index
      %get3A_1241 = tpu.vector_load %arg5[%get3A_1240] {strides = array<i32>} : memref<65536xf32, #tpu.memory_space<vmem>>, vector<16xf32>,
      %get3A_1242 = vector.shape_cast %get3A_1241 : vector<16xf32> to vector<16xf32>
      %max3A_1243 = arith.maximumf %get3A_1237, %get3A_1242 : vector<16xf32>
      %add3A_1244 = arith.constant 32 : i32
      %add3A_1245 = arith.addi %mul3A_1192, %add3A_1244 : i32
      %swap3A_1246 = arith.index_cast %add3A_1245 : i32 to index
      %swap3A_1247 = tpu.vector_load %arg7[%swap3A_1246] {strides = array<i32>} : memref<2048xf32, #tpu.memory_space<vmem>>, vector<16xf32>,
      %swap3A_1248 = vector.shape_cast %swap3A_1247 : vector<16xf32> to vector<16xf32>
      %swap3A_1249 = vector.shape_cast %max3A_1243 : vector<16xf32> to vector<16xf32>
      tpu.vector_store %arg7[%swap3A_1246], %swap3A_1249 {strides = array<i32>} : memref<2048xf32, #tpu.memory_space<vmem>>, vector<16xf32>,
      %add3A_1250 = arith.constant 48 : i32
      %add3A_1251 = arith.addi %mul3A_1192, %add3A_1250 : i32
      %get3A_1252 = arith.index_cast %add3A_1251 : i32 to index
      %get3A_1253 = tpu.vector_load %arg7[%get3A_1252] {strides = array<i32>} : memref<2048xf32, #tpu.memory_space<vmem>>, vector<16xf32>,
      %get3A_1254 = vector.shape_cast %get3A_1253 : vector<16xf32> to vector<16xf32>
      %add3A_1255 = arith.constant 48 : i32
      %add3A_1256 = arith.addi %mul3A_1198, %add3A_1255 : i32
      %get3A_1257 = arith.index_cast %add3A_1256 : i32 to index
      %get3A_1258 = tpu.vector_load %arg5[%get3A_1257] {strides = array<i32>} : memref<65536xf32, #tpu.memory_space<vmem>>, vector<16xf32>,
      %get3A_1259 = vector.shape_cast %get3A_1258 : vector<16xf32> to vector<16xf32>
      %max3A_1260 = arith.maximumf %get3A_1254, %get3A_1259 : vector<16xf32>
      %add3A_1261 = arith.constant 48 : i32
      %add3A_1262 = arith.addi %mul3A_1192, %add3A_1261 : i32
      %swap3A_1263 = arith.index_cast %add3A_1262 : i32 to index
      %swap3A_1264 = tpu.vector_load %arg7[%swap3A_1263] {strides = array<i32>} : memref<2048xf32, #tpu.memory_space<vmem>>, vector<16xf32>,
      %swap3A_1265 = vector.shape_cast %swap3A_1264 : vector<16xf32> to vector<16xf32>
      %swap3A_1266 = vector.shape_cast %max3A_1260 : vector<16xf32> to vector<16xf32>
      tpu.vector_store %arg7[%swap3A_1263], %swap3A_1266 {strides = array<i32>} : memref<2048xf32, #tpu.memory_space<vmem>>, vector<16xf32>,
      %add3A_1267 = arith.constant 64 : i32
      %add3A_1268 = arith.addi %mul3A_1192, %add3A_1267 : i32
      %get3A_1269 = arith.index_cast %add3A_1268 : i32 to index
      %get3A_1270 = tpu.vector_load %arg7[%get3A_1269] {strides = array<i32>} : memref<2048xf32, #tpu.memory_space<vmem>>, vector<16xf32>,
      %get3A_1271 = vector.shape_cast %get3A_1270 : vector<16xf32> to vector<16xf32>
      %add3A_1272 = arith.constant 64 : i32
      %add3A_1273 = arith.addi %mul3A_1198, %add3A_1272 : i32
      %get3A_1274 = arith.index_cast %add3A_1273 : i32 to index
      %get3A_1275 = tpu.vector_load %arg5[%get3A_1274] {strides = array<i32>} : memref<65536xf32, #tpu.memory_space<vmem>>, vector<16xf32>,
      %get3A_1276 = vector.shape_cast %get3A_1275 : vector<16xf32> to vector<16xf32>
      %max3A_1277 = arith.maximumf %get3A_1271, %get3A_1276 : vector<16xf32>
      %add3A_1278 = arith.constant 64 : i32
      %add3A_1279 = arith.addi %mul3A_1192, %add3A_1278 : i32
      %swap3A_1280 = arith.index_cast %add3A_1279 : i32 to index
      %swap3A_1281 = tpu.vector_load %arg7[%swap3A_1280] {strides = array<i32>} : memref<2048xf32, #tpu.memory_space<vmem>>, vector<16xf32>,
      %swap3A_1282 = vector.shape_cast %swap3A_1281 : vector<16xf32> to vector<16xf32>
      %swap3A_1283 = vector.shape_cast %max3A_1277 : vector<16xf32> to vector<16xf32>
      tpu.vector_store %arg7[%swap3A_1280], %swap3A_1283 {strides = array<i32>} : memref<2048xf32, #tpu.memory_space<vmem>>, vector<16xf32>,
      %add3A_1284 = arith.constant 80 : i32
      %add3A_1285 = arith.addi %mul3A_1192, %add3A_1284 : i32
      %get3A_1286 = arith.index_cast %add3A_1285 : i32 to index
      %get3A_1287 = tpu.vector_load %arg7[%get3A_1286] {strides = array<i32>} : memref<2048xf32, #tpu.memory_space<vmem>>, vector<16xf32>,
      %get3A_1288 = vector.shape_cast %get3A_1287 : vector<16xf32> to vector<16xf32>
      %add3A_1289 = arith.constant 80 : i32
      %add3A_1290 = arith.addi %mul3A_1198, %add3A_1289 : i32
      %get3A_1291 = arith.index_cast %add3A_1290 : i32 to index
      %get3A_1292 = tpu.vector_load %arg5[%get3A_1291] {strides = array<i32>} : memref<65536xf32, #tpu.memory_space<vmem>>, vector<16xf32>,
      %get3A_1293 = vector.shape_cast %get3A_1292 : vector<16xf32> to vector<16xf32>
      %max3A_1294 = arith.maximumf %get3A_1288, %get3A_1293 : vector<16xf32>
      %add3A_1295 = arith.constant 80 : i32
      %add3A_1296 = arith.addi %mul3A_1192, %add3A_1295 : i32
      %swap3A_1297 = arith.index_cast %add3A_1296 : i32 to index
      %swap3A_1298 = tpu.vector_load %arg7[%swap3A_1297] {strides = array<i32>} : memref<2048xf32, #tpu.memory_space<vmem>>, vector<16xf32>,
      %swap3A_1299 = vector.shape_cast %swap3A_1298 : vector<16xf32> to vector<16xf32>
      %swap3A_1300 = vector.shape_cast %max3A_1294 : vector<16xf32> to vector<16xf32>
      tpu.vector_store %arg7[%swap3A_1297], %swap3A_1300 {strides = array<i32>} : memref<2048xf32, #tpu.memory_space<vmem>>, vector<16xf32>,
      %add3A_1301 = arith.constant 96 : i32
      %add3A_1302 = arith.addi %mul3A_1192, %add3A_1301 : i32
      %get3A_1303 = arith.index_cast %add3A_1302 : i32 to index
      %get3A_1304 = tpu.vector_load %arg7[%get3A_1303] {strides = array<i32>} : memref<2048xf32, #tpu.memory_space<vmem>>, vector<16xf32>,
      %get3A_1305 = vector.shape_cast %get3A_1304 : vector<16xf32> to vector<16xf32>
      %add3A_1306 = arith.constant 96 : i32
      %add3A_1307 = arith.addi %mul3A_1198, %add3A_1306 : i32
      %get3A_1308 = arith.index_cast %add3A_1307 : i32 to index
      %get3A_1309 = tpu.vector_load %arg5[%get3A_1308] {strides = array<i32>} : memref<65536xf32, #tpu.memory_space<vmem>>, vector<16xf32>,
      %get3A_1310 = vector.shape_cast %get3A_1309 : vector<16xf32> to vector<16xf32>
      %max3A_1311 = arith.maximumf %get3A_1305, %get3A_1310 : vector<16xf32>
      %add3A_1312 = arith.constant 96 : i32
      %add3A_1313 = arith.addi %mul3A_1192, %add3A_1312 : i32
      %swap3A_1314 = arith.index_cast %add3A_1313 : i32 to index
      %swap3A_1315 = tpu.vector_load %arg7[%swap3A_1314] {strides = array<i32>} : memref<2048xf32, #tpu.memory_space<vmem>>, vector<16xf32>,
      %swap3A_1316 = vector.shape_cast %swap3A_1315 : vector<16xf32> to vector<16xf32>
      %swap3A_1317 = vector.shape_cast %max3A_1311 : vector<16xf32> to vector<16xf32>
      tpu.vector_store %arg7[%swap3A_1314], %swap3A_1317 {strides = array<i32>} : memref<2048xf32, #tpu.memory_space<vmem>>, vector<16xf32>,
      %add3A_1318 = arith.constant 112 : i32
      %add3A_1319 = arith.addi %mul3A_1192, %add3A_1318 : i32
      %get3A_1320 = arith.index_cast %add3A_1319 : i32 to index
      %get3A_1321 = tpu.vector_load %arg7[%get3A_1320] {strides = array<i32>} : memref<2048xf32, #tpu.memory_space<vmem>>, vector<16xf32>,
      %get3A_1322 = vector.shape_cast %get3A_1321 : vector<16xf32> to vector<16xf32>
      %add3A_1323 = arith.constant 112 : i32
      %add3A_1324 = arith.addi %mul3A_1198, %add3A_1323 : i32
      %get3A_1325 = arith.index_cast %add3A_1324 : i32 to index
      %get3A_1326 = tpu.vector_load %arg5[%get3A_1325] {strides = array<i32>} : memref<65536xf32, #tpu.memory_space<vmem>>, vector<16xf32>,
      %get3A_1327 = vector.shape_cast %get3A_1326 : vector<16xf32> to vector<16xf32>
      %max3A_1328 = arith.maximumf %get3A_1322, %get3A_1327 : vector<16xf32>
      %add3A_1329 = arith.constant 112 : i32
      %add3A_1330 = arith.addi %mul3A_1192, %add3A_1329 : i32
      %swap3A_1331 = arith.index_cast %add3A_1330 : i32 to index
      %swap3A_1332 = tpu.vector_load %arg7[%swap3A_1331] {strides = array<i32>} : memref<2048xf32, #tpu.memory_space<vmem>>, vector<16xf32>,
      %swap3A_1333 = vector.shape_cast %swap3A_1332 : vector<16xf32> to vector<16xf32>
      %swap3A_1334 = vector.shape_cast %max3A_1328 : vector<16xf32> to vector<16xf32>
      tpu.vector_store %arg7[%swap3A_1331], %swap3A_1334 {strides = array<i32>} : memref<2048xf32, #tpu.memory_space<vmem>>, vector<16xf32>,
      %slice3A_1335 = vector.extract_strided_slice %get3A_24 {offsets = [9], sizes = [1], strides = [1]} : vector<16xi32> to vector<1xi32>
      %squeeze3A_1336 = vector.extract %slice3A_1335[0] : i32 from vector<1xi32>
      %mul3A_1337 = arith.constant 128 : i32
      %mul3A_1338 = arith.muli %squeeze3A_1336, %mul3A_1337 : i32
      %mul3A_1339 = arith.constant 16 : i32
      %mul3A_1340 = arith.muli %scan3A_20, %mul3A_1339 : i32
      %add3A_1341 = arith.constant 9 : i32
      %add3A_1342 = arith.addi %mul3A_1340, %add3A_1341 : i32
      %mul3A_1343 = arith.constant 128 : i32
      %mul3A_1344 = arith.muli %add3A_1342, %mul3A_1343 : i32
      %add3A_1345 = arith.constant 0 : i32
      %add3A_1346 = arith.addi %mul3A_1338, %add3A_1345 : i32
      %get3A_1347 = arith.index_cast %add3A_1346 : i32 to index
      %get3A_1348 = tpu.vector_load %arg7[%get3A_1347] {strides = array<i32>} : memref<2048xf32, #tpu.memory_space<vmem>>, vector<16xf32>,
      %get3A_1349 = vector.shape_cast %get3A_1348 : vector<16xf32> to vector<16xf32>
      %add3A_1350 = arith.constant 0 : i32
      %add3A_1351 = arith.addi %mul3A_1344, %add3A_1350 : i32
      %get3A_1352 = arith.index_cast %add3A_1351 : i32 to index
      %get3A_1353 = tpu.vector_load %arg5[%get3A_1352] {strides = array<i32>} : memref<65536xf32, #tpu.memory_space<vmem>>, vector<16xf32>,
      %get3A_1354 = vector.shape_cast %get3A_1353 : vector<16xf32> to vector<16xf32>
      %max3A_1355 = arith.maximumf %get3A_1349, %get3A_1354 : vector<16xf32>
      %add3A_1356 = arith.constant 0 : i32
      %add3A_1357 = arith.addi %mul3A_1338, %add3A_1356 : i32
      %swap3A_1358 = arith.index_cast %add3A_1357 : i32 to index
      %swap3A_1359 = tpu.vector_load %arg7[%swap3A_1358] {strides = array<i32>} : memref<2048xf32, #tpu.memory_space<vmem>>, vector<16xf32>,
      %swap3A_1360 = vector.shape_cast %swap3A_1359 : vector<16xf32> to vector<16xf32>
      %swap3A_1361 = vector.shape_cast %max3A_1355 : vector<16xf32> to vector<16xf32>
      tpu.vector_store %arg7[%swap3A_1358], %swap3A_1361 {strides = array<i32>} : memref<2048xf32, #tpu.memory_space<vmem>>, vector<16xf32>,
      %add3A_1362 = arith.constant 16 : i32
      %add3A_1363 = arith.addi %mul3A_1338, %add3A_1362 : i32
      %get3A_1364 = arith.index_cast %add3A_1363 : i32 to index
      %get3A_1365 = tpu.vector_load %arg7[%get3A_1364] {strides = array<i32>} : memref<2048xf32, #tpu.memory_space<vmem>>, vector<16xf32>,
      %get3A_1366 = vector.shape_cast %get3A_1365 : vector<16xf32> to vector<16xf32>
      %add3A_1367 = arith.constant 16 : i32
      %add3A_1368 = arith.addi %mul3A_1344, %add3A_1367 : i32
      %get3A_1369 = arith.index_cast %add3A_1368 : i32 to index
      %get3A_1370 = tpu.vector_load %arg5[%get3A_1369] {strides = array<i32>} : memref<65536xf32, #tpu.memory_space<vmem>>, vector<16xf32>,
      %get3A_1371 = vector.shape_cast %get3A_1370 : vector<16xf32> to vector<16xf32>
      %max3A_1372 = arith.maximumf %get3A_1366, %get3A_1371 : vector<16xf32>
      %add3A_1373 = arith.constant 16 : i32
      %add3A_1374 = arith.addi %mul3A_1338, %add3A_1373 : i32
      %swap3A_1375 = arith.index_cast %add3A_1374 : i32 to index
      %swap3A_1376 = tpu.vector_load %arg7[%swap3A_1375] {strides = array<i32>} : memref<2048xf32, #tpu.memory_space<vmem>>, vector<16xf32>,
      %swap3A_1377 = vector.shape_cast %swap3A_1376 : vector<16xf32> to vector<16xf32>
      %swap3A_1378 = vector.shape_cast %max3A_1372 : vector<16xf32> to vector<16xf32>
      tpu.vector_store %arg7[%swap3A_1375], %swap3A_1378 {strides = array<i32>} : memref<2048xf32, #tpu.memory_space<vmem>>, vector<16xf32>,
      %add3A_1379 = arith.constant 32 : i32
      %add3A_1380 = arith.addi %mul3A_1338, %add3A_1379 : i32
      %get3A_1381 = arith.index_cast %add3A_1380 : i32 to index
      %get3A_1382 = tpu.vector_load %arg7[%get3A_1381] {strides = array<i32>} : memref<2048xf32, #tpu.memory_space<vmem>>, vector<16xf32>,
      %get3A_1383 = vector.shape_cast %get3A_1382 : vector<16xf32> to vector<16xf32>
      %add3A_1384 = arith.constant 32 : i32
      %add3A_1385 = arith.addi %mul3A_1344, %add3A_1384 : i32
      %get3A_1386 = arith.index_cast %add3A_1385 : i32 to index
      %get3A_1387 = tpu.vector_load %arg5[%get3A_1386] {strides = array<i32>} : memref<65536xf32, #tpu.memory_space<vmem>>, vector<16xf32>,
      %get3A_1388 = vector.shape_cast %get3A_1387 : vector<16xf32> to vector<16xf32>
      %max3A_1389 = arith.maximumf %get3A_1383, %get3A_1388 : vector<16xf32>
      %add3A_1390 = arith.constant 32 : i32
      %add3A_1391 = arith.addi %mul3A_1338, %add3A_1390 : i32
      %swap3A_1392 = arith.index_cast %add3A_1391 : i32 to index
      %swap3A_1393 = tpu.vector_load %arg7[%swap3A_1392] {strides = array<i32>} : memref<2048xf32, #tpu.memory_space<vmem>>, vector<16xf32>,
      %swap3A_1394 = vector.shape_cast %swap3A_1393 : vector<16xf32> to vector<16xf32>
      %swap3A_1395 = vector.shape_cast %max3A_1389 : vector<16xf32> to vector<16xf32>
      tpu.vector_store %arg7[%swap3A_1392], %swap3A_1395 {strides = array<i32>} : memref<2048xf32, #tpu.memory_space<vmem>>, vector<16xf32>,
      %add3A_1396 = arith.constant 48 : i32
      %add3A_1397 = arith.addi %mul3A_1338, %add3A_1396 : i32
      %get3A_1398 = arith.index_cast %add3A_1397 : i32 to index
      %get3A_1399 = tpu.vector_load %arg7[%get3A_1398] {strides = array<i32>} : memref<2048xf32, #tpu.memory_space<vmem>>, vector<16xf32>,
      %get3A_1400 = vector.shape_cast %get3A_1399 : vector<16xf32> to vector<16xf32>
      %add3A_1401 = arith.constant 48 : i32
      %add3A_1402 = arith.addi %mul3A_1344, %add3A_1401 : i32
      %get3A_1403 = arith.index_cast %add3A_1402 : i32 to index
      %get3A_1404 = tpu.vector_load %arg5[%get3A_1403] {strides = array<i32>} : memref<65536xf32, #tpu.memory_space<vmem>>, vector<16xf32>,
      %get3A_1405 = vector.shape_cast %get3A_1404 : vector<16xf32> to vector<16xf32>
      %max3A_1406 = arith.maximumf %get3A_1400, %get3A_1405 : vector<16xf32>
      %add3A_1407 = arith.constant 48 : i32
      %add3A_1408 = arith.addi %mul3A_1338, %add3A_1407 : i32
      %swap3A_1409 = arith.index_cast %add3A_1408 : i32 to index
      %swap3A_1410 = tpu.vector_load %arg7[%swap3A_1409] {strides = array<i32>} : memref<2048xf32, #tpu.memory_space<vmem>>, vector<16xf32>,
      %swap3A_1411 = vector.shape_cast %swap3A_1410 : vector<16xf32> to vector<16xf32>
      %swap3A_1412 = vector.shape_cast %max3A_1406 : vector<16xf32> to vector<16xf32>
      tpu.vector_store %arg7[%swap3A_1409], %swap3A_1412 {strides = array<i32>} : memref<2048xf32, #tpu.memory_space<vmem>>, vector<16xf32>,
      %add3A_1413 = arith.constant 64 : i32
      %add3A_1414 = arith.addi %mul3A_1338, %add3A_1413 : i32
      %get3A_1415 = arith.index_cast %add3A_1414 : i32 to index
      %get3A_1416 = tpu.vector_load %arg7[%get3A_1415] {strides = array<i32>} : memref<2048xf32, #tpu.memory_space<vmem>>, vector<16xf32>,
      %get3A_1417 = vector.shape_cast %get3A_1416 : vector<16xf32> to vector<16xf32>
      %add3A_1418 = arith.constant 64 : i32
      %add3A_1419 = arith.addi %mul3A_1344, %add3A_1418 : i32
      %get3A_1420 = arith.index_cast %add3A_1419 : i32 to index
      %get3A_1421 = tpu.vector_load %arg5[%get3A_1420] {strides = array<i32>} : memref<65536xf32, #tpu.memory_space<vmem>>, vector<16xf32>,
      %get3A_1422 = vector.shape_cast %get3A_1421 : vector<16xf32> to vector<16xf32>
      %max3A_1423 = arith.maximumf %get3A_1417, %get3A_1422 : vector<16xf32>
      %add3A_1424 = arith.constant 64 : i32
      %add3A_1425 = arith.addi %mul3A_1338, %add3A_1424 : i32
      %swap3A_1426 = arith.index_cast %add3A_1425 : i32 to index
      %swap3A_1427 = tpu.vector_load %arg7[%swap3A_1426] {strides = array<i32>} : memref<2048xf32, #tpu.memory_space<vmem>>, vector<16xf32>,
      %swap3A_1428 = vector.shape_cast %swap3A_1427 : vector<16xf32> to vector<16xf32>
      %swap3A_1429 = vector.shape_cast %max3A_1423 : vector<16xf32> to vector<16xf32>
      tpu.vector_store %arg7[%swap3A_1426], %swap3A_1429 {strides = array<i32>} : memref<2048xf32, #tpu.memory_space<vmem>>, vector<16xf32>,
      %add3A_1430 = arith.constant 80 : i32
      %add3A_1431 = arith.addi %mul3A_1338, %add3A_1430 : i32
      %get3A_1432 = arith.index_cast %add3A_1431 : i32 to index
      %get3A_1433 = tpu.vector_load %arg7[%get3A_1432] {strides = array<i32>} : memref<2048xf32, #tpu.memory_space<vmem>>, vector<16xf32>,
      %get3A_1434 = vector.shape_cast %get3A_1433 : vector<16xf32> to vector<16xf32>
      %add3A_1435 = arith.constant 80 : i32
      %add3A_1436 = arith.addi %mul3A_1344, %add3A_1435 : i32
      %get3A_1437 = arith.index_cast %add3A_1436 : i32 to index
      %get3A_1438 = tpu.vector_load %arg5[%get3A_1437] {strides = array<i32>} : memref<65536xf32, #tpu.memory_space<vmem>>, vector<16xf32>,
      %get3A_1439 = vector.shape_cast %get3A_1438 : vector<16xf32> to vector<16xf32>
      %max3A_1440 = arith.maximumf %get3A_1434, %get3A_1439 : vector<16xf32>
      %add3A_1441 = arith.constant 80 : i32
      %add3A_1442 = arith.addi %mul3A_1338, %add3A_1441 : i32
      %swap3A_1443 = arith.index_cast %add3A_1442 : i32 to index
      %swap3A_1444 = tpu.vector_load %arg7[%swap3A_1443] {strides = array<i32>} : memref<2048xf32, #tpu.memory_space<vmem>>, vector<16xf32>,
      %swap3A_1445 = vector.shape_cast %swap3A_1444 : vector<16xf32> to vector<16xf32>
      %swap3A_1446 = vector.shape_cast %max3A_1440 : vector<16xf32> to vector<16xf32>
      tpu.vector_store %arg7[%swap3A_1443], %swap3A_1446 {strides = array<i32>} : memref<2048xf32, #tpu.memory_space<vmem>>, vector<16xf32>,
      %add3A_1447 = arith.constant 96 : i32
      %add3A_1448 = arith.addi %mul3A_1338, %add3A_1447 : i32
      %get3A_1449 = arith.index_cast %add3A_1448 : i32 to index
      %get3A_1450 = tpu.vector_load %arg7[%get3A_1449] {strides = array<i32>} : memref<2048xf32, #tpu.memory_space<vmem>>, vector<16xf32>,
      %get3A_1451 = vector.shape_cast %get3A_1450 : vector<16xf32> to vector<16xf32>
      %add3A_1452 = arith.constant 96 : i32
      %add3A_1453 = arith.addi %mul3A_1344, %add3A_1452 : i32
      %get3A_1454 = arith.index_cast %add3A_1453 : i32 to index
      %get3A_1455 = tpu.vector_load %arg5[%get3A_1454] {strides = array<i32>} : memref<65536xf32, #tpu.memory_space<vmem>>, vector<16xf32>,
      %get3A_1456 = vector.shape_cast %get3A_1455 : vector<16xf32> to vector<16xf32>
      %max3A_1457 = arith.maximumf %get3A_1451, %get3A_1456 : vector<16xf32>
      %add3A_1458 = arith.constant 96 : i32
      %add3A_1459 = arith.addi %mul3A_1338, %add3A_1458 : i32
      %swap3A_1460 = arith.index_cast %add3A_1459 : i32 to index
      %swap3A_1461 = tpu.vector_load %arg7[%swap3A_1460] {strides = array<i32>} : memref<2048xf32, #tpu.memory_space<vmem>>, vector<16xf32>,
      %swap3A_1462 = vector.shape_cast %swap3A_1461 : vector<16xf32> to vector<16xf32>
      %swap3A_1463 = vector.shape_cast %max3A_1457 : vector<16xf32> to vector<16xf32>
      tpu.vector_store %arg7[%swap3A_1460], %swap3A_1463 {strides = array<i32>} : memref<2048xf32, #tpu.memory_space<vmem>>, vector<16xf32>,
      %add3A_1464 = arith.constant 112 : i32
      %add3A_1465 = arith.addi %mul3A_1338, %add3A_1464 : i32
      %get3A_1466 = arith.index_cast %add3A_1465 : i32 to index
      %get3A_1467 = tpu.vector_load %arg7[%get3A_1466] {strides = array<i32>} : memref<2048xf32, #tpu.memory_space<vmem>>, vector<16xf32>,
      %get3A_1468 = vector.shape_cast %get3A_1467 : vector<16xf32> to vector<16xf32>
      %add3A_1469 = arith.constant 112 : i32
      %add3A_1470 = arith.addi %mul3A_1344, %add3A_1469 : i32
      %get3A_1471 = arith.index_cast %add3A_1470 : i32 to index
      %get3A_1472 = tpu.vector_load %arg5[%get3A_1471] {strides = array<i32>} : memref<65536xf32, #tpu.memory_space<vmem>>, vector<16xf32>,
      %get3A_1473 = vector.shape_cast %get3A_1472 : vector<16xf32> to vector<16xf32>
      %max3A_1474 = arith.maximumf %get3A_1468, %get3A_1473 : vector<16xf32>
      %add3A_1475 = arith.constant 112 : i32
      %add3A_1476 = arith.addi %mul3A_1338, %add3A_1475 : i32
      %swap3A_1477 = arith.index_cast %add3A_1476 : i32 to index
      %swap3A_1478 = tpu.vector_load %arg7[%swap3A_1477] {strides = array<i32>} : memref<2048xf32, #tpu.memory_space<vmem>>, vector<16xf32>,
      %swap3A_1479 = vector.shape_cast %swap3A_1478 : vector<16xf32> to vector<16xf32>
      %swap3A_1480 = vector.shape_cast %max3A_1474 : vector<16xf32> to vector<16xf32>
      tpu.vector_store %arg7[%swap3A_1477], %swap3A_1480 {strides = array<i32>} : memref<2048xf32, #tpu.memory_space<vmem>>, vector<16xf32>,
      %slice3A_1481 = vector.extract_strided_slice %get3A_24 {offsets = [10], sizes = [1], strides = [1]} : vector<16xi32> to vector<1xi32>
      %squeeze3A_1482 = vector.extract %slice3A_1481[0] : i32 from vector<1xi32>
      %mul3A_1483 = arith.constant 128 : i32
      %mul3A_1484 = arith.muli %squeeze3A_1482, %mul3A_1483 : i32
      %mul3A_1485 = arith.constant 16 : i32
      %mul3A_1486 = arith.muli %scan3A_20, %mul3A_1485 : i32
      %add3A_1487 = arith.constant 10 : i32
      %add3A_1488 = arith.addi %mul3A_1486, %add3A_1487 : i32
      %mul3A_1489 = arith.constant 128 : i32
      %mul3A_1490 = arith.muli %add3A_1488, %mul3A_1489 : i32
      %add3A_1491 = arith.constant 0 : i32
      %add3A_1492 = arith.addi %mul3A_1484, %add3A_1491 : i32
      %get3A_1493 = arith.index_cast %add3A_1492 : i32 to index
      %get3A_1494 = tpu.vector_load %arg7[%get3A_1493] {strides = array<i32>} : memref<2048xf32, #tpu.memory_space<vmem>>, vector<16xf32>,
      %get3A_1495 = vector.shape_cast %get3A_1494 : vector<16xf32> to vector<16xf32>
      %add3A_1496 = arith.constant 0 : i32
      %add3A_1497 = arith.addi %mul3A_1490, %add3A_1496 : i32
      %get3A_1498 = arith.index_cast %add3A_1497 : i32 to index
      %get3A_1499 = tpu.vector_load %arg5[%get3A_1498] {strides = array<i32>} : memref<65536xf32, #tpu.memory_space<vmem>>, vector<16xf32>,
      %get3A_1500 = vector.shape_cast %get3A_1499 : vector<16xf32> to vector<16xf32>
      %max3A_1501 = arith.maximumf %get3A_1495, %get3A_1500 : vector<16xf32>
      %add3A_1502 = arith.constant 0 : i32
      %add3A_1503 = arith.addi %mul3A_1484, %add3A_1502 : i32
      %swap3A_1504 = arith.index_cast %add3A_1503 : i32 to index
      %swap3A_1505 = tpu.vector_load %arg7[%swap3A_1504] {strides = array<i32>} : memref<2048xf32, #tpu.memory_space<vmem>>, vector<16xf32>,
      %swap3A_1506 = vector.shape_cast %swap3A_1505 : vector<16xf32> to vector<16xf32>
      %swap3A_1507 = vector.shape_cast %max3A_1501 : vector<16xf32> to vector<16xf32>
      tpu.vector_store %arg7[%swap3A_1504], %swap3A_1507 {strides = array<i32>} : memref<2048xf32, #tpu.memory_space<vmem>>, vector<16xf32>,
      %add3A_1508 = arith.constant 16 : i32
      %add3A_1509 = arith.addi %mul3A_1484, %add3A_1508 : i32
      %get3A_1510 = arith.index_cast %add3A_1509 : i32 to index
      %get3A_1511 = tpu.vector_load %arg7[%get3A_1510] {strides = array<i32>} : memref<2048xf32, #tpu.memory_space<vmem>>, vector<16xf32>,
      %get3A_1512 = vector.shape_cast %get3A_1511 : vector<16xf32> to vector<16xf32>
      %add3A_1513 = arith.constant 16 : i32
      %add3A_1514 = arith.addi %mul3A_1490, %add3A_1513 : i32
      %get3A_1515 = arith.index_cast %add3A_1514 : i32 to index
      %get3A_1516 = tpu.vector_load %arg5[%get3A_1515] {strides = array<i32>} : memref<65536xf32, #tpu.memory_space<vmem>>, vector<16xf32>,
      %get3A_1517 = vector.shape_cast %get3A_1516 : vector<16xf32> to vector<16xf32>
      %max3A_1518 = arith.maximumf %get3A_1512, %get3A_1517 : vector<16xf32>
      %add3A_1519 = arith.constant 16 : i32
      %add3A_1520 = arith.addi %mul3A_1484, %add3A_1519 : i32
      %swap3A_1521 = arith.index_cast %add3A_1520 : i32 to index
      %swap3A_1522 = tpu.vector_load %arg7[%swap3A_1521] {strides = array<i32>} : memref<2048xf32, #tpu.memory_space<vmem>>, vector<16xf32>,
      %swap3A_1523 = vector.shape_cast %swap3A_1522 : vector<16xf32> to vector<16xf32>
      %swap3A_1524 = vector.shape_cast %max3A_1518 : vector<16xf32> to vector<16xf32>
      tpu.vector_store %arg7[%swap3A_1521], %swap3A_1524 {strides = array<i32>} : memref<2048xf32, #tpu.memory_space<vmem>>, vector<16xf32>,
      %add3A_1525 = arith.constant 32 : i32
      %add3A_1526 = arith.addi %mul3A_1484, %add3A_1525 : i32
      %get3A_1527 = arith.index_cast %add3A_1526 : i32 to index
      %get3A_1528 = tpu.vector_load %arg7[%get3A_1527] {strides = array<i32>} : memref<2048xf32, #tpu.memory_space<vmem>>, vector<16xf32>,
      %get3A_1529 = vector.shape_cast %get3A_1528 : vector<16xf32> to vector<16xf32>
      %add3A_1530 = arith.constant 32 : i32
      %add3A_1531 = arith.addi %mul3A_1490, %add3A_1530 : i32
      %get3A_1532 = arith.index_cast %add3A_1531 : i32 to index
      %get3A_1533 = tpu.vector_load %arg5[%get3A_1532] {strides = array<i32>} : memref<65536xf32, #tpu.memory_space<vmem>>, vector<16xf32>,
      %get3A_1534 = vector.shape_cast %get3A_1533 : vector<16xf32> to vector<16xf32>
      %max3A_1535 = arith.maximumf %get3A_1529, %get3A_1534 : vector<16xf32>
      %add3A_1536 = arith.constant 32 : i32
      %add3A_1537 = arith.addi %mul3A_1484, %add3A_1536 : i32
      %swap3A_1538 = arith.index_cast %add3A_1537 : i32 to index
      %swap3A_1539 = tpu.vector_load %arg7[%swap3A_1538] {strides = array<i32>} : memref<2048xf32, #tpu.memory_space<vmem>>, vector<16xf32>,
      %swap3A_1540 = vector.shape_cast %swap3A_1539 : vector<16xf32> to vector<16xf32>
      %swap3A_1541 = vector.shape_cast %max3A_1535 : vector<16xf32> to vector<16xf32>
      tpu.vector_store %arg7[%swap3A_1538], %swap3A_1541 {strides = array<i32>} : memref<2048xf32, #tpu.memory_space<vmem>>, vector<16xf32>,
      %add3A_1542 = arith.constant 48 : i32
      %add3A_1543 = arith.addi %mul3A_1484, %add3A_1542 : i32
      %get3A_1544 = arith.index_cast %add3A_1543 : i32 to index
      %get3A_1545 = tpu.vector_load %arg7[%get3A_1544] {strides = array<i32>} : memref<2048xf32, #tpu.memory_space<vmem>>, vector<16xf32>,
      %get3A_1546 = vector.shape_cast %get3A_1545 : vector<16xf32> to vector<16xf32>
      %add3A_1547 = arith.constant 48 : i32
      %add3A_1548 = arith.addi %mul3A_1490, %add3A_1547 : i32
      %get3A_1549 = arith.index_cast %add3A_1548 : i32 to index
      %get3A_1550 = tpu.vector_load %arg5[%get3A_1549] {strides = array<i32>} : memref<65536xf32, #tpu.memory_space<vmem>>, vector<16xf32>,
      %get3A_1551 = vector.shape_cast %get3A_1550 : vector<16xf32> to vector<16xf32>
      %max3A_1552 = arith.maximumf %get3A_1546, %get3A_1551 : vector<16xf32>
      %add3A_1553 = arith.constant 48 : i32
      %add3A_1554 = arith.addi %mul3A_1484, %add3A_1553 : i32
      %swap3A_1555 = arith.index_cast %add3A_1554 : i32 to index
      %swap3A_1556 = tpu.vector_load %arg7[%swap3A_1555] {strides = array<i32>} : memref<2048xf32, #tpu.memory_space<vmem>>, vector<16xf32>,
      %swap3A_1557 = vector.shape_cast %swap3A_1556 : vector<16xf32> to vector<16xf32>
      %swap3A_1558 = vector.shape_cast %max3A_1552 : vector<16xf32> to vector<16xf32>
      tpu.vector_store %arg7[%swap3A_1555], %swap3A_1558 {strides = array<i32>} : memref<2048xf32, #tpu.memory_space<vmem>>, vector<16xf32>,
      %add3A_1559 = arith.constant 64 : i32
      %add3A_1560 = arith.addi %mul3A_1484, %add3A_1559 : i32
      %get3A_1561 = arith.index_cast %add3A_1560 : i32 to index
      %get3A_1562 = tpu.vector_load %arg7[%get3A_1561] {strides = array<i32>} : memref<2048xf32, #tpu.memory_space<vmem>>, vector<16xf32>,
      %get3A_1563 = vector.shape_cast %get3A_1562 : vector<16xf32> to vector<16xf32>
      %add3A_1564 = arith.constant 64 : i32
      %add3A_1565 = arith.addi %mul3A_1490, %add3A_1564 : i32
      %get3A_1566 = arith.index_cast %add3A_1565 : i32 to index
      %get3A_1567 = tpu.vector_load %arg5[%get3A_1566] {strides = array<i32>} : memref<65536xf32, #tpu.memory_space<vmem>>, vector<16xf32>,
      %get3A_1568 = vector.shape_cast %get3A_1567 : vector<16xf32> to vector<16xf32>
      %max3A_1569 = arith.maximumf %get3A_1563, %get3A_1568 : vector<16xf32>
      %add3A_1570 = arith.constant 64 : i32
      %add3A_1571 = arith.addi %mul3A_1484, %add3A_1570 : i32
      %swap3A_1572 = arith.index_cast %add3A_1571 : i32 to index
      %swap3A_1573 = tpu.vector_load %arg7[%swap3A_1572] {strides = array<i32>} : memref<2048xf32, #tpu.memory_space<vmem>>, vector<16xf32>,
      %swap3A_1574 = vector.shape_cast %swap3A_1573 : vector<16xf32> to vector<16xf32>
      %swap3A_1575 = vector.shape_cast %max3A_1569 : vector<16xf32> to vector<16xf32>
      tpu.vector_store %arg7[%swap3A_1572], %swap3A_1575 {strides = array<i32>} : memref<2048xf32, #tpu.memory_space<vmem>>, vector<16xf32>,
      %add3A_1576 = arith.constant 80 : i32
      %add3A_1577 = arith.addi %mul3A_1484, %add3A_1576 : i32
      %get3A_1578 = arith.index_cast %add3A_1577 : i32 to index
      %get3A_1579 = tpu.vector_load %arg7[%get3A_1578] {strides = array<i32>} : memref<2048xf32, #tpu.memory_space<vmem>>, vector<16xf32>,
      %get3A_1580 = vector.shape_cast %get3A_1579 : vector<16xf32> to vector<16xf32>
      %add3A_1581 = arith.constant 80 : i32
      %add3A_1582 = arith.addi %mul3A_1490, %add3A_1581 : i32
      %get3A_1583 = arith.index_cast %add3A_1582 : i32 to index
      %get3A_1584 = tpu.vector_load %arg5[%get3A_1583] {strides = array<i32>} : memref<65536xf32, #tpu.memory_space<vmem>>, vector<16xf32>,
      %get3A_1585 = vector.shape_cast %get3A_1584 : vector<16xf32> to vector<16xf32>
      %max3A_1586 = arith.maximumf %get3A_1580, %get3A_1585 : vector<16xf32>
      %add3A_1587 = arith.constant 80 : i32
      %add3A_1588 = arith.addi %mul3A_1484, %add3A_1587 : i32
      %swap3A_1589 = arith.index_cast %add3A_1588 : i32 to index
      %swap3A_1590 = tpu.vector_load %arg7[%swap3A_1589] {strides = array<i32>} : memref<2048xf32, #tpu.memory_space<vmem>>, vector<16xf32>,
      %swap3A_1591 = vector.shape_cast %swap3A_1590 : vector<16xf32> to vector<16xf32>
      %swap3A_1592 = vector.shape_cast %max3A_1586 : vector<16xf32> to vector<16xf32>
      tpu.vector_store %arg7[%swap3A_1589], %swap3A_1592 {strides = array<i32>} : memref<2048xf32, #tpu.memory_space<vmem>>, vector<16xf32>,
      %add3A_1593 = arith.constant 96 : i32
      %add3A_1594 = arith.addi %mul3A_1484, %add3A_1593 : i32
      %get3A_1595 = arith.index_cast %add3A_1594 : i32 to index
      %get3A_1596 = tpu.vector_load %arg7[%get3A_1595] {strides = array<i32>} : memref<2048xf32, #tpu.memory_space<vmem>>, vector<16xf32>,
      %get3A_1597 = vector.shape_cast %get3A_1596 : vector<16xf32> to vector<16xf32>
      %add3A_1598 = arith.constant 96 : i32
      %add3A_1599 = arith.addi %mul3A_1490, %add3A_1598 : i32
      %get3A_1600 = arith.index_cast %add3A_1599 : i32 to index
      %get3A_1601 = tpu.vector_load %arg5[%get3A_1600] {strides = array<i32>} : memref<65536xf32, #tpu.memory_space<vmem>>, vector<16xf32>,
      %get3A_1602 = vector.shape_cast %get3A_1601 : vector<16xf32> to vector<16xf32>
      %max3A_1603 = arith.maximumf %get3A_1597, %get3A_1602 : vector<16xf32>
      %add3A_1604 = arith.constant 96 : i32
      %add3A_1605 = arith.addi %mul3A_1484, %add3A_1604 : i32
      %swap3A_1606 = arith.index_cast %add3A_1605 : i32 to index
      %swap3A_1607 = tpu.vector_load %arg7[%swap3A_1606] {strides = array<i32>} : memref<2048xf32, #tpu.memory_space<vmem>>, vector<16xf32>,
      %swap3A_1608 = vector.shape_cast %swap3A_1607 : vector<16xf32> to vector<16xf32>
      %swap3A_1609 = vector.shape_cast %max3A_1603 : vector<16xf32> to vector<16xf32>
      tpu.vector_store %arg7[%swap3A_1606], %swap3A_1609 {strides = array<i32>} : memref<2048xf32, #tpu.memory_space<vmem>>, vector<16xf32>,
      %add3A_1610 = arith.constant 112 : i32
      %add3A_1611 = arith.addi %mul3A_1484, %add3A_1610 : i32
      %get3A_1612 = arith.index_cast %add3A_1611 : i32 to index
      %get3A_1613 = tpu.vector_load %arg7[%get3A_1612] {strides = array<i32>} : memref<2048xf32, #tpu.memory_space<vmem>>, vector<16xf32>,
      %get3A_1614 = vector.shape_cast %get3A_1613 : vector<16xf32> to vector<16xf32>
      %add3A_1615 = arith.constant 112 : i32
      %add3A_1616 = arith.addi %mul3A_1490, %add3A_1615 : i32
      %get3A_1617 = arith.index_cast %add3A_1616 : i32 to index
      %get3A_1618 = tpu.vector_load %arg5[%get3A_1617] {strides = array<i32>} : memref<65536xf32, #tpu.memory_space<vmem>>, vector<16xf32>,
      %get3A_1619 = vector.shape_cast %get3A_1618 : vector<16xf32> to vector<16xf32>
      %max3A_1620 = arith.maximumf %get3A_1614, %get3A_1619 : vector<16xf32>
      %add3A_1621 = arith.constant 112 : i32
      %add3A_1622 = arith.addi %mul3A_1484, %add3A_1621 : i32
      %swap3A_1623 = arith.index_cast %add3A_1622 : i32 to index
      %swap3A_1624 = tpu.vector_load %arg7[%swap3A_1623] {strides = array<i32>} : memref<2048xf32, #tpu.memory_space<vmem>>, vector<16xf32>,
      %swap3A_1625 = vector.shape_cast %swap3A_1624 : vector<16xf32> to vector<16xf32>
      %swap3A_1626 = vector.shape_cast %max3A_1620 : vector<16xf32> to vector<16xf32>
      tpu.vector_store %arg7[%swap3A_1623], %swap3A_1626 {strides = array<i32>} : memref<2048xf32, #tpu.memory_space<vmem>>, vector<16xf32>,
      %slice3A_1627 = vector.extract_strided_slice %get3A_24 {offsets = [11], sizes = [1], strides = [1]} : vector<16xi32> to vector<1xi32>
      %squeeze3A_1628 = vector.extract %slice3A_1627[0] : i32 from vector<1xi32>
      %mul3A_1629 = arith.constant 128 : i32
      %mul3A_1630 = arith.muli %squeeze3A_1628, %mul3A_1629 : i32
      %mul3A_1631 = arith.constant 16 : i32
      %mul3A_1632 = arith.muli %scan3A_20, %mul3A_1631 : i32
      %add3A_1633 = arith.constant 11 : i32
      %add3A_1634 = arith.addi %mul3A_1632, %add3A_1633 : i32
      %mul3A_1635 = arith.constant 128 : i32
      %mul3A_1636 = arith.muli %add3A_1634, %mul3A_1635 : i32
      %add3A_1637 = arith.constant 0 : i32
      %add3A_1638 = arith.addi %mul3A_1630, %add3A_1637 : i32
      %get3A_1639 = arith.index_cast %add3A_1638 : i32 to index
      %get3A_1640 = tpu.vector_load %arg7[%get3A_1639] {strides = array<i32>} : memref<2048xf32, #tpu.memory_space<vmem>>, vector<16xf32>,
      %get3A_1641 = vector.shape_cast %get3A_1640 : vector<16xf32> to vector<16xf32>
      %add3A_1642 = arith.constant 0 : i32
      %add3A_1643 = arith.addi %mul3A_1636, %add3A_1642 : i32
      %get3A_1644 = arith.index_cast %add3A_1643 : i32 to index
      %get3A_1645 = tpu.vector_load %arg5[%get3A_1644] {strides = array<i32>} : memref<65536xf32, #tpu.memory_space<vmem>>, vector<16xf32>,
      %get3A_1646 = vector.shape_cast %get3A_1645 : vector<16xf32> to vector<16xf32>
      %max3A_1647 = arith.maximumf %get3A_1641, %get3A_1646 : vector<16xf32>
      %add3A_1648 = arith.constant 0 : i32
      %add3A_1649 = arith.addi %mul3A_1630, %add3A_1648 : i32
      %swap3A_1650 = arith.index_cast %add3A_1649 : i32 to index
      %swap3A_1651 = tpu.vector_load %arg7[%swap3A_1650] {strides = array<i32>} : memref<2048xf32, #tpu.memory_space<vmem>>, vector<16xf32>,
      %swap3A_1652 = vector.shape_cast %swap3A_1651 : vector<16xf32> to vector<16xf32>
      %swap3A_1653 = vector.shape_cast %max3A_1647 : vector<16xf32> to vector<16xf32>
      tpu.vector_store %arg7[%swap3A_1650], %swap3A_1653 {strides = array<i32>} : memref<2048xf32, #tpu.memory_space<vmem>>, vector<16xf32>,
      %add3A_1654 = arith.constant 16 : i32
      %add3A_1655 = arith.addi %mul3A_1630, %add3A_1654 : i32
      %get3A_1656 = arith.index_cast %add3A_1655 : i32 to index
      %get3A_1657 = tpu.vector_load %arg7[%get3A_1656] {strides = array<i32>} : memref<2048xf32, #tpu.memory_space<vmem>>, vector<16xf32>,
      %get3A_1658 = vector.shape_cast %get3A_1657 : vector<16xf32> to vector<16xf32>
      %add3A_1659 = arith.constant 16 : i32
      %add3A_1660 = arith.addi %mul3A_1636, %add3A_1659 : i32
      %get3A_1661 = arith.index_cast %add3A_1660 : i32 to index
      %get3A_1662 = tpu.vector_load %arg5[%get3A_1661] {strides = array<i32>} : memref<65536xf32, #tpu.memory_space<vmem>>, vector<16xf32>,
      %get3A_1663 = vector.shape_cast %get3A_1662 : vector<16xf32> to vector<16xf32>
      %max3A_1664 = arith.maximumf %get3A_1658, %get3A_1663 : vector<16xf32>
      %add3A_1665 = arith.constant 16 : i32
      %add3A_1666 = arith.addi %mul3A_1630, %add3A_1665 : i32
      %swap3A_1667 = arith.index_cast %add3A_1666 : i32 to index
      %swap3A_1668 = tpu.vector_load %arg7[%swap3A_1667] {strides = array<i32>} : memref<2048xf32, #tpu.memory_space<vmem>>, vector<16xf32>,
      %swap3A_1669 = vector.shape_cast %swap3A_1668 : vector<16xf32> to vector<16xf32>
      %swap3A_1670 = vector.shape_cast %max3A_1664 : vector<16xf32> to vector<16xf32>
      tpu.vector_store %arg7[%swap3A_1667], %swap3A_1670 {strides = array<i32>} : memref<2048xf32, #tpu.memory_space<vmem>>, vector<16xf32>,
      %add3A_1671 = arith.constant 32 : i32
      %add3A_1672 = arith.addi %mul3A_1630, %add3A_1671 : i32
      %get3A_1673 = arith.index_cast %add3A_1672 : i32 to index
      %get3A_1674 = tpu.vector_load %arg7[%get3A_1673] {strides = array<i32>} : memref<2048xf32, #tpu.memory_space<vmem>>, vector<16xf32>,
      %get3A_1675 = vector.shape_cast %get3A_1674 : vector<16xf32> to vector<16xf32>
      %add3A_1676 = arith.constant 32 : i32
      %add3A_1677 = arith.addi %mul3A_1636, %add3A_1676 : i32
      %get3A_1678 = arith.index_cast %add3A_1677 : i32 to index
      %get3A_1679 = tpu.vector_load %arg5[%get3A_1678] {strides = array<i32>} : memref<65536xf32, #tpu.memory_space<vmem>>, vector<16xf32>,
      %get3A_1680 = vector.shape_cast %get3A_1679 : vector<16xf32> to vector<16xf32>
      %max3A_1681 = arith.maximumf %get3A_1675, %get3A_1680 : vector<16xf32>
      %add3A_1682 = arith.constant 32 : i32
      %add3A_1683 = arith.addi %mul3A_1630, %add3A_1682 : i32
      %swap3A_1684 = arith.index_cast %add3A_1683 : i32 to index
      %swap3A_1685 = tpu.vector_load %arg7[%swap3A_1684] {strides = array<i32>} : memref<2048xf32, #tpu.memory_space<vmem>>, vector<16xf32>,
      %swap3A_1686 = vector.shape_cast %swap3A_1685 : vector<16xf32> to vector<16xf32>
      %swap3A_1687 = vector.shape_cast %max3A_1681 : vector<16xf32> to vector<16xf32>
      tpu.vector_store %arg7[%swap3A_1684], %swap3A_1687 {strides = array<i32>} : memref<2048xf32, #tpu.memory_space<vmem>>, vector<16xf32>,
      %add3A_1688 = arith.constant 48 : i32
      %add3A_1689 = arith.addi %mul3A_1630, %add3A_1688 : i32
      %get3A_1690 = arith.index_cast %add3A_1689 : i32 to index
      %get3A_1691 = tpu.vector_load %arg7[%get3A_1690] {strides = array<i32>} : memref<2048xf32, #tpu.memory_space<vmem>>, vector<16xf32>,
      %get3A_1692 = vector.shape_cast %get3A_1691 : vector<16xf32> to vector<16xf32>
      %add3A_1693 = arith.constant 48 : i32
      %add3A_1694 = arith.addi %mul3A_1636, %add3A_1693 : i32
      %get3A_1695 = arith.index_cast %add3A_1694 : i32 to index
      %get3A_1696 = tpu.vector_load %arg5[%get3A_1695] {strides = array<i32>} : memref<65536xf32, #tpu.memory_space<vmem>>, vector<16xf32>,
      %get3A_1697 = vector.shape_cast %get3A_1696 : vector<16xf32> to vector<16xf32>
      %max3A_1698 = arith.maximumf %get3A_1692, %get3A_1697 : vector<16xf32>
      %add3A_1699 = arith.constant 48 : i32
      %add3A_1700 = arith.addi %mul3A_1630, %add3A_1699 : i32
      %swap3A_1701 = arith.index_cast %add3A_1700 : i32 to index
      %swap3A_1702 = tpu.vector_load %arg7[%swap3A_1701] {strides = array<i32>} : memref<2048xf32, #tpu.memory_space<vmem>>, vector<16xf32>,
      %swap3A_1703 = vector.shape_cast %swap3A_1702 : vector<16xf32> to vector<16xf32>
      %swap3A_1704 = vector.shape_cast %max3A_1698 : vector<16xf32> to vector<16xf32>
      tpu.vector_store %arg7[%swap3A_1701], %swap3A_1704 {strides = array<i32>} : memref<2048xf32, #tpu.memory_space<vmem>>, vector<16xf32>,
      %add3A_1705 = arith.constant 64 : i32
      %add3A_1706 = arith.addi %mul3A_1630, %add3A_1705 : i32
      %get3A_1707 = arith.index_cast %add3A_1706 : i32 to index
      %get3A_1708 = tpu.vector_load %arg7[%get3A_1707] {strides = array<i32>} : memref<2048xf32, #tpu.memory_space<vmem>>, vector<16xf32>,
      %get3A_1709 = vector.shape_cast %get3A_1708 : vector<16xf32> to vector<16xf32>
      %add3A_1710 = arith.constant 64 : i32
      %add3A_1711 = arith.addi %mul3A_1636, %add3A_1710 : i32
      %get3A_1712 = arith.index_cast %add3A_1711 : i32 to index
      %get3A_1713 = tpu.vector_load %arg5[%get3A_1712] {strides = array<i32>} : memref<65536xf32, #tpu.memory_space<vmem>>, vector<16xf32>,
      %get3A_1714 = vector.shape_cast %get3A_1713 : vector<16xf32> to vector<16xf32>
      %max3A_1715 = arith.maximumf %get3A_1709, %get3A_1714 : vector<16xf32>
      %add3A_1716 = arith.constant 64 : i32
      %add3A_1717 = arith.addi %mul3A_1630, %add3A_1716 : i32
      %swap3A_1718 = arith.index_cast %add3A_1717 : i32 to index
      %swap3A_1719 = tpu.vector_load %arg7[%swap3A_1718] {strides = array<i32>} : memref<2048xf32, #tpu.memory_space<vmem>>, vector<16xf32>,
      %swap3A_1720 = vector.shape_cast %swap3A_1719 : vector<16xf32> to vector<16xf32>
      %swap3A_1721 = vector.shape_cast %max3A_1715 : vector<16xf32> to vector<16xf32>
      tpu.vector_store %arg7[%swap3A_1718], %swap3A_1721 {strides = array<i32>} : memref<2048xf32, #tpu.memory_space<vmem>>, vector<16xf32>,
      %add3A_1722 = arith.constant 80 : i32
      %add3A_1723 = arith.addi %mul3A_1630, %add3A_1722 : i32
      %get3A_1724 = arith.index_cast %add3A_1723 : i32 to index
      %get3A_1725 = tpu.vector_load %arg7[%get3A_1724] {strides = array<i32>} : memref<2048xf32, #tpu.memory_space<vmem>>, vector<16xf32>,
      %get3A_1726 = vector.shape_cast %get3A_1725 : vector<16xf32> to vector<16xf32>
      %add3A_1727 = arith.constant 80 : i32
      %add3A_1728 = arith.addi %mul3A_1636, %add3A_1727 : i32
      %get3A_1729 = arith.index_cast %add3A_1728 : i32 to index
      %get3A_1730 = tpu.vector_load %arg5[%get3A_1729] {strides = array<i32>} : memref<65536xf32, #tpu.memory_space<vmem>>, vector<16xf32>,
      %get3A_1731 = vector.shape_cast %get3A_1730 : vector<16xf32> to vector<16xf32>
      %max3A_1732 = arith.maximumf %get3A_1726, %get3A_1731 : vector<16xf32>
      %add3A_1733 = arith.constant 80 : i32
      %add3A_1734 = arith.addi %mul3A_1630, %add3A_1733 : i32
      %swap3A_1735 = arith.index_cast %add3A_1734 : i32 to index
      %swap3A_1736 = tpu.vector_load %arg7[%swap3A_1735] {strides = array<i32>} : memref<2048xf32, #tpu.memory_space<vmem>>, vector<16xf32>,
      %swap3A_1737 = vector.shape_cast %swap3A_1736 : vector<16xf32> to vector<16xf32>
      %swap3A_1738 = vector.shape_cast %max3A_1732 : vector<16xf32> to vector<16xf32>
      tpu.vector_store %arg7[%swap3A_1735], %swap3A_1738 {strides = array<i32>} : memref<2048xf32, #tpu.memory_space<vmem>>, vector<16xf32>,
      %add3A_1739 = arith.constant 96 : i32
      %add3A_1740 = arith.addi %mul3A_1630, %add3A_1739 : i32
      %get3A_1741 = arith.index_cast %add3A_1740 : i32 to index
      %get3A_1742 = tpu.vector_load %arg7[%get3A_1741] {strides = array<i32>} : memref<2048xf32, #tpu.memory_space<vmem>>, vector<16xf32>,
      %get3A_1743 = vector.shape_cast %get3A_1742 : vector<16xf32> to vector<16xf32>
      %add3A_1744 = arith.constant 96 : i32
      %add3A_1745 = arith.addi %mul3A_1636, %add3A_1744 : i32
      %get3A_1746 = arith.index_cast %add3A_1745 : i32 to index
      %get3A_1747 = tpu.vector_load %arg5[%get3A_1746] {strides = array<i32>} : memref<65536xf32, #tpu.memory_space<vmem>>, vector<16xf32>,
      %get3A_1748 = vector.shape_cast %get3A_1747 : vector<16xf32> to vector<16xf32>
      %max3A_1749 = arith.maximumf %get3A_1743, %get3A_1748 : vector<16xf32>
      %add3A_1750 = arith.constant 96 : i32
      %add3A_1751 = arith.addi %mul3A_1630, %add3A_1750 : i32
      %swap3A_1752 = arith.index_cast %add3A_1751 : i32 to index
      %swap3A_1753 = tpu.vector_load %arg7[%swap3A_1752] {strides = array<i32>} : memref<2048xf32, #tpu.memory_space<vmem>>, vector<16xf32>,
      %swap3A_1754 = vector.shape_cast %swap3A_1753 : vector<16xf32> to vector<16xf32>
      %swap3A_1755 = vector.shape_cast %max3A_1749 : vector<16xf32> to vector<16xf32>
      tpu.vector_store %arg7[%swap3A_1752], %swap3A_1755 {strides = array<i32>} : memref<2048xf32, #tpu.memory_space<vmem>>, vector<16xf32>,
      %add3A_1756 = arith.constant 112 : i32
      %add3A_1757 = arith.addi %mul3A_1630, %add3A_1756 : i32
      %get3A_1758 = arith.index_cast %add3A_1757 : i32 to index
      %get3A_1759 = tpu.vector_load %arg7[%get3A_1758] {strides = array<i32>} : memref<2048xf32, #tpu.memory_space<vmem>>, vector<16xf32>,
      %get3A_1760 = vector.shape_cast %get3A_1759 : vector<16xf32> to vector<16xf32>
      %add3A_1761 = arith.constant 112 : i32
      %add3A_1762 = arith.addi %mul3A_1636, %add3A_1761 : i32
      %get3A_1763 = arith.index_cast %add3A_1762 : i32 to index
      %get3A_1764 = tpu.vector_load %arg5[%get3A_1763] {strides = array<i32>} : memref<65536xf32, #tpu.memory_space<vmem>>, vector<16xf32>,
      %get3A_1765 = vector.shape_cast %get3A_1764 : vector<16xf32> to vector<16xf32>
      %max3A_1766 = arith.maximumf %get3A_1760, %get3A_1765 : vector<16xf32>
      %add3A_1767 = arith.constant 112 : i32
      %add3A_1768 = arith.addi %mul3A_1630, %add3A_1767 : i32
      %swap3A_1769 = arith.index_cast %add3A_1768 : i32 to index
      %swap3A_1770 = tpu.vector_load %arg7[%swap3A_1769] {strides = array<i32>} : memref<2048xf32, #tpu.memory_space<vmem>>, vector<16xf32>,
      %swap3A_1771 = vector.shape_cast %swap3A_1770 : vector<16xf32> to vector<16xf32>
      %swap3A_1772 = vector.shape_cast %max3A_1766 : vector<16xf32> to vector<16xf32>
      tpu.vector_store %arg7[%swap3A_1769], %swap3A_1772 {strides = array<i32>} : memref<2048xf32, #tpu.memory_space<vmem>>, vector<16xf32>,
      %slice3A_1773 = vector.extract_strided_slice %get3A_24 {offsets = [12], sizes = [1], strides = [1]} : vector<16xi32> to vector<1xi32>
      %squeeze3A_1774 = vector.extract %slice3A_1773[0] : i32 from vector<1xi32>
      %mul3A_1775 = arith.constant 128 : i32
      %mul3A_1776 = arith.muli %squeeze3A_1774, %mul3A_1775 : i32
      %mul3A_1777 = arith.constant 16 : i32
      %mul3A_1778 = arith.muli %scan3A_20, %mul3A_1777 : i32
      %add3A_1779 = arith.constant 12 : i32
      %add3A_1780 = arith.addi %mul3A_1778, %add3A_1779 : i32
      %mul3A_1781 = arith.constant 128 : i32
      %mul3A_1782 = arith.muli %add3A_1780, %mul3A_1781 : i32
      %add3A_1783 = arith.constant 0 : i32
      %add3A_1784 = arith.addi %mul3A_1776, %add3A_1783 : i32
      %get3A_1785 = arith.index_cast %add3A_1784 : i32 to index
      %get3A_1786 = tpu.vector_load %arg7[%get3A_1785] {strides = array<i32>} : memref<2048xf32, #tpu.memory_space<vmem>>, vector<16xf32>,
      %get3A_1787 = vector.shape_cast %get3A_1786 : vector<16xf32> to vector<16xf32>
      %add3A_1788 = arith.constant 0 : i32
      %add3A_1789 = arith.addi %mul3A_1782, %add3A_1788 : i32
      %get3A_1790 = arith.index_cast %add3A_1789 : i32 to index
      %get3A_1791 = tpu.vector_load %arg5[%get3A_1790] {strides = array<i32>} : memref<65536xf32, #tpu.memory_space<vmem>>, vector<16xf32>,
      %get3A_1792 = vector.shape_cast %get3A_1791 : vector<16xf32> to vector<16xf32>
      %max3A_1793 = arith.maximumf %get3A_1787, %get3A_1792 : vector<16xf32>
      %add3A_1794 = arith.constant 0 : i32
      %add3A_1795 = arith.addi %mul3A_1776, %add3A_1794 : i32
      %swap3A_1796 = arith.index_cast %add3A_1795 : i32 to index
      %swap3A_1797 = tpu.vector_load %arg7[%swap3A_1796] {strides = array<i32>} : memref<2048xf32, #tpu.memory_space<vmem>>, vector<16xf32>,
      %swap3A_1798 = vector.shape_cast %swap3A_1797 : vector<16xf32> to vector<16xf32>
      %swap3A_1799 = vector.shape_cast %max3A_1793 : vector<16xf32> to vector<16xf32>
      tpu.vector_store %arg7[%swap3A_1796], %swap3A_1799 {strides = array<i32>} : memref<2048xf32, #tpu.memory_space<vmem>>, vector<16xf32>,
      %add3A_1800 = arith.constant 16 : i32
      %add3A_1801 = arith.addi %mul3A_1776, %add3A_1800 : i32
      %get3A_1802 = arith.index_cast %add3A_1801 : i32 to index
      %get3A_1803 = tpu.vector_load %arg7[%get3A_1802] {strides = array<i32>} : memref<2048xf32, #tpu.memory_space<vmem>>, vector<16xf32>,
      %get3A_1804 = vector.shape_cast %get3A_1803 : vector<16xf32> to vector<16xf32>
      %add3A_1805 = arith.constant 16 : i32
      %add3A_1806 = arith.addi %mul3A_1782, %add3A_1805 : i32
      %get3A_1807 = arith.index_cast %add3A_1806 : i32 to index
      %get3A_1808 = tpu.vector_load %arg5[%get3A_1807] {strides = array<i32>} : memref<65536xf32, #tpu.memory_space<vmem>>, vector<16xf32>,
      %get3A_1809 = vector.shape_cast %get3A_1808 : vector<16xf32> to vector<16xf32>
      %max3A_1810 = arith.maximumf %get3A_1804, %get3A_1809 : vector<16xf32>
      %add3A_1811 = arith.constant 16 : i32
      %add3A_1812 = arith.addi %mul3A_1776, %add3A_1811 : i32
      %swap3A_1813 = arith.index_cast %add3A_1812 : i32 to index
      %swap3A_1814 = tpu.vector_load %arg7[%swap3A_1813] {strides = array<i32>} : memref<2048xf32, #tpu.memory_space<vmem>>, vector<16xf32>,
      %swap3A_1815 = vector.shape_cast %swap3A_1814 : vector<16xf32> to vector<16xf32>
      %swap3A_1816 = vector.shape_cast %max3A_1810 : vector<16xf32> to vector<16xf32>
      tpu.vector_store %arg7[%swap3A_1813], %swap3A_1816 {strides = array<i32>} : memref<2048xf32, #tpu.memory_space<vmem>>, vector<16xf32>,
      %add3A_1817 = arith.constant 32 : i32
      %add3A_1818 = arith.addi %mul3A_1776, %add3A_1817 : i32
      %get3A_1819 = arith.index_cast %add3A_1818 : i32 to index
      %get3A_1820 = tpu.vector_load %arg7[%get3A_1819] {strides = array<i32>} : memref<2048xf32, #tpu.memory_space<vmem>>, vector<16xf32>,
      %get3A_1821 = vector.shape_cast %get3A_1820 : vector<16xf32> to vector<16xf32>
      %add3A_1822 = arith.constant 32 : i32
      %add3A_1823 = arith.addi %mul3A_1782, %add3A_1822 : i32
      %get3A_1824 = arith.index_cast %add3A_1823 : i32 to index
      %get3A_1825 = tpu.vector_load %arg5[%get3A_1824] {strides = array<i32>} : memref<65536xf32, #tpu.memory_space<vmem>>, vector<16xf32>,
      %get3A_1826 = vector.shape_cast %get3A_1825 : vector<16xf32> to vector<16xf32>
      %max3A_1827 = arith.maximumf %get3A_1821, %get3A_1826 : vector<16xf32>
      %add3A_1828 = arith.constant 32 : i32
      %add3A_1829 = arith.addi %mul3A_1776, %add3A_1828 : i32
      %swap3A_1830 = arith.index_cast %add3A_1829 : i32 to index
      %swap3A_1831 = tpu.vector_load %arg7[%swap3A_1830] {strides = array<i32>} : memref<2048xf32, #tpu.memory_space<vmem>>, vector<16xf32>,
      %swap3A_1832 = vector.shape_cast %swap3A_1831 : vector<16xf32> to vector<16xf32>
      %swap3A_1833 = vector.shape_cast %max3A_1827 : vector<16xf32> to vector<16xf32>
      tpu.vector_store %arg7[%swap3A_1830], %swap3A_1833 {strides = array<i32>} : memref<2048xf32, #tpu.memory_space<vmem>>, vector<16xf32>,
      %add3A_1834 = arith.constant 48 : i32
      %add3A_1835 = arith.addi %mul3A_1776, %add3A_1834 : i32
      %get3A_1836 = arith.index_cast %add3A_1835 : i32 to index
      %get3A_1837 = tpu.vector_load %arg7[%get3A_1836] {strides = array<i32>} : memref<2048xf32, #tpu.memory_space<vmem>>, vector<16xf32>,
      %get3A_1838 = vector.shape_cast %get3A_1837 : vector<16xf32> to vector<16xf32>
      %add3A_1839 = arith.constant 48 : i32
      %add3A_1840 = arith.addi %mul3A_1782, %add3A_1839 : i32
      %get3A_1841 = arith.index_cast %add3A_1840 : i32 to index
      %get3A_1842 = tpu.vector_load %arg5[%get3A_1841] {strides = array<i32>} : memref<65536xf32, #tpu.memory_space<vmem>>, vector<16xf32>,
      %get3A_1843 = vector.shape_cast %get3A_1842 : vector<16xf32> to vector<16xf32>
      %max3A_1844 = arith.maximumf %get3A_1838, %get3A_1843 : vector<16xf32>
      %add3A_1845 = arith.constant 48 : i32
      %add3A_1846 = arith.addi %mul3A_1776, %add3A_1845 : i32
      %swap3A_1847 = arith.index_cast %add3A_1846 : i32 to index
      %swap3A_1848 = tpu.vector_load %arg7[%swap3A_1847] {strides = array<i32>} : memref<2048xf32, #tpu.memory_space<vmem>>, vector<16xf32>,
      %swap3A_1849 = vector.shape_cast %swap3A_1848 : vector<16xf32> to vector<16xf32>
      %swap3A_1850 = vector.shape_cast %max3A_1844 : vector<16xf32> to vector<16xf32>
      tpu.vector_store %arg7[%swap3A_1847], %swap3A_1850 {strides = array<i32>} : memref<2048xf32, #tpu.memory_space<vmem>>, vector<16xf32>,
      %add3A_1851 = arith.constant 64 : i32
      %add3A_1852 = arith.addi %mul3A_1776, %add3A_1851 : i32
      %get3A_1853 = arith.index_cast %add3A_1852 : i32 to index
      %get3A_1854 = tpu.vector_load %arg7[%get3A_1853] {strides = array<i32>} : memref<2048xf32, #tpu.memory_space<vmem>>, vector<16xf32>,
      %get3A_1855 = vector.shape_cast %get3A_1854 : vector<16xf32> to vector<16xf32>
      %add3A_1856 = arith.constant 64 : i32
      %add3A_1857 = arith.addi %mul3A_1782, %add3A_1856 : i32
      %get3A_1858 = arith.index_cast %add3A_1857 : i32 to index
      %get3A_1859 = tpu.vector_load %arg5[%get3A_1858] {strides = array<i32>} : memref<65536xf32, #tpu.memory_space<vmem>>, vector<16xf32>,
      %get3A_1860 = vector.shape_cast %get3A_1859 : vector<16xf32> to vector<16xf32>
      %max3A_1861 = arith.maximumf %get3A_1855, %get3A_1860 : vector<16xf32>
      %add3A_1862 = arith.constant 64 : i32
      %add3A_1863 = arith.addi %mul3A_1776, %add3A_1862 : i32
      %swap3A_1864 = arith.index_cast %add3A_1863 : i32 to index
      %swap3A_1865 = tpu.vector_load %arg7[%swap3A_1864] {strides = array<i32>} : memref<2048xf32, #tpu.memory_space<vmem>>, vector<16xf32>,
      %swap3A_1866 = vector.shape_cast %swap3A_1865 : vector<16xf32> to vector<16xf32>
      %swap3A_1867 = vector.shape_cast %max3A_1861 : vector<16xf32> to vector<16xf32>
      tpu.vector_store %arg7[%swap3A_1864], %swap3A_1867 {strides = array<i32>} : memref<2048xf32, #tpu.memory_space<vmem>>, vector<16xf32>,
      %add3A_1868 = arith.constant 80 : i32
      %add3A_1869 = arith.addi %mul3A_1776, %add3A_1868 : i32
      %get3A_1870 = arith.index_cast %add3A_1869 : i32 to index
      %get3A_1871 = tpu.vector_load %arg7[%get3A_1870] {strides = array<i32>} : memref<2048xf32, #tpu.memory_space<vmem>>, vector<16xf32>,
      %get3A_1872 = vector.shape_cast %get3A_1871 : vector<16xf32> to vector<16xf32>
      %add3A_1873 = arith.constant 80 : i32
      %add3A_1874 = arith.addi %mul3A_1782, %add3A_1873 : i32
      %get3A_1875 = arith.index_cast %add3A_1874 : i32 to index
      %get3A_1876 = tpu.vector_load %arg5[%get3A_1875] {strides = array<i32>} : memref<65536xf32, #tpu.memory_space<vmem>>, vector<16xf32>,
      %get3A_1877 = vector.shape_cast %get3A_1876 : vector<16xf32> to vector<16xf32>
      %max3A_1878 = arith.maximumf %get3A_1872, %get3A_1877 : vector<16xf32>
      %add3A_1879 = arith.constant 80 : i32
      %add3A_1880 = arith.addi %mul3A_1776, %add3A_1879 : i32
      %swap3A_1881 = arith.index_cast %add3A_1880 : i32 to index
      %swap3A_1882 = tpu.vector_load %arg7[%swap3A_1881] {strides = array<i32>} : memref<2048xf32, #tpu.memory_space<vmem>>, vector<16xf32>,
      %swap3A_1883 = vector.shape_cast %swap3A_1882 : vector<16xf32> to vector<16xf32>
      %swap3A_1884 = vector.shape_cast %max3A_1878 : vector<16xf32> to vector<16xf32>
      tpu.vector_store %arg7[%swap3A_1881], %swap3A_1884 {strides = array<i32>} : memref<2048xf32, #tpu.memory_space<vmem>>, vector<16xf32>,
      %add3A_1885 = arith.constant 96 : i32
      %add3A_1886 = arith.addi %mul3A_1776, %add3A_1885 : i32
      %get3A_1887 = arith.index_cast %add3A_1886 : i32 to index
      %get3A_1888 = tpu.vector_load %arg7[%get3A_1887] {strides = array<i32>} : memref<2048xf32, #tpu.memory_space<vmem>>, vector<16xf32>,
      %get3A_1889 = vector.shape_cast %get3A_1888 : vector<16xf32> to vector<16xf32>
      %add3A_1890 = arith.constant 96 : i32
      %add3A_1891 = arith.addi %mul3A_1782, %add3A_1890 : i32
      %get3A_1892 = arith.index_cast %add3A_1891 : i32 to index
      %get3A_1893 = tpu.vector_load %arg5[%get3A_1892] {strides = array<i32>} : memref<65536xf32, #tpu.memory_space<vmem>>, vector<16xf32>,
      %get3A_1894 = vector.shape_cast %get3A_1893 : vector<16xf32> to vector<16xf32>
      %max3A_1895 = arith.maximumf %get3A_1889, %get3A_1894 : vector<16xf32>
      %add3A_1896 = arith.constant 96 : i32
      %add3A_1897 = arith.addi %mul3A_1776, %add3A_1896 : i32
      %swap3A_1898 = arith.index_cast %add3A_1897 : i32 to index
      %swap3A_1899 = tpu.vector_load %arg7[%swap3A_1898] {strides = array<i32>} : memref<2048xf32, #tpu.memory_space<vmem>>, vector<16xf32>,
      %swap3A_1900 = vector.shape_cast %swap3A_1899 : vector<16xf32> to vector<16xf32>
      %swap3A_1901 = vector.shape_cast %max3A_1895 : vector<16xf32> to vector<16xf32>
      tpu.vector_store %arg7[%swap3A_1898], %swap3A_1901 {strides = array<i32>} : memref<2048xf32, #tpu.memory_space<vmem>>, vector<16xf32>,
      %add3A_1902 = arith.constant 112 : i32
      %add3A_1903 = arith.addi %mul3A_1776, %add3A_1902 : i32
      %get3A_1904 = arith.index_cast %add3A_1903 : i32 to index
      %get3A_1905 = tpu.vector_load %arg7[%get3A_1904] {strides = array<i32>} : memref<2048xf32, #tpu.memory_space<vmem>>, vector<16xf32>,
      %get3A_1906 = vector.shape_cast %get3A_1905 : vector<16xf32> to vector<16xf32>
      %add3A_1907 = arith.constant 112 : i32
      %add3A_1908 = arith.addi %mul3A_1782, %add3A_1907 : i32
      %get3A_1909 = arith.index_cast %add3A_1908 : i32 to index
      %get3A_1910 = tpu.vector_load %arg5[%get3A_1909] {strides = array<i32>} : memref<65536xf32, #tpu.memory_space<vmem>>, vector<16xf32>,
      %get3A_1911 = vector.shape_cast %get3A_1910 : vector<16xf32> to vector<16xf32>
      %max3A_1912 = arith.maximumf %get3A_1906, %get3A_1911 : vector<16xf32>
      %add3A_1913 = arith.constant 112 : i32
      %add3A_1914 = arith.addi %mul3A_1776, %add3A_1913 : i32
      %swap3A_1915 = arith.index_cast %add3A_1914 : i32 to index
      %swap3A_1916 = tpu.vector_load %arg7[%swap3A_1915] {strides = array<i32>} : memref<2048xf32, #tpu.memory_space<vmem>>, vector<16xf32>,
      %swap3A_1917 = vector.shape_cast %swap3A_1916 : vector<16xf32> to vector<16xf32>
      %swap3A_1918 = vector.shape_cast %max3A_1912 : vector<16xf32> to vector<16xf32>
      tpu.vector_store %arg7[%swap3A_1915], %swap3A_1918 {strides = array<i32>} : memref<2048xf32, #tpu.memory_space<vmem>>, vector<16xf32>,
      %slice3A_1919 = vector.extract_strided_slice %get3A_24 {offsets = [13], sizes = [1], strides = [1]} : vector<16xi32> to vector<1xi32>
      %squeeze3A_1920 = vector.extract %slice3A_1919[0] : i32 from vector<1xi32>
      %mul3A_1921 = arith.constant 128 : i32
      %mul3A_1922 = arith.muli %squeeze3A_1920, %mul3A_1921 : i32
      %mul3A_1923 = arith.constant 16 : i32
      %mul3A_1924 = arith.muli %scan3A_20, %mul3A_1923 : i32
      %add3A_1925 = arith.constant 13 : i32
      %add3A_1926 = arith.addi %mul3A_1924, %add3A_1925 : i32
      %mul3A_1927 = arith.constant 128 : i32
      %mul3A_1928 = arith.muli %add3A_1926, %mul3A_1927 : i32
      %add3A_1929 = arith.constant 0 : i32
      %add3A_1930 = arith.addi %mul3A_1922, %add3A_1929 : i32
      %get3A_1931 = arith.index_cast %add3A_1930 : i32 to index
      %get3A_1932 = tpu.vector_load %arg7[%get3A_1931] {strides = array<i32>} : memref<2048xf32, #tpu.memory_space<vmem>>, vector<16xf32>,
      %get3A_1933 = vector.shape_cast %get3A_1932 : vector<16xf32> to vector<16xf32>
      %add3A_1934 = arith.constant 0 : i32
      %add3A_1935 = arith.addi %mul3A_1928, %add3A_1934 : i32
      %get3A_1936 = arith.index_cast %add3A_1935 : i32 to index
      %get3A_1937 = tpu.vector_load %arg5[%get3A_1936] {strides = array<i32>} : memref<65536xf32, #tpu.memory_space<vmem>>, vector<16xf32>,
      %get3A_1938 = vector.shape_cast %get3A_1937 : vector<16xf32> to vector<16xf32>
      %max3A_1939 = arith.maximumf %get3A_1933, %get3A_1938 : vector<16xf32>
      %add3A_1940 = arith.constant 0 : i32
      %add3A_1941 = arith.addi %mul3A_1922, %add3A_1940 : i32
      %swap3A_1942 = arith.index_cast %add3A_1941 : i32 to index
      %swap3A_1943 = tpu.vector_load %arg7[%swap3A_1942] {strides = array<i32>} : memref<2048xf32, #tpu.memory_space<vmem>>, vector<16xf32>,
      %swap3A_1944 = vector.shape_cast %swap3A_1943 : vector<16xf32> to vector<16xf32>
      %swap3A_1945 = vector.shape_cast %max3A_1939 : vector<16xf32> to vector<16xf32>
      tpu.vector_store %arg7[%swap3A_1942], %swap3A_1945 {strides = array<i32>} : memref<2048xf32, #tpu.memory_space<vmem>>, vector<16xf32>,
      %add3A_1946 = arith.constant 16 : i32
      %add3A_1947 = arith.addi %mul3A_1922, %add3A_1946 : i32
      %get3A_1948 = arith.index_cast %add3A_1947 : i32 to index
      %get3A_1949 = tpu.vector_load %arg7[%get3A_1948] {strides = array<i32>} : memref<2048xf32, #tpu.memory_space<vmem>>, vector<16xf32>,
      %get3A_1950 = vector.shape_cast %get3A_1949 : vector<16xf32> to vector<16xf32>
      %add3A_1951 = arith.constant 16 : i32
      %add3A_1952 = arith.addi %mul3A_1928, %add3A_1951 : i32
      %get3A_1953 = arith.index_cast %add3A_1952 : i32 to index
      %get3A_1954 = tpu.vector_load %arg5[%get3A_1953] {strides = array<i32>} : memref<65536xf32, #tpu.memory_space<vmem>>, vector<16xf32>,
      %get3A_1955 = vector.shape_cast %get3A_1954 : vector<16xf32> to vector<16xf32>
      %max3A_1956 = arith.maximumf %get3A_1950, %get3A_1955 : vector<16xf32>
      %add3A_1957 = arith.constant 16 : i32
      %add3A_1958 = arith.addi %mul3A_1922, %add3A_1957 : i32
      %swap3A_1959 = arith.index_cast %add3A_1958 : i32 to index
      %swap3A_1960 = tpu.vector_load %arg7[%swap3A_1959] {strides = array<i32>} : memref<2048xf32, #tpu.memory_space<vmem>>, vector<16xf32>,
      %swap3A_1961 = vector.shape_cast %swap3A_1960 : vector<16xf32> to vector<16xf32>
      %swap3A_1962 = vector.shape_cast %max3A_1956 : vector<16xf32> to vector<16xf32>
      tpu.vector_store %arg7[%swap3A_1959], %swap3A_1962 {strides = array<i32>} : memref<2048xf32, #tpu.memory_space<vmem>>, vector<16xf32>,
      %add3A_1963 = arith.constant 32 : i32
      %add3A_1964 = arith.addi %mul3A_1922, %add3A_1963 : i32
      %get3A_1965 = arith.index_cast %add3A_1964 : i32 to index
      %get3A_1966 = tpu.vector_load %arg7[%get3A_1965] {strides = array<i32>} : memref<2048xf32, #tpu.memory_space<vmem>>, vector<16xf32>,
      %get3A_1967 = vector.shape_cast %get3A_1966 : vector<16xf32> to vector<16xf32>
      %add3A_1968 = arith.constant 32 : i32
      %add3A_1969 = arith.addi %mul3A_1928, %add3A_1968 : i32
      %get3A_1970 = arith.index_cast %add3A_1969 : i32 to index
      %get3A_1971 = tpu.vector_load %arg5[%get3A_1970] {strides = array<i32>} : memref<65536xf32, #tpu.memory_space<vmem>>, vector<16xf32>,
      %get3A_1972 = vector.shape_cast %get3A_1971 : vector<16xf32> to vector<16xf32>
      %max3A_1973 = arith.maximumf %get3A_1967, %get3A_1972 : vector<16xf32>
      %add3A_1974 = arith.constant 32 : i32
      %add3A_1975 = arith.addi %mul3A_1922, %add3A_1974 : i32
      %swap3A_1976 = arith.index_cast %add3A_1975 : i32 to index
      %swap3A_1977 = tpu.vector_load %arg7[%swap3A_1976] {strides = array<i32>} : memref<2048xf32, #tpu.memory_space<vmem>>, vector<16xf32>,
      %swap3A_1978 = vector.shape_cast %swap3A_1977 : vector<16xf32> to vector<16xf32>
      %swap3A_1979 = vector.shape_cast %max3A_1973 : vector<16xf32> to vector<16xf32>
      tpu.vector_store %arg7[%swap3A_1976], %swap3A_1979 {strides = array<i32>} : memref<2048xf32, #tpu.memory_space<vmem>>, vector<16xf32>,
      %add3A_1980 = arith.constant 48 : i32
      %add3A_1981 = arith.addi %mul3A_1922, %add3A_1980 : i32
      %get3A_1982 = arith.index_cast %add3A_1981 : i32 to index
      %get3A_1983 = tpu.vector_load %arg7[%get3A_1982] {strides = array<i32>} : memref<2048xf32, #tpu.memory_space<vmem>>, vector<16xf32>,
      %get3A_1984 = vector.shape_cast %get3A_1983 : vector<16xf32> to vector<16xf32>
      %add3A_1985 = arith.constant 48 : i32
      %add3A_1986 = arith.addi %mul3A_1928, %add3A_1985 : i32
      %get3A_1987 = arith.index_cast %add3A_1986 : i32 to index
      %get3A_1988 = tpu.vector_load %arg5[%get3A_1987] {strides = array<i32>} : memref<65536xf32, #tpu.memory_space<vmem>>, vector<16xf32>,
      %get3A_1989 = vector.shape_cast %get3A_1988 : vector<16xf32> to vector<16xf32>
      %max3A_1990 = arith.maximumf %get3A_1984, %get3A_1989 : vector<16xf32>
      %add3A_1991 = arith.constant 48 : i32
      %add3A_1992 = arith.addi %mul3A_1922, %add3A_1991 : i32
      %swap3A_1993 = arith.index_cast %add3A_1992 : i32 to index
      %swap3A_1994 = tpu.vector_load %arg7[%swap3A_1993] {strides = array<i32>} : memref<2048xf32, #tpu.memory_space<vmem>>, vector<16xf32>,
      %swap3A_1995 = vector.shape_cast %swap3A_1994 : vector<16xf32> to vector<16xf32>
      %swap3A_1996 = vector.shape_cast %max3A_1990 : vector<16xf32> to vector<16xf32>
      tpu.vector_store %arg7[%swap3A_1993], %swap3A_1996 {strides = array<i32>} : memref<2048xf32, #tpu.memory_space<vmem>>, vector<16xf32>,
      %add3A_1997 = arith.constant 64 : i32
      %add3A_1998 = arith.addi %mul3A_1922, %add3A_1997 : i32
      %get3A_1999 = arith.index_cast %add3A_1998 : i32 to index
      %get3A_2000 = tpu.vector_load %arg7[%get3A_1999] {strides = array<i32>} : memref<2048xf32, #tpu.memory_space<vmem>>, vector<16xf32>,
      %get3A_2001 = vector.shape_cast %get3A_2000 : vector<16xf32> to vector<16xf32>
      %add3A_2002 = arith.constant 64 : i32
      %add3A_2003 = arith.addi %mul3A_1928, %add3A_2002 : i32
      %get3A_2004 = arith.index_cast %add3A_2003 : i32 to index
      %get3A_2005 = tpu.vector_load %arg5[%get3A_2004] {strides = array<i32>} : memref<65536xf32, #tpu.memory_space<vmem>>, vector<16xf32>,
      %get3A_2006 = vector.shape_cast %get3A_2005 : vector<16xf32> to vector<16xf32>
      %max3A_2007 = arith.maximumf %get3A_2001, %get3A_2006 : vector<16xf32>
      %add3A_2008 = arith.constant 64 : i32
      %add3A_2009 = arith.addi %mul3A_1922, %add3A_2008 : i32
      %swap3A_2010 = arith.index_cast %add3A_2009 : i32 to index
      %swap3A_2011 = tpu.vector_load %arg7[%swap3A_2010] {strides = array<i32>} : memref<2048xf32, #tpu.memory_space<vmem>>, vector<16xf32>,
      %swap3A_2012 = vector.shape_cast %swap3A_2011 : vector<16xf32> to vector<16xf32>
      %swap3A_2013 = vector.shape_cast %max3A_2007 : vector<16xf32> to vector<16xf32>
      tpu.vector_store %arg7[%swap3A_2010], %swap3A_2013 {strides = array<i32>} : memref<2048xf32, #tpu.memory_space<vmem>>, vector<16xf32>,
      %add3A_2014 = arith.constant 80 : i32
      %add3A_2015 = arith.addi %mul3A_1922, %add3A_2014 : i32
      %get3A_2016 = arith.index_cast %add3A_2015 : i32 to index
      %get3A_2017 = tpu.vector_load %arg7[%get3A_2016] {strides = array<i32>} : memref<2048xf32, #tpu.memory_space<vmem>>, vector<16xf32>,
      %get3A_2018 = vector.shape_cast %get3A_2017 : vector<16xf32> to vector<16xf32>
      %add3A_2019 = arith.constant 80 : i32
      %add3A_2020 = arith.addi %mul3A_1928, %add3A_2019 : i32
      %get3A_2021 = arith.index_cast %add3A_2020 : i32 to index
      %get3A_2022 = tpu.vector_load %arg5[%get3A_2021] {strides = array<i32>} : memref<65536xf32, #tpu.memory_space<vmem>>, vector<16xf32>,
      %get3A_2023 = vector.shape_cast %get3A_2022 : vector<16xf32> to vector<16xf32>
      %max3A_2024 = arith.maximumf %get3A_2018, %get3A_2023 : vector<16xf32>
      %add3A_2025 = arith.constant 80 : i32
      %add3A_2026 = arith.addi %mul3A_1922, %add3A_2025 : i32
      %swap3A_2027 = arith.index_cast %add3A_2026 : i32 to index
      %swap3A_2028 = tpu.vector_load %arg7[%swap3A_2027] {strides = array<i32>} : memref<2048xf32, #tpu.memory_space<vmem>>, vector<16xf32>,
      %swap3A_2029 = vector.shape_cast %swap3A_2028 : vector<16xf32> to vector<16xf32>
      %swap3A_2030 = vector.shape_cast %max3A_2024 : vector<16xf32> to vector<16xf32>
      tpu.vector_store %arg7[%swap3A_2027], %swap3A_2030 {strides = array<i32>} : memref<2048xf32, #tpu.memory_space<vmem>>, vector<16xf32>,
      %add3A_2031 = arith.constant 96 : i32
      %add3A_2032 = arith.addi %mul3A_1922, %add3A_2031 : i32
      %get3A_2033 = arith.index_cast %add3A_2032 : i32 to index
      %get3A_2034 = tpu.vector_load %arg7[%get3A_2033] {strides = array<i32>} : memref<2048xf32, #tpu.memory_space<vmem>>, vector<16xf32>,
      %get3A_2035 = vector.shape_cast %get3A_2034 : vector<16xf32> to vector<16xf32>
      %add3A_2036 = arith.constant 96 : i32
      %add3A_2037 = arith.addi %mul3A_1928, %add3A_2036 : i32
      %get3A_2038 = arith.index_cast %add3A_2037 : i32 to index
      %get3A_2039 = tpu.vector_load %arg5[%get3A_2038] {strides = array<i32>} : memref<65536xf32, #tpu.memory_space<vmem>>, vector<16xf32>,
      %get3A_2040 = vector.shape_cast %get3A_2039 : vector<16xf32> to vector<16xf32>
      %max3A_2041 = arith.maximumf %get3A_2035, %get3A_2040 : vector<16xf32>
      %add3A_2042 = arith.constant 96 : i32
      %add3A_2043 = arith.addi %mul3A_1922, %add3A_2042 : i32
      %swap3A_2044 = arith.index_cast %add3A_2043 : i32 to index
      %swap3A_2045 = tpu.vector_load %arg7[%swap3A_2044] {strides = array<i32>} : memref<2048xf32, #tpu.memory_space<vmem>>, vector<16xf32>,
      %swap3A_2046 = vector.shape_cast %swap3A_2045 : vector<16xf32> to vector<16xf32>
      %swap3A_2047 = vector.shape_cast %max3A_2041 : vector<16xf32> to vector<16xf32>
      tpu.vector_store %arg7[%swap3A_2044], %swap3A_2047 {strides = array<i32>} : memref<2048xf32, #tpu.memory_space<vmem>>, vector<16xf32>,
      %add3A_2048 = arith.constant 112 : i32
      %add3A_2049 = arith.addi %mul3A_1922, %add3A_2048 : i32
      %get3A_2050 = arith.index_cast %add3A_2049 : i32 to index
      %get3A_2051 = tpu.vector_load %arg7[%get3A_2050] {strides = array<i32>} : memref<2048xf32, #tpu.memory_space<vmem>>, vector<16xf32>,
      %get3A_2052 = vector.shape_cast %get3A_2051 : vector<16xf32> to vector<16xf32>
      %add3A_2053 = arith.constant 112 : i32
      %add3A_2054 = arith.addi %mul3A_1928, %add3A_2053 : i32
      %get3A_2055 = arith.index_cast %add3A_2054 : i32 to index
      %get3A_2056 = tpu.vector_load %arg5[%get3A_2055] {strides = array<i32>} : memref<65536xf32, #tpu.memory_space<vmem>>, vector<16xf32>,
      %get3A_2057 = vector.shape_cast %get3A_2056 : vector<16xf32> to vector<16xf32>
      %max3A_2058 = arith.maximumf %get3A_2052, %get3A_2057 : vector<16xf32>
      %add3A_2059 = arith.constant 112 : i32
      %add3A_2060 = arith.addi %mul3A_1922, %add3A_2059 : i32
      %swap3A_2061 = arith.index_cast %add3A_2060 : i32 to index
      %swap3A_2062 = tpu.vector_load %arg7[%swap3A_2061] {strides = array<i32>} : memref<2048xf32, #tpu.memory_space<vmem>>, vector<16xf32>,
      %swap3A_2063 = vector.shape_cast %swap3A_2062 : vector<16xf32> to vector<16xf32>
      %swap3A_2064 = vector.shape_cast %max3A_2058 : vector<16xf32> to vector<16xf32>
      tpu.vector_store %arg7[%swap3A_2061], %swap3A_2064 {strides = array<i32>} : memref<2048xf32, #tpu.memory_space<vmem>>, vector<16xf32>,
      %slice3A_2065 = vector.extract_strided_slice %get3A_24 {offsets = [14], sizes = [1], strides = [1]} : vector<16xi32> to vector<1xi32>
      %squeeze3A_2066 = vector.extract %slice3A_2065[0] : i32 from vector<1xi32>
      %mul3A_2067 = arith.constant 128 : i32
      %mul3A_2068 = arith.muli %squeeze3A_2066, %mul3A_2067 : i32
      %mul3A_2069 = arith.constant 16 : i32
      %mul3A_2070 = arith.muli %scan3A_20, %mul3A_2069 : i32
      %add3A_2071 = arith.constant 14 : i32
      %add3A_2072 = arith.addi %mul3A_2070, %add3A_2071 : i32
      %mul3A_2073 = arith.constant 128 : i32
      %mul3A_2074 = arith.muli %add3A_2072, %mul3A_2073 : i32
      %add3A_2075 = arith.constant 0 : i32
      %add3A_2076 = arith.addi %mul3A_2068, %add3A_2075 : i32
      %get3A_2077 = arith.index_cast %add3A_2076 : i32 to index
      %get3A_2078 = tpu.vector_load %arg7[%get3A_2077] {strides = array<i32>} : memref<2048xf32, #tpu.memory_space<vmem>>, vector<16xf32>,
      %get3A_2079 = vector.shape_cast %get3A_2078 : vector<16xf32> to vector<16xf32>
      %add3A_2080 = arith.constant 0 : i32
      %add3A_2081 = arith.addi %mul3A_2074, %add3A_2080 : i32
      %get3A_2082 = arith.index_cast %add3A_2081 : i32 to index
      %get3A_2083 = tpu.vector_load %arg5[%get3A_2082] {strides = array<i32>} : memref<65536xf32, #tpu.memory_space<vmem>>, vector<16xf32>,
      %get3A_2084 = vector.shape_cast %get3A_2083 : vector<16xf32> to vector<16xf32>
      %max3A_2085 = arith.maximumf %get3A_2079, %get3A_2084 : vector<16xf32>
      %add3A_2086 = arith.constant 0 : i32
      %add3A_2087 = arith.addi %mul3A_2068, %add3A_2086 : i32
      %swap3A_2088 = arith.index_cast %add3A_2087 : i32 to index
      %swap3A_2089 = tpu.vector_load %arg7[%swap3A_2088] {strides = array<i32>} : memref<2048xf32, #tpu.memory_space<vmem>>, vector<16xf32>,
      %swap3A_2090 = vector.shape_cast %swap3A_2089 : vector<16xf32> to vector<16xf32>
      %swap3A_2091 = vector.shape_cast %max3A_2085 : vector<16xf32> to vector<16xf32>
      tpu.vector_store %arg7[%swap3A_2088], %swap3A_2091 {strides = array<i32>} : memref<2048xf32, #tpu.memory_space<vmem>>, vector<16xf32>,
      %add3A_2092 = arith.constant 16 : i32
      %add3A_2093 = arith.addi %mul3A_2068, %add3A_2092 : i32
      %get3A_2094 = arith.index_cast %add3A_2093 : i32 to index
      %get3A_2095 = tpu.vector_load %arg7[%get3A_2094] {strides = array<i32>} : memref<2048xf32, #tpu.memory_space<vmem>>, vector<16xf32>,
      %get3A_2096 = vector.shape_cast %get3A_2095 : vector<16xf32> to vector<16xf32>
      %add3A_2097 = arith.constant 16 : i32
      %add3A_2098 = arith.addi %mul3A_2074, %add3A_2097 : i32
      %get3A_2099 = arith.index_cast %add3A_2098 : i32 to index
      %get3A_2100 = tpu.vector_load %arg5[%get3A_2099] {strides = array<i32>} : memref<65536xf32, #tpu.memory_space<vmem>>, vector<16xf32>,
      %get3A_2101 = vector.shape_cast %get3A_2100 : vector<16xf32> to vector<16xf32>
      %max3A_2102 = arith.maximumf %get3A_2096, %get3A_2101 : vector<16xf32>
      %add3A_2103 = arith.constant 16 : i32
      %add3A_2104 = arith.addi %mul3A_2068, %add3A_2103 : i32
      %swap3A_2105 = arith.index_cast %add3A_2104 : i32 to index
      %swap3A_2106 = tpu.vector_load %arg7[%swap3A_2105] {strides = array<i32>} : memref<2048xf32, #tpu.memory_space<vmem>>, vector<16xf32>,
      %swap3A_2107 = vector.shape_cast %swap3A_2106 : vector<16xf32> to vector<16xf32>
      %swap3A_2108 = vector.shape_cast %max3A_2102 : vector<16xf32> to vector<16xf32>
      tpu.vector_store %arg7[%swap3A_2105], %swap3A_2108 {strides = array<i32>} : memref<2048xf32, #tpu.memory_space<vmem>>, vector<16xf32>,
      %add3A_2109 = arith.constant 32 : i32
      %add3A_2110 = arith.addi %mul3A_2068, %add3A_2109 : i32
      %get3A_2111 = arith.index_cast %add3A_2110 : i32 to index
      %get3A_2112 = tpu.vector_load %arg7[%get3A_2111] {strides = array<i32>} : memref<2048xf32, #tpu.memory_space<vmem>>, vector<16xf32>,
      %get3A_2113 = vector.shape_cast %get3A_2112 : vector<16xf32> to vector<16xf32>
      %add3A_2114 = arith.constant 32 : i32
      %add3A_2115 = arith.addi %mul3A_2074, %add3A_2114 : i32
      %get3A_2116 = arith.index_cast %add3A_2115 : i32 to index
      %get3A_2117 = tpu.vector_load %arg5[%get3A_2116] {strides = array<i32>} : memref<65536xf32, #tpu.memory_space<vmem>>, vector<16xf32>,
      %get3A_2118 = vector.shape_cast %get3A_2117 : vector<16xf32> to vector<16xf32>
      %max3A_2119 = arith.maximumf %get3A_2113, %get3A_2118 : vector<16xf32>
      %add3A_2120 = arith.constant 32 : i32
      %add3A_2121 = arith.addi %mul3A_2068, %add3A_2120 : i32
      %swap3A_2122 = arith.index_cast %add3A_2121 : i32 to index
      %swap3A_2123 = tpu.vector_load %arg7[%swap3A_2122] {strides = array<i32>} : memref<2048xf32, #tpu.memory_space<vmem>>, vector<16xf32>,
      %swap3A_2124 = vector.shape_cast %swap3A_2123 : vector<16xf32> to vector<16xf32>
      %swap3A_2125 = vector.shape_cast %max3A_2119 : vector<16xf32> to vector<16xf32>
      tpu.vector_store %arg7[%swap3A_2122], %swap3A_2125 {strides = array<i32>} : memref<2048xf32, #tpu.memory_space<vmem>>, vector<16xf32>,
      %add3A_2126 = arith.constant 48 : i32
      %add3A_2127 = arith.addi %mul3A_2068, %add3A_2126 : i32
      %get3A_2128 = arith.index_cast %add3A_2127 : i32 to index
      %get3A_2129 = tpu.vector_load %arg7[%get3A_2128] {strides = array<i32>} : memref<2048xf32, #tpu.memory_space<vmem>>, vector<16xf32>,
      %get3A_2130 = vector.shape_cast %get3A_2129 : vector<16xf32> to vector<16xf32>
      %add3A_2131 = arith.constant 48 : i32
      %add3A_2132 = arith.addi %mul3A_2074, %add3A_2131 : i32
      %get3A_2133 = arith.index_cast %add3A_2132 : i32 to index
      %get3A_2134 = tpu.vector_load %arg5[%get3A_2133] {strides = array<i32>} : memref<65536xf32, #tpu.memory_space<vmem>>, vector<16xf32>,
      %get3A_2135 = vector.shape_cast %get3A_2134 : vector<16xf32> to vector<16xf32>
      %max3A_2136 = arith.maximumf %get3A_2130, %get3A_2135 : vector<16xf32>
      %add3A_2137 = arith.constant 48 : i32
      %add3A_2138 = arith.addi %mul3A_2068, %add3A_2137 : i32
      %swap3A_2139 = arith.index_cast %add3A_2138 : i32 to index
      %swap3A_2140 = tpu.vector_load %arg7[%swap3A_2139] {strides = array<i32>} : memref<2048xf32, #tpu.memory_space<vmem>>, vector<16xf32>,
      %swap3A_2141 = vector.shape_cast %swap3A_2140 : vector<16xf32> to vector<16xf32>
      %swap3A_2142 = vector.shape_cast %max3A_2136 : vector<16xf32> to vector<16xf32>
      tpu.vector_store %arg7[%swap3A_2139], %swap3A_2142 {strides = array<i32>} : memref<2048xf32, #tpu.memory_space<vmem>>, vector<16xf32>,
      %add3A_2143 = arith.constant 64 : i32
      %add3A_2144 = arith.addi %mul3A_2068, %add3A_2143 : i32
      %get3A_2145 = arith.index_cast %add3A_2144 : i32 to index
      %get3A_2146 = tpu.vector_load %arg7[%get3A_2145] {strides = array<i32>} : memref<2048xf32, #tpu.memory_space<vmem>>, vector<16xf32>,
      %get3A_2147 = vector.shape_cast %get3A_2146 : vector<16xf32> to vector<16xf32>
      %add3A_2148 = arith.constant 64 : i32
      %add3A_2149 = arith.addi %mul3A_2074, %add3A_2148 : i32
      %get3A_2150 = arith.index_cast %add3A_2149 : i32 to index
      %get3A_2151 = tpu.vector_load %arg5[%get3A_2150] {strides = array<i32>} : memref<65536xf32, #tpu.memory_space<vmem>>, vector<16xf32>,
      %get3A_2152 = vector.shape_cast %get3A_2151 : vector<16xf32> to vector<16xf32>
      %max3A_2153 = arith.maximumf %get3A_2147, %get3A_2152 : vector<16xf32>
      %add3A_2154 = arith.constant 64 : i32
      %add3A_2155 = arith.addi %mul3A_2068, %add3A_2154 : i32
      %swap3A_2156 = arith.index_cast %add3A_2155 : i32 to index
      %swap3A_2157 = tpu.vector_load %arg7[%swap3A_2156] {strides = array<i32>} : memref<2048xf32, #tpu.memory_space<vmem>>, vector<16xf32>,
      %swap3A_2158 = vector.shape_cast %swap3A_2157 : vector<16xf32> to vector<16xf32>
      %swap3A_2159 = vector.shape_cast %max3A_2153 : vector<16xf32> to vector<16xf32>
      tpu.vector_store %arg7[%swap3A_2156], %swap3A_2159 {strides = array<i32>} : memref<2048xf32, #tpu.memory_space<vmem>>, vector<16xf32>,
      %add3A_2160 = arith.constant 80 : i32
      %add3A_2161 = arith.addi %mul3A_2068, %add3A_2160 : i32
      %get3A_2162 = arith.index_cast %add3A_2161 : i32 to index
      %get3A_2163 = tpu.vector_load %arg7[%get3A_2162] {strides = array<i32>} : memref<2048xf32, #tpu.memory_space<vmem>>, vector<16xf32>,
      %get3A_2164 = vector.shape_cast %get3A_2163 : vector<16xf32> to vector<16xf32>
      %add3A_2165 = arith.constant 80 : i32
      %add3A_2166 = arith.addi %mul3A_2074, %add3A_2165 : i32
      %get3A_2167 = arith.index_cast %add3A_2166 : i32 to index
      %get3A_2168 = tpu.vector_load %arg5[%get3A_2167] {strides = array<i32>} : memref<65536xf32, #tpu.memory_space<vmem>>, vector<16xf32>,
      %get3A_2169 = vector.shape_cast %get3A_2168 : vector<16xf32> to vector<16xf32>
      %max3A_2170 = arith.maximumf %get3A_2164, %get3A_2169 : vector<16xf32>
      %add3A_2171 = arith.constant 80 : i32
      %add3A_2172 = arith.addi %mul3A_2068, %add3A_2171 : i32
      %swap3A_2173 = arith.index_cast %add3A_2172 : i32 to index
      %swap3A_2174 = tpu.vector_load %arg7[%swap3A_2173] {strides = array<i32>} : memref<2048xf32, #tpu.memory_space<vmem>>, vector<16xf32>,
      %swap3A_2175 = vector.shape_cast %swap3A_2174 : vector<16xf32> to vector<16xf32>
      %swap3A_2176 = vector.shape_cast %max3A_2170 : vector<16xf32> to vector<16xf32>
      tpu.vector_store %arg7[%swap3A_2173], %swap3A_2176 {strides = array<i32>} : memref<2048xf32, #tpu.memory_space<vmem>>, vector<16xf32>,
      %add3A_2177 = arith.constant 96 : i32
      %add3A_2178 = arith.addi %mul3A_2068, %add3A_2177 : i32
      %get3A_2179 = arith.index_cast %add3A_2178 : i32 to index
      %get3A_2180 = tpu.vector_load %arg7[%get3A_2179] {strides = array<i32>} : memref<2048xf32, #tpu.memory_space<vmem>>, vector<16xf32>,
      %get3A_2181 = vector.shape_cast %get3A_2180 : vector<16xf32> to vector<16xf32>
      %add3A_2182 = arith.constant 96 : i32
      %add3A_2183 = arith.addi %mul3A_2074, %add3A_2182 : i32
      %get3A_2184 = arith.index_cast %add3A_2183 : i32 to index
      %get3A_2185 = tpu.vector_load %arg5[%get3A_2184] {strides = array<i32>} : memref<65536xf32, #tpu.memory_space<vmem>>, vector<16xf32>,
      %get3A_2186 = vector.shape_cast %get3A_2185 : vector<16xf32> to vector<16xf32>
      %max3A_2187 = arith.maximumf %get3A_2181, %get3A_2186 : vector<16xf32>
      %add3A_2188 = arith.constant 96 : i32
      %add3A_2189 = arith.addi %mul3A_2068, %add3A_2188 : i32
      %swap3A_2190 = arith.index_cast %add3A_2189 : i32 to index
      %swap3A_2191 = tpu.vector_load %arg7[%swap3A_2190] {strides = array<i32>} : memref<2048xf32, #tpu.memory_space<vmem>>, vector<16xf32>,
      %swap3A_2192 = vector.shape_cast %swap3A_2191 : vector<16xf32> to vector<16xf32>
      %swap3A_2193 = vector.shape_cast %max3A_2187 : vector<16xf32> to vector<16xf32>
      tpu.vector_store %arg7[%swap3A_2190], %swap3A_2193 {strides = array<i32>} : memref<2048xf32, #tpu.memory_space<vmem>>, vector<16xf32>,
      %add3A_2194 = arith.constant 112 : i32
      %add3A_2195 = arith.addi %mul3A_2068, %add3A_2194 : i32
      %get3A_2196 = arith.index_cast %add3A_2195 : i32 to index
      %get3A_2197 = tpu.vector_load %arg7[%get3A_2196] {strides = array<i32>} : memref<2048xf32, #tpu.memory_space<vmem>>, vector<16xf32>,
      %get3A_2198 = vector.shape_cast %get3A_2197 : vector<16xf32> to vector<16xf32>
      %add3A_2199 = arith.constant 112 : i32
      %add3A_2200 = arith.addi %mul3A_2074, %add3A_2199 : i32
      %get3A_2201 = arith.index_cast %add3A_2200 : i32 to index
      %get3A_2202 = tpu.vector_load %arg5[%get3A_2201] {strides = array<i32>} : memref<65536xf32, #tpu.memory_space<vmem>>, vector<16xf32>,
      %get3A_2203 = vector.shape_cast %get3A_2202 : vector<16xf32> to vector<16xf32>
      %max3A_2204 = arith.maximumf %get3A_2198, %get3A_2203 : vector<16xf32>
      %add3A_2205 = arith.constant 112 : i32
      %add3A_2206 = arith.addi %mul3A_2068, %add3A_2205 : i32
      %swap3A_2207 = arith.index_cast %add3A_2206 : i32 to index
      %swap3A_2208 = tpu.vector_load %arg7[%swap3A_2207] {strides = array<i32>} : memref<2048xf32, #tpu.memory_space<vmem>>, vector<16xf32>,
      %swap3A_2209 = vector.shape_cast %swap3A_2208 : vector<16xf32> to vector<16xf32>
      %swap3A_2210 = vector.shape_cast %max3A_2204 : vector<16xf32> to vector<16xf32>
      tpu.vector_store %arg7[%swap3A_2207], %swap3A_2210 {strides = array<i32>} : memref<2048xf32, #tpu.memory_space<vmem>>, vector<16xf32>,
      %slice3A_2211 = vector.extract_strided_slice %get3A_24 {offsets = [15], sizes = [1], strides = [1]} : vector<16xi32> to vector<1xi32>
      %squeeze3A_2212 = vector.extract %slice3A_2211[0] : i32 from vector<1xi32>
      %mul3A_2213 = arith.constant 128 : i32
      %mul3A_2214 = arith.muli %squeeze3A_2212, %mul3A_2213 : i32
      %mul3A_2215 = arith.constant 16 : i32
      %mul3A_2216 = arith.muli %scan3A_20, %mul3A_2215 : i32
      %add3A_2217 = arith.constant 15 : i32
      %add3A_2218 = arith.addi %mul3A_2216, %add3A_2217 : i32
      %mul3A_2219 = arith.constant 128 : i32
      %mul3A_2220 = arith.muli %add3A_2218, %mul3A_2219 : i32
      %add3A_2221 = arith.constant 0 : i32
      %add3A_2222 = arith.addi %mul3A_2214, %add3A_2221 : i32
      %get3A_2223 = arith.index_cast %add3A_2222 : i32 to index
      %get3A_2224 = tpu.vector_load %arg7[%get3A_2223] {strides = array<i32>} : memref<2048xf32, #tpu.memory_space<vmem>>, vector<16xf32>,
      %get3A_2225 = vector.shape_cast %get3A_2224 : vector<16xf32> to vector<16xf32>
      %add3A_2226 = arith.constant 0 : i32
      %add3A_2227 = arith.addi %mul3A_2220, %add3A_2226 : i32
      %get3A_2228 = arith.index_cast %add3A_2227 : i32 to index
      %get3A_2229 = tpu.vector_load %arg5[%get3A_2228] {strides = array<i32>} : memref<65536xf32, #tpu.memory_space<vmem>>, vector<16xf32>,
      %get3A_2230 = vector.shape_cast %get3A_2229 : vector<16xf32> to vector<16xf32>
      %max3A_2231 = arith.maximumf %get3A_2225, %get3A_2230 : vector<16xf32>
      %add3A_2232 = arith.constant 0 : i32
      %add3A_2233 = arith.addi %mul3A_2214, %add3A_2232 : i32
      %swap3A_2234 = arith.index_cast %add3A_2233 : i32 to index
      %swap3A_2235 = tpu.vector_load %arg7[%swap3A_2234] {strides = array<i32>} : memref<2048xf32, #tpu.memory_space<vmem>>, vector<16xf32>,
      %swap3A_2236 = vector.shape_cast %swap3A_2235 : vector<16xf32> to vector<16xf32>
      %swap3A_2237 = vector.shape_cast %max3A_2231 : vector<16xf32> to vector<16xf32>
      tpu.vector_store %arg7[%swap3A_2234], %swap3A_2237 {strides = array<i32>} : memref<2048xf32, #tpu.memory_space<vmem>>, vector<16xf32>,
      %add3A_2238 = arith.constant 16 : i32
      %add3A_2239 = arith.addi %mul3A_2214, %add3A_2238 : i32
      %get3A_2240 = arith.index_cast %add3A_2239 : i32 to index
      %get3A_2241 = tpu.vector_load %arg7[%get3A_2240] {strides = array<i32>} : memref<2048xf32, #tpu.memory_space<vmem>>, vector<16xf32>,
      %get3A_2242 = vector.shape_cast %get3A_2241 : vector<16xf32> to vector<16xf32>
      %add3A_2243 = arith.constant 16 : i32
      %add3A_2244 = arith.addi %mul3A_2220, %add3A_2243 : i32
      %get3A_2245 = arith.index_cast %add3A_2244 : i32 to index
      %get3A_2246 = tpu.vector_load %arg5[%get3A_2245] {strides = array<i32>} : memref<65536xf32, #tpu.memory_space<vmem>>, vector<16xf32>,
      %get3A_2247 = vector.shape_cast %get3A_2246 : vector<16xf32> to vector<16xf32>
      %max3A_2248 = arith.maximumf %get3A_2242, %get3A_2247 : vector<16xf32>
      %add3A_2249 = arith.constant 16 : i32
      %add3A_2250 = arith.addi %mul3A_2214, %add3A_2249 : i32
      %swap3A_2251 = arith.index_cast %add3A_2250 : i32 to index
      %swap3A_2252 = tpu.vector_load %arg7[%swap3A_2251] {strides = array<i32>} : memref<2048xf32, #tpu.memory_space<vmem>>, vector<16xf32>,
      %swap3A_2253 = vector.shape_cast %swap3A_2252 : vector<16xf32> to vector<16xf32>
      %swap3A_2254 = vector.shape_cast %max3A_2248 : vector<16xf32> to vector<16xf32>
      tpu.vector_store %arg7[%swap3A_2251], %swap3A_2254 {strides = array<i32>} : memref<2048xf32, #tpu.memory_space<vmem>>, vector<16xf32>,
      %add3A_2255 = arith.constant 32 : i32
      %add3A_2256 = arith.addi %mul3A_2214, %add3A_2255 : i32
      %get3A_2257 = arith.index_cast %add3A_2256 : i32 to index
      %get3A_2258 = tpu.vector_load %arg7[%get3A_2257] {strides = array<i32>} : memref<2048xf32, #tpu.memory_space<vmem>>, vector<16xf32>,
      %get3A_2259 = vector.shape_cast %get3A_2258 : vector<16xf32> to vector<16xf32>
      %add3A_2260 = arith.constant 32 : i32
      %add3A_2261 = arith.addi %mul3A_2220, %add3A_2260 : i32
      %get3A_2262 = arith.index_cast %add3A_2261 : i32 to index
      %get3A_2263 = tpu.vector_load %arg5[%get3A_2262] {strides = array<i32>} : memref<65536xf32, #tpu.memory_space<vmem>>, vector<16xf32>,
      %get3A_2264 = vector.shape_cast %get3A_2263 : vector<16xf32> to vector<16xf32>
      %max3A_2265 = arith.maximumf %get3A_2259, %get3A_2264 : vector<16xf32>
      %add3A_2266 = arith.constant 32 : i32
      %add3A_2267 = arith.addi %mul3A_2214, %add3A_2266 : i32
      %swap3A_2268 = arith.index_cast %add3A_2267 : i32 to index
      %swap3A_2269 = tpu.vector_load %arg7[%swap3A_2268] {strides = array<i32>} : memref<2048xf32, #tpu.memory_space<vmem>>, vector<16xf32>,
      %swap3A_2270 = vector.shape_cast %swap3A_2269 : vector<16xf32> to vector<16xf32>
      %swap3A_2271 = vector.shape_cast %max3A_2265 : vector<16xf32> to vector<16xf32>
      tpu.vector_store %arg7[%swap3A_2268], %swap3A_2271 {strides = array<i32>} : memref<2048xf32, #tpu.memory_space<vmem>>, vector<16xf32>,
      %add3A_2272 = arith.constant 48 : i32
      %add3A_2273 = arith.addi %mul3A_2214, %add3A_2272 : i32
      %get3A_2274 = arith.index_cast %add3A_2273 : i32 to index
      %get3A_2275 = tpu.vector_load %arg7[%get3A_2274] {strides = array<i32>} : memref<2048xf32, #tpu.memory_space<vmem>>, vector<16xf32>,
      %get3A_2276 = vector.shape_cast %get3A_2275 : vector<16xf32> to vector<16xf32>
      %add3A_2277 = arith.constant 48 : i32
      %add3A_2278 = arith.addi %mul3A_2220, %add3A_2277 : i32
      %get3A_2279 = arith.index_cast %add3A_2278 : i32 to index
      %get3A_2280 = tpu.vector_load %arg5[%get3A_2279] {strides = array<i32>} : memref<65536xf32, #tpu.memory_space<vmem>>, vector<16xf32>,
      %get3A_2281 = vector.shape_cast %get3A_2280 : vector<16xf32> to vector<16xf32>
      %max3A_2282 = arith.maximumf %get3A_2276, %get3A_2281 : vector<16xf32>
      %add3A_2283 = arith.constant 48 : i32
      %add3A_2284 = arith.addi %mul3A_2214, %add3A_2283 : i32
      %swap3A_2285 = arith.index_cast %add3A_2284 : i32 to index
      %swap3A_2286 = tpu.vector_load %arg7[%swap3A_2285] {strides = array<i32>} : memref<2048xf32, #tpu.memory_space<vmem>>, vector<16xf32>,
      %swap3A_2287 = vector.shape_cast %swap3A_2286 : vector<16xf32> to vector<16xf32>
      %swap3A_2288 = vector.shape_cast %max3A_2282 : vector<16xf32> to vector<16xf32>
      tpu.vector_store %arg7[%swap3A_2285], %swap3A_2288 {strides = array<i32>} : memref<2048xf32, #tpu.memory_space<vmem>>, vector<16xf32>,
      %add3A_2289 = arith.constant 64 : i32
      %add3A_2290 = arith.addi %mul3A_2214, %add3A_2289 : i32
      %get3A_2291 = arith.index_cast %add3A_2290 : i32 to index
      %get3A_2292 = tpu.vector_load %arg7[%get3A_2291] {strides = array<i32>} : memref<2048xf32, #tpu.memory_space<vmem>>, vector<16xf32>,
      %get3A_2293 = vector.shape_cast %get3A_2292 : vector<16xf32> to vector<16xf32>
      %add3A_2294 = arith.constant 64 : i32
      %add3A_2295 = arith.addi %mul3A_2220, %add3A_2294 : i32
      %get3A_2296 = arith.index_cast %add3A_2295 : i32 to index
      %get3A_2297 = tpu.vector_load %arg5[%get3A_2296] {strides = array<i32>} : memref<65536xf32, #tpu.memory_space<vmem>>, vector<16xf32>,
      %get3A_2298 = vector.shape_cast %get3A_2297 : vector<16xf32> to vector<16xf32>
      %max3A_2299 = arith.maximumf %get3A_2293, %get3A_2298 : vector<16xf32>
      %add3A_2300 = arith.constant 64 : i32
      %add3A_2301 = arith.addi %mul3A_2214, %add3A_2300 : i32
      %swap3A_2302 = arith.index_cast %add3A_2301 : i32 to index
      %swap3A_2303 = tpu.vector_load %arg7[%swap3A_2302] {strides = array<i32>} : memref<2048xf32, #tpu.memory_space<vmem>>, vector<16xf32>,
      %swap3A_2304 = vector.shape_cast %swap3A_2303 : vector<16xf32> to vector<16xf32>
      %swap3A_2305 = vector.shape_cast %max3A_2299 : vector<16xf32> to vector<16xf32>
      tpu.vector_store %arg7[%swap3A_2302], %swap3A_2305 {strides = array<i32>} : memref<2048xf32, #tpu.memory_space<vmem>>, vector<16xf32>,
      %add3A_2306 = arith.constant 80 : i32
      %add3A_2307 = arith.addi %mul3A_2214, %add3A_2306 : i32
      %get3A_2308 = arith.index_cast %add3A_2307 : i32 to index
      %get3A_2309 = tpu.vector_load %arg7[%get3A_2308] {strides = array<i32>} : memref<2048xf32, #tpu.memory_space<vmem>>, vector<16xf32>,
      %get3A_2310 = vector.shape_cast %get3A_2309 : vector<16xf32> to vector<16xf32>
      %add3A_2311 = arith.constant 80 : i32
      %add3A_2312 = arith.addi %mul3A_2220, %add3A_2311 : i32
      %get3A_2313 = arith.index_cast %add3A_2312 : i32 to index
      %get3A_2314 = tpu.vector_load %arg5[%get3A_2313] {strides = array<i32>} : memref<65536xf32, #tpu.memory_space<vmem>>, vector<16xf32>,
      %get3A_2315 = vector.shape_cast %get3A_2314 : vector<16xf32> to vector<16xf32>
      %max3A_2316 = arith.maximumf %get3A_2310, %get3A_2315 : vector<16xf32>
      %add3A_2317 = arith.constant 80 : i32
      %add3A_2318 = arith.addi %mul3A_2214, %add3A_2317 : i32
      %swap3A_2319 = arith.index_cast %add3A_2318 : i32 to index
      %swap3A_2320 = tpu.vector_load %arg7[%swap3A_2319] {strides = array<i32>} : memref<2048xf32, #tpu.memory_space<vmem>>, vector<16xf32>,
      %swap3A_2321 = vector.shape_cast %swap3A_2320 : vector<16xf32> to vector<16xf32>
      %swap3A_2322 = vector.shape_cast %max3A_2316 : vector<16xf32> to vector<16xf32>
      tpu.vector_store %arg7[%swap3A_2319], %swap3A_2322 {strides = array<i32>} : memref<2048xf32, #tpu.memory_space<vmem>>, vector<16xf32>,
      %add3A_2323 = arith.constant 96 : i32
      %add3A_2324 = arith.addi %mul3A_2214, %add3A_2323 : i32
      %get3A_2325 = arith.index_cast %add3A_2324 : i32 to index
      %get3A_2326 = tpu.vector_load %arg7[%get3A_2325] {strides = array<i32>} : memref<2048xf32, #tpu.memory_space<vmem>>, vector<16xf32>,
      %get3A_2327 = vector.shape_cast %get3A_2326 : vector<16xf32> to vector<16xf32>
      %add3A_2328 = arith.constant 96 : i32
      %add3A_2329 = arith.addi %mul3A_2220, %add3A_2328 : i32
      %get3A_2330 = arith.index_cast %add3A_2329 : i32 to index
      %get3A_2331 = tpu.vector_load %arg5[%get3A_2330] {strides = array<i32>} : memref<65536xf32, #tpu.memory_space<vmem>>, vector<16xf32>,
      %get3A_2332 = vector.shape_cast %get3A_2331 : vector<16xf32> to vector<16xf32>
      %max3A_2333 = arith.maximumf %get3A_2327, %get3A_2332 : vector<16xf32>
      %add3A_2334 = arith.constant 96 : i32
      %add3A_2335 = arith.addi %mul3A_2214, %add3A_2334 : i32
      %swap3A_2336 = arith.index_cast %add3A_2335 : i32 to index
      %swap3A_2337 = tpu.vector_load %arg7[%swap3A_2336] {strides = array<i32>} : memref<2048xf32, #tpu.memory_space<vmem>>, vector<16xf32>,
      %swap3A_2338 = vector.shape_cast %swap3A_2337 : vector<16xf32> to vector<16xf32>
      %swap3A_2339 = vector.shape_cast %max3A_2333 : vector<16xf32> to vector<16xf32>
      tpu.vector_store %arg7[%swap3A_2336], %swap3A_2339 {strides = array<i32>} : memref<2048xf32, #tpu.memory_space<vmem>>, vector<16xf32>,
      %add3A_2340 = arith.constant 112 : i32
      %add3A_2341 = arith.addi %mul3A_2214, %add3A_2340 : i32
      %get3A_2342 = arith.index_cast %add3A_2341 : i32 to index
      %get3A_2343 = tpu.vector_load %arg7[%get3A_2342] {strides = array<i32>} : memref<2048xf32, #tpu.memory_space<vmem>>, vector<16xf32>,
      %get3A_2344 = vector.shape_cast %get3A_2343 : vector<16xf32> to vector<16xf32>
      %add3A_2345 = arith.constant 112 : i32
      %add3A_2346 = arith.addi %mul3A_2220, %add3A_2345 : i32
      %get3A_2347 = arith.index_cast %add3A_2346 : i32 to index
      %get3A_2348 = tpu.vector_load %arg5[%get3A_2347] {strides = array<i32>} : memref<65536xf32, #tpu.memory_space<vmem>>, vector<16xf32>,
      %get3A_2349 = vector.shape_cast %get3A_2348 : vector<16xf32> to vector<16xf32>
      %max3A_2350 = arith.maximumf %get3A_2344, %get3A_2349 : vector<16xf32>
      %add3A_2351 = arith.constant 112 : i32
      %add3A_2352 = arith.addi %mul3A_2214, %add3A_2351 : i32
      %swap3A_2353 = arith.index_cast %add3A_2352 : i32 to index
      %swap3A_2354 = tpu.vector_load %arg7[%swap3A_2353] {strides = array<i32>} : memref<2048xf32, #tpu.memory_space<vmem>>, vector<16xf32>,
      %swap3A_2355 = vector.shape_cast %swap3A_2354 : vector<16xf32> to vector<16xf32>
      %swap3A_2356 = vector.shape_cast %max3A_2350 : vector<16xf32> to vector<16xf32>
      tpu.vector_store %arg7[%swap3A_2353], %swap3A_2356 {strides = array<i32>} : memref<2048xf32, #tpu.memory_space<vmem>>, vector<16xf32>,
    }
    %scan3A_15 = arith.constant 32 : i32
    %mul3A_16 = arith.constant 16 : i32
    %mul3A_17 = arith.muli %add3A, %mul3A_16 : i32
    %mul3A_18 = arith.constant 128 : i32
    %mul3A_19 = arith.muli %mul3A_17, %mul3A_18 : i32
    "tpu.region"() ({
      %run_scoped3A = tpu.sem_alloc : memref<!tpu.dma_semaphore, #tpu.memory_space<semaphore_mem>>
      %dma_start3A = tpu.memref_slice %arg4[%mul3A_19] : memref<65536xf32, #tpu.memory_space<hbm>> -> memref<2048xf32, #tpu.memory_space<hbm>>
      %dma_start3A_20 = tpu.memref_slice %arg4[%mul3A_19] : memref<65536xf32, #tpu.memory_space<hbm>> -> memref<2048xf32, #tpu.memory_space<hbm>>
      tpu.enqueue_dma source(%arg7 : memref<2048xf32, #tpu.memory_space<vmem>>) target(%dma_start3A_20 : memref<2048xf32, #tpu.memory_space<hbm>>) target_semaphore(%run_scoped3A : memref<!tpu.dma_semaphore, #tpu.memory_space<semaphore_mem>>)
      %dma_wait3A = tpu.memref_slice %arg4[%mul3A_19] : memref<65536xf32, #tpu.memory_space<hbm>> -> memref<2048xf32, #tpu.memory_space<hbm>>
      %dma_wait3A_21 = tpu.memref_slice %arg4[%mul3A_19] : memref<65536xf32, #tpu.memory_space<hbm>> -> memref<2048xf32, #tpu.memory_space<hbm>>
      tpu.wait_dma2 semaphore(%run_scoped3A : memref<!tpu.dma_semaphore, #tpu.memory_space<semaphore_mem>>) src(%arg7 : memref<2048xf32, #tpu.memory_space<vmem>>) dst(%dma_wait3A_21 : memref<2048xf32, #tpu.memory_space<hbm>>)
      tpu.yield
    }) : () -> ()
    return
  }
}

module attributes {stable_mosaic.version = 14 : i64} {
  func.func @_cheb_body(%arg0: i32, %arg1: memref<4096x6xf32, #tpu.memory_space<vmem>>, %arg2: memref<36x128xf32, #tpu.memory_space<vmem>>, %arg3: memref<1x128xf32, #tpu.memory_space<vmem>>, %arg4: memref<4096x128xf32, #tpu.memory_space<vmem>>) attributes {dimension_semantics = [#tpu.dimension_semantics<arbitrary>], iteration_bounds = array<i64: 4>, scalar_prefetch = 0 : i64, scratch_operands = 0 : i64, tpu.core_type = #tpu.core_type<tc>, window_params = [{transform_indices = @transform_0, window_bounds = array<i64: 4096, 6>}, {pipeline_mode = #tpu.pipeline_mode<synchronous>, transform_indices = @transform_1, window_bounds = array<i64: 36, 128>}, {pipeline_mode = #tpu.pipeline_mode<synchronous>, transform_indices = @transform_2, window_bounds = array<i64: 1, 128>}, {transform_indices = @transform_3, window_bounds = array<i64: 4096, 128>}]} {
    %get3A = arith.constant 0 : index
    %get3A_0 = arith.constant 0 : index
    %get3A_1 = vector.load %arg1[%get3A, %get3A_0] : memref<4096x6xf32, #tpu.memory_space<vmem>>, vector<1024x6xf32>
    %dot_general3A = arith.constant dense<0.000000e+00> : vector<1024x1024xf32>
    %dot_general3A_2 = tpu.matmul %get3A_1, %get3A_1, %dot_general3A {dimension_numbers = #tpu.dot_dimension_numbers<[1], [1], [0], [0], [0, 0, 1, 0], [], []>, transpose_lhs_hint = false} : vector<1024x6xf32>, vector<1024x6xf32>, vector<1024x1024xf32> -> vector<1024x1024xf32>
    %mul3A = arith.mulf %get3A_1, %get3A_1 : vector<1024x6xf32>
    %reduce_sum3A = arith.constant dense<0.000000e+00> : vector<1024xf32>
    %reduce_sum3A_3 = vector.multi_reduction <add>, %mul3A, %reduce_sum3A [1] : vector<1024x6xf32> to vector<1024xf32>
    %broadcast_in_dim3A = vector.shape_cast %reduce_sum3A_3 : vector<1024xf32> to vector<1024x1xf32>
    %broadcast_in_dim3A_4 = arith.constant 1.000000e+00 : f32
    %broadcast_in_dim3A_5 = vector.broadcast %broadcast_in_dim3A_4 : f32 to vector<1x6xf32>
    %dot_general3A_6 = arith.constant dense<0.000000e+00> : vector<1x1024xf32>
    %dot_general3A_7 = tpu.matmul %broadcast_in_dim3A_5, %mul3A, %dot_general3A_6 {dimension_numbers = #tpu.dot_dimension_numbers<[1], [1], [0], [0], [0, 0, 1, 0], [], []>, precision = #tpu.contract_precision<fp32>, transpose_lhs_hint = false} : vector<1x6xf32>, vector<1024x6xf32>, vector<1x1024xf32> -> vector<1x1024xf32>
    %mul3A_8 = arith.constant 2.000000e+00 : f32
    %mul3A_9 = vector.broadcast %mul3A_8 : f32 to vector<1024x1024xf32>
    %mul3A_10 = arith.mulf %mul3A_9, %dot_general3A_2 : vector<1024x1024xf32>
    %add3A = vector.broadcast %broadcast_in_dim3A : vector<1024x1xf32> to vector<1024x1024xf32>
    %add3A_11 = vector.broadcast %dot_general3A_7 : vector<1x1024xf32> to vector<1024x1024xf32>
    %add3A_12 = arith.addf %add3A, %add3A_11 : vector<1024x1024xf32>
    %sub3A = arith.subf %mul3A_10, %add3A_12 : vector<1024x1024xf32>
    %exp3A = math.exp %sub3A : vector<1024x1024xf32>
    %convert_element_type3A = arith.truncf %get3A_1 : vector<1024x6xf32> to vector<1024x6xbf16>
    %convert_element_type3A_13 = arith.extf %convert_element_type3A : vector<1024x6xbf16> to vector<1024x6xf32>
    %mul3A_14 = arith.mulf %convert_element_type3A_13, %convert_element_type3A_13 : vector<1024x6xf32>
    %reduce_sum3A_15 = arith.constant dense<0.000000e+00> : vector<1024xf32>
    %reduce_sum3A_16 = vector.multi_reduction <add>, %mul3A_14, %reduce_sum3A_15 [1] : vector<1024x6xf32> to vector<1024xf32>
    %broadcast_in_dim3A_17 = vector.shape_cast %reduce_sum3A_16 : vector<1024xf32> to vector<1024x1xf32>
    %mul3A_18 = arith.constant 2.000000e+00 : f32
    %mul3A_19 = vector.broadcast %mul3A_18 : f32 to vector<1024x1xf32>
    %mul3A_20 = arith.mulf %mul3A_19, %broadcast_in_dim3A_17 : vector<1024x1xf32>
    %add3A_21 = arith.addf %broadcast_in_dim3A, %broadcast_in_dim3A : vector<1024x1xf32>
    %sub3A_22 = arith.subf %mul3A_20, %add3A_21 : vector<1024x1xf32>
    %exp3A_23 = math.exp %sub3A_22 : vector<1024x1xf32>
    %reduce_sum3A_24 = arith.constant dense<0.000000e+00> : vector<1024xf32>
    %reduce_sum3A_25 = vector.multi_reduction <add>, %exp3A, %reduce_sum3A_24 [1] : vector<1024x1024xf32> to vector<1024xf32>
    %broadcast_in_dim3A_26 = vector.shape_cast %reduce_sum3A_25 : vector<1024xf32> to vector<1024x1xf32>
    %sub3A_27 = arith.subf %broadcast_in_dim3A_26, %exp3A_23 : vector<1024x1xf32>
    %gt3A = arith.constant 0.000000e+00 : f32
    %gt3A_28 = vector.broadcast %gt3A : f32 to vector<1024x1xf32>
    %gt3A_29 = arith.cmpf ogt, %sub3A_27, %gt3A_28 : vector<1024x1xf32>
    %rsqrt3A = math.rsqrt %sub3A_27 : vector<1024x1xf32>
    %jit3A = arith.constant 0.000000e+00 : f32
    %broadcast_in_dim3A_30 = vector.broadcast %jit3A : f32 to vector<1024x1xf32>
    %select_n3A = arith.select %gt3A_29, %rsqrt3A, %broadcast_in_dim3A_30 : vector<1024x1xi1>, vector<1024x1xf32>
    %convert_element_type3A_31 = arith.truncf %exp3A : vector<1024x1024xf32> to vector<1024x1024xbf16>
    %convert_element_type3A_32 = arith.truncf %exp3A_23 : vector<1024x1xf32> to vector<1024x1xbf16>
    %convert_element_type3A_33 = arith.extf %convert_element_type3A_32 : vector<1024x1xbf16> to vector<1024x1xf32>
    %mul3A_34 = vector.broadcast %select_n3A : vector<1024x1xf32> to vector<1024x6xf32>
    %mul3A_35 = arith.mulf %mul3A_34, %get3A_1 : vector<1024x6xf32>
    %convert_element_type3A_36 = arith.truncf %mul3A_35 : vector<1024x6xf32> to vector<1024x6xbf16>
    %dot_general3A_37 = arith.constant dense<0.000000e+00> : vector<1024x6xf32>
    %dot_general3A_38 = tpu.matmul %convert_element_type3A_31, %convert_element_type3A_36, %dot_general3A_37 {dimension_numbers = #tpu.dot_dimension_numbers<[1], [0], [0], [1], [0, 0, 1, 1], [], []>, transpose_lhs_hint = false} : vector<1024x1024xbf16>, vector<1024x6xbf16>, vector<1024x6xf32> -> vector<1024x6xf32>
    %convert_element_type3A_39 = arith.extf %convert_element_type3A_36 : vector<1024x6xbf16> to vector<1024x6xf32>
    %mul3A_40 = vector.broadcast %convert_element_type3A_33 : vector<1024x1xf32> to vector<1024x6xf32>
    %mul3A_41 = arith.mulf %mul3A_40, %convert_element_type3A_39 : vector<1024x6xf32>
    %sub3A_42 = arith.subf %dot_general3A_38, %mul3A_41 : vector<1024x6xf32>
    %mul3A_43 = vector.broadcast %select_n3A : vector<1024x1xf32> to vector<1024x6xf32>
    %mul3A_44 = arith.mulf %mul3A_43, %sub3A_42 : vector<1024x6xf32>
    %neg3A = arith.constant 0.000000e+00 : f32
    %neg3A_45 = vector.broadcast %neg3A : f32 to vector<1024x6xf32>
    %neg3A_46 = arith.subf %neg3A_45, %mul3A_44 : vector<1024x6xf32>
    %mul3A_47 = vector.broadcast %select_n3A : vector<1024x1xf32> to vector<1024x6xf32>
    %mul3A_48 = arith.mulf %mul3A_47, %mul3A_44 : vector<1024x6xf32>
    %convert_element_type3A_49 = arith.truncf %mul3A_48 : vector<1024x6xf32> to vector<1024x6xbf16>
    %dot_general3A_50 = arith.constant dense<0.000000e+00> : vector<1024x6xf32>
    %dot_general3A_51 = tpu.matmul %convert_element_type3A_31, %convert_element_type3A_49, %dot_general3A_50 {dimension_numbers = #tpu.dot_dimension_numbers<[1], [0], [0], [1], [0, 0, 1, 1], [], []>, transpose_lhs_hint = false} : vector<1024x1024xbf16>, vector<1024x6xbf16>, vector<1024x6xf32> -> vector<1024x6xf32>
    %convert_element_type3A_52 = arith.extf %convert_element_type3A_49 : vector<1024x6xbf16> to vector<1024x6xf32>
    %mul3A_53 = vector.broadcast %convert_element_type3A_33 : vector<1024x1xf32> to vector<1024x6xf32>
    %mul3A_54 = arith.mulf %mul3A_53, %convert_element_type3A_52 : vector<1024x6xf32>
    %sub3A_55 = arith.subf %dot_general3A_51, %mul3A_54 : vector<1024x6xf32>
    %mul3A_56 = vector.broadcast %select_n3A : vector<1024x1xf32> to vector<1024x6xf32>
    %mul3A_57 = arith.mulf %mul3A_56, %sub3A_55 : vector<1024x6xf32>
    %mul3A_58 = arith.constant 2.000000e+00 : f32
    %mul3A_59 = vector.broadcast %mul3A_58 : f32 to vector<1024x6xf32>
    %mul3A_60 = arith.mulf %mul3A_59, %mul3A_57 : vector<1024x6xf32>
    %sub3A_61 = arith.subf %mul3A_60, %get3A_1 : vector<1024x6xf32>
    %mul3A_62 = arith.constant 1.000000e+00 : f32
    %mul3A_63 = vector.broadcast %mul3A_62 : f32 to vector<1024x6xf32>
    %mul3A_64 = arith.mulf %mul3A_63, %sub3A_61 : vector<1024x6xf32>
    %mul3A_65 = vector.broadcast %select_n3A : vector<1024x1xf32> to vector<1024x6xf32>
    %mul3A_66 = arith.mulf %mul3A_65, %sub3A_61 : vector<1024x6xf32>
    %convert_element_type3A_67 = arith.truncf %mul3A_66 : vector<1024x6xf32> to vector<1024x6xbf16>
    %dot_general3A_68 = arith.constant dense<0.000000e+00> : vector<1024x6xf32>
    %dot_general3A_69 = tpu.matmul %convert_element_type3A_31, %convert_element_type3A_67, %dot_general3A_68 {dimension_numbers = #tpu.dot_dimension_numbers<[1], [0], [0], [1], [0, 0, 1, 1], [], []>, transpose_lhs_hint = false} : vector<1024x1024xbf16>, vector<1024x6xbf16>, vector<1024x6xf32> -> vector<1024x6xf32>
    %convert_element_type3A_70 = arith.extf %convert_element_type3A_67 : vector<1024x6xbf16> to vector<1024x6xf32>
    %mul3A_71 = vector.broadcast %convert_element_type3A_33 : vector<1024x1xf32> to vector<1024x6xf32>
    %mul3A_72 = arith.mulf %mul3A_71, %convert_element_type3A_70 : vector<1024x6xf32>
    %sub3A_73 = arith.subf %dot_general3A_69, %mul3A_72 : vector<1024x6xf32>
    %mul3A_74 = vector.broadcast %select_n3A : vector<1024x1xf32> to vector<1024x6xf32>
    %mul3A_75 = arith.mulf %mul3A_74, %sub3A_73 : vector<1024x6xf32>
    %mul3A_76 = arith.constant 2.000000e+00 : f32
    %mul3A_77 = vector.broadcast %mul3A_76 : f32 to vector<1024x6xf32>
    %mul3A_78 = arith.mulf %mul3A_77, %mul3A_75 : vector<1024x6xf32>
    %sub3A_79 = arith.subf %mul3A_78, %mul3A_44 : vector<1024x6xf32>
    %mul3A_80 = arith.constant -1.000000e+00 : f32
    %mul3A_81 = vector.broadcast %mul3A_80 : f32 to vector<1024x6xf32>
    %mul3A_82 = arith.mulf %mul3A_81, %sub3A_79 : vector<1024x6xf32>
    %mul3A_83 = vector.broadcast %select_n3A : vector<1024x1xf32> to vector<1024x6xf32>
    %mul3A_84 = arith.mulf %mul3A_83, %sub3A_79 : vector<1024x6xf32>
    %convert_element_type3A_85 = arith.truncf %mul3A_84 : vector<1024x6xf32> to vector<1024x6xbf16>
    %dot_general3A_86 = arith.constant dense<0.000000e+00> : vector<1024x6xf32>
    %dot_general3A_87 = tpu.matmul %convert_element_type3A_31, %convert_element_type3A_85, %dot_general3A_86 {dimension_numbers = #tpu.dot_dimension_numbers<[1], [0], [0], [1], [0, 0, 1, 1], [], []>, transpose_lhs_hint = false} : vector<1024x1024xbf16>, vector<1024x6xbf16>, vector<1024x6xf32> -> vector<1024x6xf32>
    %convert_element_type3A_88 = arith.extf %convert_element_type3A_85 : vector<1024x6xbf16> to vector<1024x6xf32>
    %mul3A_89 = vector.broadcast %convert_element_type3A_33 : vector<1024x1xf32> to vector<1024x6xf32>
    %mul3A_90 = arith.mulf %mul3A_89, %convert_element_type3A_88 : vector<1024x6xf32>
    %sub3A_91 = arith.subf %dot_general3A_87, %mul3A_90 : vector<1024x6xf32>
    %mul3A_92 = vector.broadcast %select_n3A : vector<1024x1xf32> to vector<1024x6xf32>
    %mul3A_93 = arith.mulf %mul3A_92, %sub3A_91 : vector<1024x6xf32>
    %mul3A_94 = arith.constant 2.000000e+00 : f32
    %mul3A_95 = vector.broadcast %mul3A_94 : f32 to vector<1024x6xf32>
    %mul3A_96 = arith.mulf %mul3A_95, %mul3A_93 : vector<1024x6xf32>
    %sub3A_97 = arith.subf %mul3A_96, %sub3A_61 : vector<1024x6xf32>
    %mul3A_98 = arith.constant 1.000000e+00 : f32
    %mul3A_99 = vector.broadcast %mul3A_98 : f32 to vector<1024x6xf32>
    %mul3A_100 = arith.mulf %mul3A_99, %sub3A_97 : vector<1024x6xf32>
    %mul3A_101 = vector.broadcast %select_n3A : vector<1024x1xf32> to vector<1024x6xf32>
    %mul3A_102 = arith.mulf %mul3A_101, %sub3A_97 : vector<1024x6xf32>
    %convert_element_type3A_103 = arith.truncf %mul3A_102 : vector<1024x6xf32> to vector<1024x6xbf16>
    %dot_general3A_104 = arith.constant dense<0.000000e+00> : vector<1024x6xf32>
    %dot_general3A_105 = tpu.matmul %convert_element_type3A_31, %convert_element_type3A_103, %dot_general3A_104 {dimension_numbers = #tpu.dot_dimension_numbers<[1], [0], [0], [1], [0, 0, 1, 1], [], []>, transpose_lhs_hint = false} : vector<1024x1024xbf16>, vector<1024x6xbf16>, vector<1024x6xf32> -> vector<1024x6xf32>
    %convert_element_type3A_106 = arith.extf %convert_element_type3A_103 : vector<1024x6xbf16> to vector<1024x6xf32>
    %mul3A_107 = vector.broadcast %convert_element_type3A_33 : vector<1024x1xf32> to vector<1024x6xf32>
    %mul3A_108 = arith.mulf %mul3A_107, %convert_element_type3A_106 : vector<1024x6xf32>
    %sub3A_109 = arith.subf %dot_general3A_105, %mul3A_108 : vector<1024x6xf32>
    %mul3A_110 = vector.broadcast %select_n3A : vector<1024x1xf32> to vector<1024x6xf32>
    %mul3A_111 = arith.mulf %mul3A_110, %sub3A_109 : vector<1024x6xf32>
    %mul3A_112 = arith.constant 2.000000e+00 : f32
    %mul3A_113 = vector.broadcast %mul3A_112 : f32 to vector<1024x6xf32>
    %mul3A_114 = arith.mulf %mul3A_113, %mul3A_111 : vector<1024x6xf32>
    %sub3A_115 = arith.subf %mul3A_114, %sub3A_79 : vector<1024x6xf32>
    %mul3A_116 = arith.constant -1.000000e+00 : f32
    %mul3A_117 = vector.broadcast %mul3A_116 : f32 to vector<1024x6xf32>
    %mul3A_118 = arith.mulf %mul3A_117, %sub3A_115 : vector<1024x6xf32>
    %concatenate3A = tpu.concatenate %get3A_1, %neg3A_46, %mul3A_64, %mul3A_82, %mul3A_100, %mul3A_118 in 1 : vector<1024x6xf32>, vector<1024x6xf32>, vector<1024x6xf32>, vector<1024x6xf32>, vector<1024x6xf32>, vector<1024x6xf32> -> vector<1024x36xf32>
    %get3A_119 = arith.constant 0 : index
    %get3A_120 = arith.constant 0 : index
    %get3A_121 = vector.load %arg2[%get3A_119, %get3A_120] : memref<36x128xf32, #tpu.memory_space<vmem>>, vector<36x128xf32>
    %dot_general3A_122 = arith.constant dense<0.000000e+00> : vector<1024x128xf32>
    %dot_general3A_123 = tpu.matmul %concatenate3A, %get3A_121, %dot_general3A_122 {dimension_numbers = #tpu.dot_dimension_numbers<[1], [0], [0], [1], [0, 0, 1, 1], [], []>, transpose_lhs_hint = false} : vector<1024x36xf32>, vector<36x128xf32>, vector<1024x128xf32> -> vector<1024x128xf32>
    %get3A_124 = arith.constant 0 : index
    %get3A_125 = arith.constant 0 : index
    %get3A_126 = vector.load %arg3[%get3A_124, %get3A_125] : memref<1x128xf32, #tpu.memory_space<vmem>>, vector<1x128xf32>
    %add3A_127 = vector.broadcast %get3A_126 : vector<1x128xf32> to vector<1024x128xf32>
    %add3A_128 = arith.addf %dot_general3A_123, %add3A_127 : vector<1024x128xf32>
    %max3A = arith.constant 0.000000e+00 : f32
    %max3A_129 = vector.broadcast %max3A : f32 to vector<1024x128xf32>
    %max3A_130 = arith.maximumf %add3A_128, %max3A_129 : vector<1024x128xf32>
    %swap3A = arith.constant 0 : index
    %swap3A_131 = arith.constant 0 : index
    %swap3A_132 = vector.load %arg4[%swap3A, %swap3A_131] : memref<4096x128xf32, #tpu.memory_space<vmem>>, vector<1024x128xf32>
    tpu.vector_store %arg4[%swap3A, %swap3A_131], %max3A_130 {strides = array<i32>} : memref<4096x128xf32, #tpu.memory_space<vmem>>, vector<1024x128xf32>,
    %get3A_133 = arith.constant 1024 : index
    %get3A_134 = arith.constant 0 : index
    %get3A_135 = vector.load %arg1[%get3A_133, %get3A_134] : memref<4096x6xf32, #tpu.memory_space<vmem>>, vector<1024x6xf32>
    %dot_general3A_136 = arith.constant dense<0.000000e+00> : vector<1024x1024xf32>
    %dot_general3A_137 = tpu.matmul %get3A_135, %get3A_135, %dot_general3A_136 {dimension_numbers = #tpu.dot_dimension_numbers<[1], [1], [0], [0], [0, 0, 1, 0], [], []>, transpose_lhs_hint = false} : vector<1024x6xf32>, vector<1024x6xf32>, vector<1024x1024xf32> -> vector<1024x1024xf32>
    %mul3A_138 = arith.mulf %get3A_135, %get3A_135 : vector<1024x6xf32>
    %reduce_sum3A_139 = arith.constant dense<0.000000e+00> : vector<1024xf32>
    %reduce_sum3A_140 = vector.multi_reduction <add>, %mul3A_138, %reduce_sum3A_139 [1] : vector<1024x6xf32> to vector<1024xf32>
    %broadcast_in_dim3A_141 = vector.shape_cast %reduce_sum3A_140 : vector<1024xf32> to vector<1024x1xf32>
    %broadcast_in_dim3A_142 = arith.constant 1.000000e+00 : f32
    %broadcast_in_dim3A_143 = vector.broadcast %broadcast_in_dim3A_142 : f32 to vector<1x6xf32>
    %dot_general3A_144 = arith.constant dense<0.000000e+00> : vector<1x1024xf32>
    %dot_general3A_145 = tpu.matmul %broadcast_in_dim3A_143, %mul3A_138, %dot_general3A_144 {dimension_numbers = #tpu.dot_dimension_numbers<[1], [1], [0], [0], [0, 0, 1, 0], [], []>, precision = #tpu.contract_precision<fp32>, transpose_lhs_hint = false} : vector<1x6xf32>, vector<1024x6xf32>, vector<1x1024xf32> -> vector<1x1024xf32>
    %mul3A_146 = arith.constant 2.000000e+00 : f32
    %mul3A_147 = vector.broadcast %mul3A_146 : f32 to vector<1024x1024xf32>
    %mul3A_148 = arith.mulf %mul3A_147, %dot_general3A_137 : vector<1024x1024xf32>
    %add3A_149 = vector.broadcast %broadcast_in_dim3A_141 : vector<1024x1xf32> to vector<1024x1024xf32>
    %add3A_150 = vector.broadcast %dot_general3A_145 : vector<1x1024xf32> to vector<1024x1024xf32>
    %add3A_151 = arith.addf %add3A_149, %add3A_150 : vector<1024x1024xf32>
    %sub3A_152 = arith.subf %mul3A_148, %add3A_151 : vector<1024x1024xf32>
    %exp3A_153 = math.exp %sub3A_152 : vector<1024x1024xf32>
    %convert_element_type3A_154 = arith.truncf %get3A_135 : vector<1024x6xf32> to vector<1024x6xbf16>
    %convert_element_type3A_155 = arith.extf %convert_element_type3A_154 : vector<1024x6xbf16> to vector<1024x6xf32>
    %mul3A_156 = arith.mulf %convert_element_type3A_155, %convert_element_type3A_155 : vector<1024x6xf32>
    %reduce_sum3A_157 = arith.constant dense<0.000000e+00> : vector<1024xf32>
    %reduce_sum3A_158 = vector.multi_reduction <add>, %mul3A_156, %reduce_sum3A_157 [1] : vector<1024x6xf32> to vector<1024xf32>
    %broadcast_in_dim3A_159 = vector.shape_cast %reduce_sum3A_158 : vector<1024xf32> to vector<1024x1xf32>
    %mul3A_160 = arith.constant 2.000000e+00 : f32
    %mul3A_161 = vector.broadcast %mul3A_160 : f32 to vector<1024x1xf32>
    %mul3A_162 = arith.mulf %mul3A_161, %broadcast_in_dim3A_159 : vector<1024x1xf32>
    %add3A_163 = arith.addf %broadcast_in_dim3A_141, %broadcast_in_dim3A_141 : vector<1024x1xf32>
    %sub3A_164 = arith.subf %mul3A_162, %add3A_163 : vector<1024x1xf32>
    %exp3A_165 = math.exp %sub3A_164 : vector<1024x1xf32>
    %reduce_sum3A_166 = arith.constant dense<0.000000e+00> : vector<1024xf32>
    %reduce_sum3A_167 = vector.multi_reduction <add>, %exp3A_153, %reduce_sum3A_166 [1] : vector<1024x1024xf32> to vector<1024xf32>
    %broadcast_in_dim3A_168 = vector.shape_cast %reduce_sum3A_167 : vector<1024xf32> to vector<1024x1xf32>
    %sub3A_169 = arith.subf %broadcast_in_dim3A_168, %exp3A_165 : vector<1024x1xf32>
    %gt3A_170 = arith.constant 0.000000e+00 : f32
    %gt3A_171 = vector.broadcast %gt3A_170 : f32 to vector<1024x1xf32>
    %gt3A_172 = arith.cmpf ogt, %sub3A_169, %gt3A_171 : vector<1024x1xf32>
    %rsqrt3A_173 = math.rsqrt %sub3A_169 : vector<1024x1xf32>
    %jit3A_174 = arith.constant 0.000000e+00 : f32
    %broadcast_in_dim3A_175 = vector.broadcast %jit3A_174 : f32 to vector<1024x1xf32>
    %select_n3A_176 = arith.select %gt3A_172, %rsqrt3A_173, %broadcast_in_dim3A_175 : vector<1024x1xi1>, vector<1024x1xf32>
    %convert_element_type3A_177 = arith.truncf %exp3A_153 : vector<1024x1024xf32> to vector<1024x1024xbf16>
    %convert_element_type3A_178 = arith.truncf %exp3A_165 : vector<1024x1xf32> to vector<1024x1xbf16>
    %convert_element_type3A_179 = arith.extf %convert_element_type3A_178 : vector<1024x1xbf16> to vector<1024x1xf32>
    %mul3A_180 = vector.broadcast %select_n3A_176 : vector<1024x1xf32> to vector<1024x6xf32>
    %mul3A_181 = arith.mulf %mul3A_180, %get3A_135 : vector<1024x6xf32>
    %convert_element_type3A_182 = arith.truncf %mul3A_181 : vector<1024x6xf32> to vector<1024x6xbf16>
    %dot_general3A_183 = arith.constant dense<0.000000e+00> : vector<1024x6xf32>
    %dot_general3A_184 = tpu.matmul %convert_element_type3A_177, %convert_element_type3A_182, %dot_general3A_183 {dimension_numbers = #tpu.dot_dimension_numbers<[1], [0], [0], [1], [0, 0, 1, 1], [], []>, transpose_lhs_hint = false} : vector<1024x1024xbf16>, vector<1024x6xbf16>, vector<1024x6xf32> -> vector<1024x6xf32>
    %convert_element_type3A_185 = arith.extf %convert_element_type3A_182 : vector<1024x6xbf16> to vector<1024x6xf32>
    %mul3A_186 = vector.broadcast %convert_element_type3A_179 : vector<1024x1xf32> to vector<1024x6xf32>
    %mul3A_187 = arith.mulf %mul3A_186, %convert_element_type3A_185 : vector<1024x6xf32>
    %sub3A_188 = arith.subf %dot_general3A_184, %mul3A_187 : vector<1024x6xf32>
    %mul3A_189 = vector.broadcast %select_n3A_176 : vector<1024x1xf32> to vector<1024x6xf32>
    %mul3A_190 = arith.mulf %mul3A_189, %sub3A_188 : vector<1024x6xf32>
    %neg3A_191 = arith.constant 0.000000e+00 : f32
    %neg3A_192 = vector.broadcast %neg3A_191 : f32 to vector<1024x6xf32>
    %neg3A_193 = arith.subf %neg3A_192, %mul3A_190 : vector<1024x6xf32>
    %mul3A_194 = vector.broadcast %select_n3A_176 : vector<1024x1xf32> to vector<1024x6xf32>
    %mul3A_195 = arith.mulf %mul3A_194, %mul3A_190 : vector<1024x6xf32>
    %convert_element_type3A_196 = arith.truncf %mul3A_195 : vector<1024x6xf32> to vector<1024x6xbf16>
    %dot_general3A_197 = arith.constant dense<0.000000e+00> : vector<1024x6xf32>
    %dot_general3A_198 = tpu.matmul %convert_element_type3A_177, %convert_element_type3A_196, %dot_general3A_197 {dimension_numbers = #tpu.dot_dimension_numbers<[1], [0], [0], [1], [0, 0, 1, 1], [], []>, transpose_lhs_hint = false} : vector<1024x1024xbf16>, vector<1024x6xbf16>, vector<1024x6xf32> -> vector<1024x6xf32>
    %convert_element_type3A_199 = arith.extf %convert_element_type3A_196 : vector<1024x6xbf16> to vector<1024x6xf32>
    %mul3A_200 = vector.broadcast %convert_element_type3A_179 : vector<1024x1xf32> to vector<1024x6xf32>
    %mul3A_201 = arith.mulf %mul3A_200, %convert_element_type3A_199 : vector<1024x6xf32>
    %sub3A_202 = arith.subf %dot_general3A_198, %mul3A_201 : vector<1024x6xf32>
    %mul3A_203 = vector.broadcast %select_n3A_176 : vector<1024x1xf32> to vector<1024x6xf32>
    %mul3A_204 = arith.mulf %mul3A_203, %sub3A_202 : vector<1024x6xf32>
    %mul3A_205 = arith.constant 2.000000e+00 : f32
    %mul3A_206 = vector.broadcast %mul3A_205 : f32 to vector<1024x6xf32>
    %mul3A_207 = arith.mulf %mul3A_206, %mul3A_204 : vector<1024x6xf32>
    %sub3A_208 = arith.subf %mul3A_207, %get3A_135 : vector<1024x6xf32>
    %mul3A_209 = arith.constant 1.000000e+00 : f32
    %mul3A_210 = vector.broadcast %mul3A_209 : f32 to vector<1024x6xf32>
    %mul3A_211 = arith.mulf %mul3A_210, %sub3A_208 : vector<1024x6xf32>
    %mul3A_212 = vector.broadcast %select_n3A_176 : vector<1024x1xf32> to vector<1024x6xf32>
    %mul3A_213 = arith.mulf %mul3A_212, %sub3A_208 : vector<1024x6xf32>
    %convert_element_type3A_214 = arith.truncf %mul3A_213 : vector<1024x6xf32> to vector<1024x6xbf16>
    %dot_general3A_215 = arith.constant dense<0.000000e+00> : vector<1024x6xf32>
    %dot_general3A_216 = tpu.matmul %convert_element_type3A_177, %convert_element_type3A_214, %dot_general3A_215 {dimension_numbers = #tpu.dot_dimension_numbers<[1], [0], [0], [1], [0, 0, 1, 1], [], []>, transpose_lhs_hint = false} : vector<1024x1024xbf16>, vector<1024x6xbf16>, vector<1024x6xf32> -> vector<1024x6xf32>
    %convert_element_type3A_217 = arith.extf %convert_element_type3A_214 : vector<1024x6xbf16> to vector<1024x6xf32>
    %mul3A_218 = vector.broadcast %convert_element_type3A_179 : vector<1024x1xf32> to vector<1024x6xf32>
    %mul3A_219 = arith.mulf %mul3A_218, %convert_element_type3A_217 : vector<1024x6xf32>
    %sub3A_220 = arith.subf %dot_general3A_216, %mul3A_219 : vector<1024x6xf32>
    %mul3A_221 = vector.broadcast %select_n3A_176 : vector<1024x1xf32> to vector<1024x6xf32>
    %mul3A_222 = arith.mulf %mul3A_221, %sub3A_220 : vector<1024x6xf32>
    %mul3A_223 = arith.constant 2.000000e+00 : f32
    %mul3A_224 = vector.broadcast %mul3A_223 : f32 to vector<1024x6xf32>
    %mul3A_225 = arith.mulf %mul3A_224, %mul3A_222 : vector<1024x6xf32>
    %sub3A_226 = arith.subf %mul3A_225, %mul3A_190 : vector<1024x6xf32>
    %mul3A_227 = arith.constant -1.000000e+00 : f32
    %mul3A_228 = vector.broadcast %mul3A_227 : f32 to vector<1024x6xf32>
    %mul3A_229 = arith.mulf %mul3A_228, %sub3A_226 : vector<1024x6xf32>
    %mul3A_230 = vector.broadcast %select_n3A_176 : vector<1024x1xf32> to vector<1024x6xf32>
    %mul3A_231 = arith.mulf %mul3A_230, %sub3A_226 : vector<1024x6xf32>
    %convert_element_type3A_232 = arith.truncf %mul3A_231 : vector<1024x6xf32> to vector<1024x6xbf16>
    %dot_general3A_233 = arith.constant dense<0.000000e+00> : vector<1024x6xf32>
    %dot_general3A_234 = tpu.matmul %convert_element_type3A_177, %convert_element_type3A_232, %dot_general3A_233 {dimension_numbers = #tpu.dot_dimension_numbers<[1], [0], [0], [1], [0, 0, 1, 1], [], []>, transpose_lhs_hint = false} : vector<1024x1024xbf16>, vector<1024x6xbf16>, vector<1024x6xf32> -> vector<1024x6xf32>
    %convert_element_type3A_235 = arith.extf %convert_element_type3A_232 : vector<1024x6xbf16> to vector<1024x6xf32>
    %mul3A_236 = vector.broadcast %convert_element_type3A_179 : vector<1024x1xf32> to vector<1024x6xf32>
    %mul3A_237 = arith.mulf %mul3A_236, %convert_element_type3A_235 : vector<1024x6xf32>
    %sub3A_238 = arith.subf %dot_general3A_234, %mul3A_237 : vector<1024x6xf32>
    %mul3A_239 = vector.broadcast %select_n3A_176 : vector<1024x1xf32> to vector<1024x6xf32>
    %mul3A_240 = arith.mulf %mul3A_239, %sub3A_238 : vector<1024x6xf32>
    %mul3A_241 = arith.constant 2.000000e+00 : f32
    %mul3A_242 = vector.broadcast %mul3A_241 : f32 to vector<1024x6xf32>
    %mul3A_243 = arith.mulf %mul3A_242, %mul3A_240 : vector<1024x6xf32>
    %sub3A_244 = arith.subf %mul3A_243, %sub3A_208 : vector<1024x6xf32>
    %mul3A_245 = arith.constant 1.000000e+00 : f32
    %mul3A_246 = vector.broadcast %mul3A_245 : f32 to vector<1024x6xf32>
    %mul3A_247 = arith.mulf %mul3A_246, %sub3A_244 : vector<1024x6xf32>
    %mul3A_248 = vector.broadcast %select_n3A_176 : vector<1024x1xf32> to vector<1024x6xf32>
    %mul3A_249 = arith.mulf %mul3A_248, %sub3A_244 : vector<1024x6xf32>
    %convert_element_type3A_250 = arith.truncf %mul3A_249 : vector<1024x6xf32> to vector<1024x6xbf16>
    %dot_general3A_251 = arith.constant dense<0.000000e+00> : vector<1024x6xf32>
    %dot_general3A_252 = tpu.matmul %convert_element_type3A_177, %convert_element_type3A_250, %dot_general3A_251 {dimension_numbers = #tpu.dot_dimension_numbers<[1], [0], [0], [1], [0, 0, 1, 1], [], []>, transpose_lhs_hint = false} : vector<1024x1024xbf16>, vector<1024x6xbf16>, vector<1024x6xf32> -> vector<1024x6xf32>
    %convert_element_type3A_253 = arith.extf %convert_element_type3A_250 : vector<1024x6xbf16> to vector<1024x6xf32>
    %mul3A_254 = vector.broadcast %convert_element_type3A_179 : vector<1024x1xf32> to vector<1024x6xf32>
    %mul3A_255 = arith.mulf %mul3A_254, %convert_element_type3A_253 : vector<1024x6xf32>
    %sub3A_256 = arith.subf %dot_general3A_252, %mul3A_255 : vector<1024x6xf32>
    %mul3A_257 = vector.broadcast %select_n3A_176 : vector<1024x1xf32> to vector<1024x6xf32>
    %mul3A_258 = arith.mulf %mul3A_257, %sub3A_256 : vector<1024x6xf32>
    %mul3A_259 = arith.constant 2.000000e+00 : f32
    %mul3A_260 = vector.broadcast %mul3A_259 : f32 to vector<1024x6xf32>
    %mul3A_261 = arith.mulf %mul3A_260, %mul3A_258 : vector<1024x6xf32>
    %sub3A_262 = arith.subf %mul3A_261, %sub3A_226 : vector<1024x6xf32>
    %mul3A_263 = arith.constant -1.000000e+00 : f32
    %mul3A_264 = vector.broadcast %mul3A_263 : f32 to vector<1024x6xf32>
    %mul3A_265 = arith.mulf %mul3A_264, %sub3A_262 : vector<1024x6xf32>
    %concatenate3A_266 = tpu.concatenate %get3A_135, %neg3A_193, %mul3A_211, %mul3A_229, %mul3A_247, %mul3A_265 in 1 : vector<1024x6xf32>, vector<1024x6xf32>, vector<1024x6xf32>, vector<1024x6xf32>, vector<1024x6xf32>, vector<1024x6xf32> -> vector<1024x36xf32>
    %get3A_267 = arith.constant 0 : index
    %get3A_268 = arith.constant 0 : index
    %get3A_269 = vector.load %arg2[%get3A_267, %get3A_268] : memref<36x128xf32, #tpu.memory_space<vmem>>, vector<36x128xf32>
    %dot_general3A_270 = arith.constant dense<0.000000e+00> : vector<1024x128xf32>
    %dot_general3A_271 = tpu.matmul %concatenate3A_266, %get3A_269, %dot_general3A_270 {dimension_numbers = #tpu.dot_dimension_numbers<[1], [0], [0], [1], [0, 0, 1, 1], [], []>, transpose_lhs_hint = false} : vector<1024x36xf32>, vector<36x128xf32>, vector<1024x128xf32> -> vector<1024x128xf32>
    %get3A_272 = arith.constant 0 : index
    %get3A_273 = arith.constant 0 : index
    %get3A_274 = vector.load %arg3[%get3A_272, %get3A_273] : memref<1x128xf32, #tpu.memory_space<vmem>>, vector<1x128xf32>
    %add3A_275 = vector.broadcast %get3A_274 : vector<1x128xf32> to vector<1024x128xf32>
    %add3A_276 = arith.addf %dot_general3A_271, %add3A_275 : vector<1024x128xf32>
    %max3A_277 = arith.constant 0.000000e+00 : f32
    %max3A_278 = vector.broadcast %max3A_277 : f32 to vector<1024x128xf32>
    %max3A_279 = arith.maximumf %add3A_276, %max3A_278 : vector<1024x128xf32>
    %swap3A_280 = arith.constant 1024 : index
    %swap3A_281 = arith.constant 0 : index
    %swap3A_282 = vector.load %arg4[%swap3A_280, %swap3A_281] : memref<4096x128xf32, #tpu.memory_space<vmem>>, vector<1024x128xf32>
    tpu.vector_store %arg4[%swap3A_280, %swap3A_281], %max3A_279 {strides = array<i32>} : memref<4096x128xf32, #tpu.memory_space<vmem>>, vector<1024x128xf32>,
    %get3A_283 = arith.constant 2048 : index
    %get3A_284 = arith.constant 0 : index
    %get3A_285 = vector.load %arg1[%get3A_283, %get3A_284] : memref<4096x6xf32, #tpu.memory_space<vmem>>, vector<1024x6xf32>
    %dot_general3A_286 = arith.constant dense<0.000000e+00> : vector<1024x1024xf32>
    %dot_general3A_287 = tpu.matmul %get3A_285, %get3A_285, %dot_general3A_286 {dimension_numbers = #tpu.dot_dimension_numbers<[1], [1], [0], [0], [0, 0, 1, 0], [], []>, transpose_lhs_hint = false} : vector<1024x6xf32>, vector<1024x6xf32>, vector<1024x1024xf32> -> vector<1024x1024xf32>
    %mul3A_288 = arith.mulf %get3A_285, %get3A_285 : vector<1024x6xf32>
    %reduce_sum3A_289 = arith.constant dense<0.000000e+00> : vector<1024xf32>
    %reduce_sum3A_290 = vector.multi_reduction <add>, %mul3A_288, %reduce_sum3A_289 [1] : vector<1024x6xf32> to vector<1024xf32>
    %broadcast_in_dim3A_291 = vector.shape_cast %reduce_sum3A_290 : vector<1024xf32> to vector<1024x1xf32>
    %broadcast_in_dim3A_292 = arith.constant 1.000000e+00 : f32
    %broadcast_in_dim3A_293 = vector.broadcast %broadcast_in_dim3A_292 : f32 to vector<1x6xf32>
    %dot_general3A_294 = arith.constant dense<0.000000e+00> : vector<1x1024xf32>
    %dot_general3A_295 = tpu.matmul %broadcast_in_dim3A_293, %mul3A_288, %dot_general3A_294 {dimension_numbers = #tpu.dot_dimension_numbers<[1], [1], [0], [0], [0, 0, 1, 0], [], []>, precision = #tpu.contract_precision<fp32>, transpose_lhs_hint = false} : vector<1x6xf32>, vector<1024x6xf32>, vector<1x1024xf32> -> vector<1x1024xf32>
    %mul3A_296 = arith.constant 2.000000e+00 : f32
    %mul3A_297 = vector.broadcast %mul3A_296 : f32 to vector<1024x1024xf32>
    %mul3A_298 = arith.mulf %mul3A_297, %dot_general3A_287 : vector<1024x1024xf32>
    %add3A_299 = vector.broadcast %broadcast_in_dim3A_291 : vector<1024x1xf32> to vector<1024x1024xf32>
    %add3A_300 = vector.broadcast %dot_general3A_295 : vector<1x1024xf32> to vector<1024x1024xf32>
    %add3A_301 = arith.addf %add3A_299, %add3A_300 : vector<1024x1024xf32>
    %sub3A_302 = arith.subf %mul3A_298, %add3A_301 : vector<1024x1024xf32>
    %exp3A_303 = math.exp %sub3A_302 : vector<1024x1024xf32>
    %convert_element_type3A_304 = arith.truncf %get3A_285 : vector<1024x6xf32> to vector<1024x6xbf16>
    %convert_element_type3A_305 = arith.extf %convert_element_type3A_304 : vector<1024x6xbf16> to vector<1024x6xf32>
    %mul3A_306 = arith.mulf %convert_element_type3A_305, %convert_element_type3A_305 : vector<1024x6xf32>
    %reduce_sum3A_307 = arith.constant dense<0.000000e+00> : vector<1024xf32>
    %reduce_sum3A_308 = vector.multi_reduction <add>, %mul3A_306, %reduce_sum3A_307 [1] : vector<1024x6xf32> to vector<1024xf32>
    %broadcast_in_dim3A_309 = vector.shape_cast %reduce_sum3A_308 : vector<1024xf32> to vector<1024x1xf32>
    %mul3A_310 = arith.constant 2.000000e+00 : f32
    %mul3A_311 = vector.broadcast %mul3A_310 : f32 to vector<1024x1xf32>
    %mul3A_312 = arith.mulf %mul3A_311, %broadcast_in_dim3A_309 : vector<1024x1xf32>
    %add3A_313 = arith.addf %broadcast_in_dim3A_291, %broadcast_in_dim3A_291 : vector<1024x1xf32>
    %sub3A_314 = arith.subf %mul3A_312, %add3A_313 : vector<1024x1xf32>
    %exp3A_315 = math.exp %sub3A_314 : vector<1024x1xf32>
    %reduce_sum3A_316 = arith.constant dense<0.000000e+00> : vector<1024xf32>
    %reduce_sum3A_317 = vector.multi_reduction <add>, %exp3A_303, %reduce_sum3A_316 [1] : vector<1024x1024xf32> to vector<1024xf32>
    %broadcast_in_dim3A_318 = vector.shape_cast %reduce_sum3A_317 : vector<1024xf32> to vector<1024x1xf32>
    %sub3A_319 = arith.subf %broadcast_in_dim3A_318, %exp3A_315 : vector<1024x1xf32>
    %gt3A_320 = arith.constant 0.000000e+00 : f32
    %gt3A_321 = vector.broadcast %gt3A_320 : f32 to vector<1024x1xf32>
    %gt3A_322 = arith.cmpf ogt, %sub3A_319, %gt3A_321 : vector<1024x1xf32>
    %rsqrt3A_323 = math.rsqrt %sub3A_319 : vector<1024x1xf32>
    %jit3A_324 = arith.constant 0.000000e+00 : f32
    %broadcast_in_dim3A_325 = vector.broadcast %jit3A_324 : f32 to vector<1024x1xf32>
    %select_n3A_326 = arith.select %gt3A_322, %rsqrt3A_323, %broadcast_in_dim3A_325 : vector<1024x1xi1>, vector<1024x1xf32>
    %convert_element_type3A_327 = arith.truncf %exp3A_303 : vector<1024x1024xf32> to vector<1024x1024xbf16>
    %convert_element_type3A_328 = arith.truncf %exp3A_315 : vector<1024x1xf32> to vector<1024x1xbf16>
    %convert_element_type3A_329 = arith.extf %convert_element_type3A_328 : vector<1024x1xbf16> to vector<1024x1xf32>
    %mul3A_330 = vector.broadcast %select_n3A_326 : vector<1024x1xf32> to vector<1024x6xf32>
    %mul3A_331 = arith.mulf %mul3A_330, %get3A_285 : vector<1024x6xf32>
    %convert_element_type3A_332 = arith.truncf %mul3A_331 : vector<1024x6xf32> to vector<1024x6xbf16>
    %dot_general3A_333 = arith.constant dense<0.000000e+00> : vector<1024x6xf32>
    %dot_general3A_334 = tpu.matmul %convert_element_type3A_327, %convert_element_type3A_332, %dot_general3A_333 {dimension_numbers = #tpu.dot_dimension_numbers<[1], [0], [0], [1], [0, 0, 1, 1], [], []>, transpose_lhs_hint = false} : vector<1024x1024xbf16>, vector<1024x6xbf16>, vector<1024x6xf32> -> vector<1024x6xf32>
    %convert_element_type3A_335 = arith.extf %convert_element_type3A_332 : vector<1024x6xbf16> to vector<1024x6xf32>
    %mul3A_336 = vector.broadcast %convert_element_type3A_329 : vector<1024x1xf32> to vector<1024x6xf32>
    %mul3A_337 = arith.mulf %mul3A_336, %convert_element_type3A_335 : vector<1024x6xf32>
    %sub3A_338 = arith.subf %dot_general3A_334, %mul3A_337 : vector<1024x6xf32>
    %mul3A_339 = vector.broadcast %select_n3A_326 : vector<1024x1xf32> to vector<1024x6xf32>
    %mul3A_340 = arith.mulf %mul3A_339, %sub3A_338 : vector<1024x6xf32>
    %neg3A_341 = arith.constant 0.000000e+00 : f32
    %neg3A_342 = vector.broadcast %neg3A_341 : f32 to vector<1024x6xf32>
    %neg3A_343 = arith.subf %neg3A_342, %mul3A_340 : vector<1024x6xf32>
    %mul3A_344 = vector.broadcast %select_n3A_326 : vector<1024x1xf32> to vector<1024x6xf32>
    %mul3A_345 = arith.mulf %mul3A_344, %mul3A_340 : vector<1024x6xf32>
    %convert_element_type3A_346 = arith.truncf %mul3A_345 : vector<1024x6xf32> to vector<1024x6xbf16>
    %dot_general3A_347 = arith.constant dense<0.000000e+00> : vector<1024x6xf32>
    %dot_general3A_348 = tpu.matmul %convert_element_type3A_327, %convert_element_type3A_346, %dot_general3A_347 {dimension_numbers = #tpu.dot_dimension_numbers<[1], [0], [0], [1], [0, 0, 1, 1], [], []>, transpose_lhs_hint = false} : vector<1024x1024xbf16>, vector<1024x6xbf16>, vector<1024x6xf32> -> vector<1024x6xf32>
    %convert_element_type3A_349 = arith.extf %convert_element_type3A_346 : vector<1024x6xbf16> to vector<1024x6xf32>
    %mul3A_350 = vector.broadcast %convert_element_type3A_329 : vector<1024x1xf32> to vector<1024x6xf32>
    %mul3A_351 = arith.mulf %mul3A_350, %convert_element_type3A_349 : vector<1024x6xf32>
    %sub3A_352 = arith.subf %dot_general3A_348, %mul3A_351 : vector<1024x6xf32>
    %mul3A_353 = vector.broadcast %select_n3A_326 : vector<1024x1xf32> to vector<1024x6xf32>
    %mul3A_354 = arith.mulf %mul3A_353, %sub3A_352 : vector<1024x6xf32>
    %mul3A_355 = arith.constant 2.000000e+00 : f32
    %mul3A_356 = vector.broadcast %mul3A_355 : f32 to vector<1024x6xf32>
    %mul3A_357 = arith.mulf %mul3A_356, %mul3A_354 : vector<1024x6xf32>
    %sub3A_358 = arith.subf %mul3A_357, %get3A_285 : vector<1024x6xf32>
    %mul3A_359 = arith.constant 1.000000e+00 : f32
    %mul3A_360 = vector.broadcast %mul3A_359 : f32 to vector<1024x6xf32>
    %mul3A_361 = arith.mulf %mul3A_360, %sub3A_358 : vector<1024x6xf32>
    %mul3A_362 = vector.broadcast %select_n3A_326 : vector<1024x1xf32> to vector<1024x6xf32>
    %mul3A_363 = arith.mulf %mul3A_362, %sub3A_358 : vector<1024x6xf32>
    %convert_element_type3A_364 = arith.truncf %mul3A_363 : vector<1024x6xf32> to vector<1024x6xbf16>
    %dot_general3A_365 = arith.constant dense<0.000000e+00> : vector<1024x6xf32>
    %dot_general3A_366 = tpu.matmul %convert_element_type3A_327, %convert_element_type3A_364, %dot_general3A_365 {dimension_numbers = #tpu.dot_dimension_numbers<[1], [0], [0], [1], [0, 0, 1, 1], [], []>, transpose_lhs_hint = false} : vector<1024x1024xbf16>, vector<1024x6xbf16>, vector<1024x6xf32> -> vector<1024x6xf32>
    %convert_element_type3A_367 = arith.extf %convert_element_type3A_364 : vector<1024x6xbf16> to vector<1024x6xf32>
    %mul3A_368 = vector.broadcast %convert_element_type3A_329 : vector<1024x1xf32> to vector<1024x6xf32>
    %mul3A_369 = arith.mulf %mul3A_368, %convert_element_type3A_367 : vector<1024x6xf32>
    %sub3A_370 = arith.subf %dot_general3A_366, %mul3A_369 : vector<1024x6xf32>
    %mul3A_371 = vector.broadcast %select_n3A_326 : vector<1024x1xf32> to vector<1024x6xf32>
    %mul3A_372 = arith.mulf %mul3A_371, %sub3A_370 : vector<1024x6xf32>
    %mul3A_373 = arith.constant 2.000000e+00 : f32
    %mul3A_374 = vector.broadcast %mul3A_373 : f32 to vector<1024x6xf32>
    %mul3A_375 = arith.mulf %mul3A_374, %mul3A_372 : vector<1024x6xf32>
    %sub3A_376 = arith.subf %mul3A_375, %mul3A_340 : vector<1024x6xf32>
    %mul3A_377 = arith.constant -1.000000e+00 : f32
    %mul3A_378 = vector.broadcast %mul3A_377 : f32 to vector<1024x6xf32>
    %mul3A_379 = arith.mulf %mul3A_378, %sub3A_376 : vector<1024x6xf32>
    %mul3A_380 = vector.broadcast %select_n3A_326 : vector<1024x1xf32> to vector<1024x6xf32>
    %mul3A_381 = arith.mulf %mul3A_380, %sub3A_376 : vector<1024x6xf32>
    %convert_element_type3A_382 = arith.truncf %mul3A_381 : vector<1024x6xf32> to vector<1024x6xbf16>
    %dot_general3A_383 = arith.constant dense<0.000000e+00> : vector<1024x6xf32>
    %dot_general3A_384 = tpu.matmul %convert_element_type3A_327, %convert_element_type3A_382, %dot_general3A_383 {dimension_numbers = #tpu.dot_dimension_numbers<[1], [0], [0], [1], [0, 0, 1, 1], [], []>, transpose_lhs_hint = false} : vector<1024x1024xbf16>, vector<1024x6xbf16>, vector<1024x6xf32> -> vector<1024x6xf32>
    %convert_element_type3A_385 = arith.extf %convert_element_type3A_382 : vector<1024x6xbf16> to vector<1024x6xf32>
    %mul3A_386 = vector.broadcast %convert_element_type3A_329 : vector<1024x1xf32> to vector<1024x6xf32>
    %mul3A_387 = arith.mulf %mul3A_386, %convert_element_type3A_385 : vector<1024x6xf32>
    %sub3A_388 = arith.subf %dot_general3A_384, %mul3A_387 : vector<1024x6xf32>
    %mul3A_389 = vector.broadcast %select_n3A_326 : vector<1024x1xf32> to vector<1024x6xf32>
    %mul3A_390 = arith.mulf %mul3A_389, %sub3A_388 : vector<1024x6xf32>
    %mul3A_391 = arith.constant 2.000000e+00 : f32
    %mul3A_392 = vector.broadcast %mul3A_391 : f32 to vector<1024x6xf32>
    %mul3A_393 = arith.mulf %mul3A_392, %mul3A_390 : vector<1024x6xf32>
    %sub3A_394 = arith.subf %mul3A_393, %sub3A_358 : vector<1024x6xf32>
    %mul3A_395 = arith.constant 1.000000e+00 : f32
    %mul3A_396 = vector.broadcast %mul3A_395 : f32 to vector<1024x6xf32>
    %mul3A_397 = arith.mulf %mul3A_396, %sub3A_394 : vector<1024x6xf32>
    %mul3A_398 = vector.broadcast %select_n3A_326 : vector<1024x1xf32> to vector<1024x6xf32>
    %mul3A_399 = arith.mulf %mul3A_398, %sub3A_394 : vector<1024x6xf32>
    %convert_element_type3A_400 = arith.truncf %mul3A_399 : vector<1024x6xf32> to vector<1024x6xbf16>
    %dot_general3A_401 = arith.constant dense<0.000000e+00> : vector<1024x6xf32>
    %dot_general3A_402 = tpu.matmul %convert_element_type3A_327, %convert_element_type3A_400, %dot_general3A_401 {dimension_numbers = #tpu.dot_dimension_numbers<[1], [0], [0], [1], [0, 0, 1, 1], [], []>, transpose_lhs_hint = false} : vector<1024x1024xbf16>, vector<1024x6xbf16>, vector<1024x6xf32> -> vector<1024x6xf32>
    %convert_element_type3A_403 = arith.extf %convert_element_type3A_400 : vector<1024x6xbf16> to vector<1024x6xf32>
    %mul3A_404 = vector.broadcast %convert_element_type3A_329 : vector<1024x1xf32> to vector<1024x6xf32>
    %mul3A_405 = arith.mulf %mul3A_404, %convert_element_type3A_403 : vector<1024x6xf32>
    %sub3A_406 = arith.subf %dot_general3A_402, %mul3A_405 : vector<1024x6xf32>
    %mul3A_407 = vector.broadcast %select_n3A_326 : vector<1024x1xf32> to vector<1024x6xf32>
    %mul3A_408 = arith.mulf %mul3A_407, %sub3A_406 : vector<1024x6xf32>
    %mul3A_409 = arith.constant 2.000000e+00 : f32
    %mul3A_410 = vector.broadcast %mul3A_409 : f32 to vector<1024x6xf32>
    %mul3A_411 = arith.mulf %mul3A_410, %mul3A_408 : vector<1024x6xf32>
    %sub3A_412 = arith.subf %mul3A_411, %sub3A_376 : vector<1024x6xf32>
    %mul3A_413 = arith.constant -1.000000e+00 : f32
    %mul3A_414 = vector.broadcast %mul3A_413 : f32 to vector<1024x6xf32>
    %mul3A_415 = arith.mulf %mul3A_414, %sub3A_412 : vector<1024x6xf32>
    %concatenate3A_416 = tpu.concatenate %get3A_285, %neg3A_343, %mul3A_361, %mul3A_379, %mul3A_397, %mul3A_415 in 1 : vector<1024x6xf32>, vector<1024x6xf32>, vector<1024x6xf32>, vector<1024x6xf32>, vector<1024x6xf32>, vector<1024x6xf32> -> vector<1024x36xf32>
    %get3A_417 = arith.constant 0 : index
    %get3A_418 = arith.constant 0 : index
    %get3A_419 = vector.load %arg2[%get3A_417, %get3A_418] : memref<36x128xf32, #tpu.memory_space<vmem>>, vector<36x128xf32>
    %dot_general3A_420 = arith.constant dense<0.000000e+00> : vector<1024x128xf32>
    %dot_general3A_421 = tpu.matmul %concatenate3A_416, %get3A_419, %dot_general3A_420 {dimension_numbers = #tpu.dot_dimension_numbers<[1], [0], [0], [1], [0, 0, 1, 1], [], []>, transpose_lhs_hint = false} : vector<1024x36xf32>, vector<36x128xf32>, vector<1024x128xf32> -> vector<1024x128xf32>
    %get3A_422 = arith.constant 0 : index
    %get3A_423 = arith.constant 0 : index
    %get3A_424 = vector.load %arg3[%get3A_422, %get3A_423] : memref<1x128xf32, #tpu.memory_space<vmem>>, vector<1x128xf32>
    %add3A_425 = vector.broadcast %get3A_424 : vector<1x128xf32> to vector<1024x128xf32>
    %add3A_426 = arith.addf %dot_general3A_421, %add3A_425 : vector<1024x128xf32>
    %max3A_427 = arith.constant 0.000000e+00 : f32
    %max3A_428 = vector.broadcast %max3A_427 : f32 to vector<1024x128xf32>
    %max3A_429 = arith.maximumf %add3A_426, %max3A_428 : vector<1024x128xf32>
    %swap3A_430 = arith.constant 2048 : index
    %swap3A_431 = arith.constant 0 : index
    %swap3A_432 = vector.load %arg4[%swap3A_430, %swap3A_431] : memref<4096x128xf32, #tpu.memory_space<vmem>>, vector<1024x128xf32>
    tpu.vector_store %arg4[%swap3A_430, %swap3A_431], %max3A_429 {strides = array<i32>} : memref<4096x128xf32, #tpu.memory_space<vmem>>, vector<1024x128xf32>,
    %get3A_433 = arith.constant 3072 : index
    %get3A_434 = arith.constant 0 : index
    %get3A_435 = vector.load %arg1[%get3A_433, %get3A_434] : memref<4096x6xf32, #tpu.memory_space<vmem>>, vector<1024x6xf32>
    %dot_general3A_436 = arith.constant dense<0.000000e+00> : vector<1024x1024xf32>
    %dot_general3A_437 = tpu.matmul %get3A_435, %get3A_435, %dot_general3A_436 {dimension_numbers = #tpu.dot_dimension_numbers<[1], [1], [0], [0], [0, 0, 1, 0], [], []>, transpose_lhs_hint = false} : vector<1024x6xf32>, vector<1024x6xf32>, vector<1024x1024xf32> -> vector<1024x1024xf32>
    %mul3A_438 = arith.mulf %get3A_435, %get3A_435 : vector<1024x6xf32>
    %reduce_sum3A_439 = arith.constant dense<0.000000e+00> : vector<1024xf32>
    %reduce_sum3A_440 = vector.multi_reduction <add>, %mul3A_438, %reduce_sum3A_439 [1] : vector<1024x6xf32> to vector<1024xf32>
    %broadcast_in_dim3A_441 = vector.shape_cast %reduce_sum3A_440 : vector<1024xf32> to vector<1024x1xf32>
    %broadcast_in_dim3A_442 = arith.constant 1.000000e+00 : f32
    %broadcast_in_dim3A_443 = vector.broadcast %broadcast_in_dim3A_442 : f32 to vector<1x6xf32>
    %dot_general3A_444 = arith.constant dense<0.000000e+00> : vector<1x1024xf32>
    %dot_general3A_445 = tpu.matmul %broadcast_in_dim3A_443, %mul3A_438, %dot_general3A_444 {dimension_numbers = #tpu.dot_dimension_numbers<[1], [1], [0], [0], [0, 0, 1, 0], [], []>, precision = #tpu.contract_precision<fp32>, transpose_lhs_hint = false} : vector<1x6xf32>, vector<1024x6xf32>, vector<1x1024xf32> -> vector<1x1024xf32>
    %mul3A_446 = arith.constant 2.000000e+00 : f32
    %mul3A_447 = vector.broadcast %mul3A_446 : f32 to vector<1024x1024xf32>
    %mul3A_448 = arith.mulf %mul3A_447, %dot_general3A_437 : vector<1024x1024xf32>
    %add3A_449 = vector.broadcast %broadcast_in_dim3A_441 : vector<1024x1xf32> to vector<1024x1024xf32>
    %add3A_450 = vector.broadcast %dot_general3A_445 : vector<1x1024xf32> to vector<1024x1024xf32>
    %add3A_451 = arith.addf %add3A_449, %add3A_450 : vector<1024x1024xf32>
    %sub3A_452 = arith.subf %mul3A_448, %add3A_451 : vector<1024x1024xf32>
    %exp3A_453 = math.exp %sub3A_452 : vector<1024x1024xf32>
    %convert_element_type3A_454 = arith.truncf %get3A_435 : vector<1024x6xf32> to vector<1024x6xbf16>
    %convert_element_type3A_455 = arith.extf %convert_element_type3A_454 : vector<1024x6xbf16> to vector<1024x6xf32>
    %mul3A_456 = arith.mulf %convert_element_type3A_455, %convert_element_type3A_455 : vector<1024x6xf32>
    %reduce_sum3A_457 = arith.constant dense<0.000000e+00> : vector<1024xf32>
    %reduce_sum3A_458 = vector.multi_reduction <add>, %mul3A_456, %reduce_sum3A_457 [1] : vector<1024x6xf32> to vector<1024xf32>
    %broadcast_in_dim3A_459 = vector.shape_cast %reduce_sum3A_458 : vector<1024xf32> to vector<1024x1xf32>
    %mul3A_460 = arith.constant 2.000000e+00 : f32
    %mul3A_461 = vector.broadcast %mul3A_460 : f32 to vector<1024x1xf32>
    %mul3A_462 = arith.mulf %mul3A_461, %broadcast_in_dim3A_459 : vector<1024x1xf32>
    %add3A_463 = arith.addf %broadcast_in_dim3A_441, %broadcast_in_dim3A_441 : vector<1024x1xf32>
    %sub3A_464 = arith.subf %mul3A_462, %add3A_463 : vector<1024x1xf32>
    %exp3A_465 = math.exp %sub3A_464 : vector<1024x1xf32>
    %reduce_sum3A_466 = arith.constant dense<0.000000e+00> : vector<1024xf32>
    %reduce_sum3A_467 = vector.multi_reduction <add>, %exp3A_453, %reduce_sum3A_466 [1] : vector<1024x1024xf32> to vector<1024xf32>
    %broadcast_in_dim3A_468 = vector.shape_cast %reduce_sum3A_467 : vector<1024xf32> to vector<1024x1xf32>
    %sub3A_469 = arith.subf %broadcast_in_dim3A_468, %exp3A_465 : vector<1024x1xf32>
    %gt3A_470 = arith.constant 0.000000e+00 : f32
    %gt3A_471 = vector.broadcast %gt3A_470 : f32 to vector<1024x1xf32>
    %gt3A_472 = arith.cmpf ogt, %sub3A_469, %gt3A_471 : vector<1024x1xf32>
    %rsqrt3A_473 = math.rsqrt %sub3A_469 : vector<1024x1xf32>
    %jit3A_474 = arith.constant 0.000000e+00 : f32
    %broadcast_in_dim3A_475 = vector.broadcast %jit3A_474 : f32 to vector<1024x1xf32>
    %select_n3A_476 = arith.select %gt3A_472, %rsqrt3A_473, %broadcast_in_dim3A_475 : vector<1024x1xi1>, vector<1024x1xf32>
    %convert_element_type3A_477 = arith.truncf %exp3A_453 : vector<1024x1024xf32> to vector<1024x1024xbf16>
    %convert_element_type3A_478 = arith.truncf %exp3A_465 : vector<1024x1xf32> to vector<1024x1xbf16>
    %convert_element_type3A_479 = arith.extf %convert_element_type3A_478 : vector<1024x1xbf16> to vector<1024x1xf32>
    %mul3A_480 = vector.broadcast %select_n3A_476 : vector<1024x1xf32> to vector<1024x6xf32>
    %mul3A_481 = arith.mulf %mul3A_480, %get3A_435 : vector<1024x6xf32>
    %convert_element_type3A_482 = arith.truncf %mul3A_481 : vector<1024x6xf32> to vector<1024x6xbf16>
    %dot_general3A_483 = arith.constant dense<0.000000e+00> : vector<1024x6xf32>
    %dot_general3A_484 = tpu.matmul %convert_element_type3A_477, %convert_element_type3A_482, %dot_general3A_483 {dimension_numbers = #tpu.dot_dimension_numbers<[1], [0], [0], [1], [0, 0, 1, 1], [], []>, transpose_lhs_hint = false} : vector<1024x1024xbf16>, vector<1024x6xbf16>, vector<1024x6xf32> -> vector<1024x6xf32>
    %convert_element_type3A_485 = arith.extf %convert_element_type3A_482 : vector<1024x6xbf16> to vector<1024x6xf32>
    %mul3A_486 = vector.broadcast %convert_element_type3A_479 : vector<1024x1xf32> to vector<1024x6xf32>
    %mul3A_487 = arith.mulf %mul3A_486, %convert_element_type3A_485 : vector<1024x6xf32>
    %sub3A_488 = arith.subf %dot_general3A_484, %mul3A_487 : vector<1024x6xf32>
    %mul3A_489 = vector.broadcast %select_n3A_476 : vector<1024x1xf32> to vector<1024x6xf32>
    %mul3A_490 = arith.mulf %mul3A_489, %sub3A_488 : vector<1024x6xf32>
    %neg3A_491 = arith.constant 0.000000e+00 : f32
    %neg3A_492 = vector.broadcast %neg3A_491 : f32 to vector<1024x6xf32>
    %neg3A_493 = arith.subf %neg3A_492, %mul3A_490 : vector<1024x6xf32>
    %mul3A_494 = vector.broadcast %select_n3A_476 : vector<1024x1xf32> to vector<1024x6xf32>
    %mul3A_495 = arith.mulf %mul3A_494, %mul3A_490 : vector<1024x6xf32>
    %convert_element_type3A_496 = arith.truncf %mul3A_495 : vector<1024x6xf32> to vector<1024x6xbf16>
    %dot_general3A_497 = arith.constant dense<0.000000e+00> : vector<1024x6xf32>
    %dot_general3A_498 = tpu.matmul %convert_element_type3A_477, %convert_element_type3A_496, %dot_general3A_497 {dimension_numbers = #tpu.dot_dimension_numbers<[1], [0], [0], [1], [0, 0, 1, 1], [], []>, transpose_lhs_hint = false} : vector<1024x1024xbf16>, vector<1024x6xbf16>, vector<1024x6xf32> -> vector<1024x6xf32>
    %convert_element_type3A_499 = arith.extf %convert_element_type3A_496 : vector<1024x6xbf16> to vector<1024x6xf32>
    %mul3A_500 = vector.broadcast %convert_element_type3A_479 : vector<1024x1xf32> to vector<1024x6xf32>
    %mul3A_501 = arith.mulf %mul3A_500, %convert_element_type3A_499 : vector<1024x6xf32>
    %sub3A_502 = arith.subf %dot_general3A_498, %mul3A_501 : vector<1024x6xf32>
    %mul3A_503 = vector.broadcast %select_n3A_476 : vector<1024x1xf32> to vector<1024x6xf32>
    %mul3A_504 = arith.mulf %mul3A_503, %sub3A_502 : vector<1024x6xf32>
    %mul3A_505 = arith.constant 2.000000e+00 : f32
    %mul3A_506 = vector.broadcast %mul3A_505 : f32 to vector<1024x6xf32>
    %mul3A_507 = arith.mulf %mul3A_506, %mul3A_504 : vector<1024x6xf32>
    %sub3A_508 = arith.subf %mul3A_507, %get3A_435 : vector<1024x6xf32>
    %mul3A_509 = arith.constant 1.000000e+00 : f32
    %mul3A_510 = vector.broadcast %mul3A_509 : f32 to vector<1024x6xf32>
    %mul3A_511 = arith.mulf %mul3A_510, %sub3A_508 : vector<1024x6xf32>
    %mul3A_512 = vector.broadcast %select_n3A_476 : vector<1024x1xf32> to vector<1024x6xf32>
    %mul3A_513 = arith.mulf %mul3A_512, %sub3A_508 : vector<1024x6xf32>
    %convert_element_type3A_514 = arith.truncf %mul3A_513 : vector<1024x6xf32> to vector<1024x6xbf16>
    %dot_general3A_515 = arith.constant dense<0.000000e+00> : vector<1024x6xf32>
    %dot_general3A_516 = tpu.matmul %convert_element_type3A_477, %convert_element_type3A_514, %dot_general3A_515 {dimension_numbers = #tpu.dot_dimension_numbers<[1], [0], [0], [1], [0, 0, 1, 1], [], []>, transpose_lhs_hint = false} : vector<1024x1024xbf16>, vector<1024x6xbf16>, vector<1024x6xf32> -> vector<1024x6xf32>
    %convert_element_type3A_517 = arith.extf %convert_element_type3A_514 : vector<1024x6xbf16> to vector<1024x6xf32>
    %mul3A_518 = vector.broadcast %convert_element_type3A_479 : vector<1024x1xf32> to vector<1024x6xf32>
    %mul3A_519 = arith.mulf %mul3A_518, %convert_element_type3A_517 : vector<1024x6xf32>
    %sub3A_520 = arith.subf %dot_general3A_516, %mul3A_519 : vector<1024x6xf32>
    %mul3A_521 = vector.broadcast %select_n3A_476 : vector<1024x1xf32> to vector<1024x6xf32>
    %mul3A_522 = arith.mulf %mul3A_521, %sub3A_520 : vector<1024x6xf32>
    %mul3A_523 = arith.constant 2.000000e+00 : f32
    %mul3A_524 = vector.broadcast %mul3A_523 : f32 to vector<1024x6xf32>
    %mul3A_525 = arith.mulf %mul3A_524, %mul3A_522 : vector<1024x6xf32>
    %sub3A_526 = arith.subf %mul3A_525, %mul3A_490 : vector<1024x6xf32>
    %mul3A_527 = arith.constant -1.000000e+00 : f32
    %mul3A_528 = vector.broadcast %mul3A_527 : f32 to vector<1024x6xf32>
    %mul3A_529 = arith.mulf %mul3A_528, %sub3A_526 : vector<1024x6xf32>
    %mul3A_530 = vector.broadcast %select_n3A_476 : vector<1024x1xf32> to vector<1024x6xf32>
    %mul3A_531 = arith.mulf %mul3A_530, %sub3A_526 : vector<1024x6xf32>
    %convert_element_type3A_532 = arith.truncf %mul3A_531 : vector<1024x6xf32> to vector<1024x6xbf16>
    %dot_general3A_533 = arith.constant dense<0.000000e+00> : vector<1024x6xf32>
    %dot_general3A_534 = tpu.matmul %convert_element_type3A_477, %convert_element_type3A_532, %dot_general3A_533 {dimension_numbers = #tpu.dot_dimension_numbers<[1], [0], [0], [1], [0, 0, 1, 1], [], []>, transpose_lhs_hint = false} : vector<1024x1024xbf16>, vector<1024x6xbf16>, vector<1024x6xf32> -> vector<1024x6xf32>
    %convert_element_type3A_535 = arith.extf %convert_element_type3A_532 : vector<1024x6xbf16> to vector<1024x6xf32>
    %mul3A_536 = vector.broadcast %convert_element_type3A_479 : vector<1024x1xf32> to vector<1024x6xf32>
    %mul3A_537 = arith.mulf %mul3A_536, %convert_element_type3A_535 : vector<1024x6xf32>
    %sub3A_538 = arith.subf %dot_general3A_534, %mul3A_537 : vector<1024x6xf32>
    %mul3A_539 = vector.broadcast %select_n3A_476 : vector<1024x1xf32> to vector<1024x6xf32>
    %mul3A_540 = arith.mulf %mul3A_539, %sub3A_538 : vector<1024x6xf32>
    %mul3A_541 = arith.constant 2.000000e+00 : f32
    %mul3A_542 = vector.broadcast %mul3A_541 : f32 to vector<1024x6xf32>
    %mul3A_543 = arith.mulf %mul3A_542, %mul3A_540 : vector<1024x6xf32>
    %sub3A_544 = arith.subf %mul3A_543, %sub3A_508 : vector<1024x6xf32>
    %mul3A_545 = arith.constant 1.000000e+00 : f32
    %mul3A_546 = vector.broadcast %mul3A_545 : f32 to vector<1024x6xf32>
    %mul3A_547 = arith.mulf %mul3A_546, %sub3A_544 : vector<1024x6xf32>
    %mul3A_548 = vector.broadcast %select_n3A_476 : vector<1024x1xf32> to vector<1024x6xf32>
    %mul3A_549 = arith.mulf %mul3A_548, %sub3A_544 : vector<1024x6xf32>
    %convert_element_type3A_550 = arith.truncf %mul3A_549 : vector<1024x6xf32> to vector<1024x6xbf16>
    %dot_general3A_551 = arith.constant dense<0.000000e+00> : vector<1024x6xf32>
    %dot_general3A_552 = tpu.matmul %convert_element_type3A_477, %convert_element_type3A_550, %dot_general3A_551 {dimension_numbers = #tpu.dot_dimension_numbers<[1], [0], [0], [1], [0, 0, 1, 1], [], []>, transpose_lhs_hint = false} : vector<1024x1024xbf16>, vector<1024x6xbf16>, vector<1024x6xf32> -> vector<1024x6xf32>
    %convert_element_type3A_553 = arith.extf %convert_element_type3A_550 : vector<1024x6xbf16> to vector<1024x6xf32>
    %mul3A_554 = vector.broadcast %convert_element_type3A_479 : vector<1024x1xf32> to vector<1024x6xf32>
    %mul3A_555 = arith.mulf %mul3A_554, %convert_element_type3A_553 : vector<1024x6xf32>
    %sub3A_556 = arith.subf %dot_general3A_552, %mul3A_555 : vector<1024x6xf32>
    %mul3A_557 = vector.broadcast %select_n3A_476 : vector<1024x1xf32> to vector<1024x6xf32>
    %mul3A_558 = arith.mulf %mul3A_557, %sub3A_556 : vector<1024x6xf32>
    %mul3A_559 = arith.constant 2.000000e+00 : f32
    %mul3A_560 = vector.broadcast %mul3A_559 : f32 to vector<1024x6xf32>
    %mul3A_561 = arith.mulf %mul3A_560, %mul3A_558 : vector<1024x6xf32>
    %sub3A_562 = arith.subf %mul3A_561, %sub3A_526 : vector<1024x6xf32>
    %mul3A_563 = arith.constant -1.000000e+00 : f32
    %mul3A_564 = vector.broadcast %mul3A_563 : f32 to vector<1024x6xf32>
    %mul3A_565 = arith.mulf %mul3A_564, %sub3A_562 : vector<1024x6xf32>
    %concatenate3A_566 = tpu.concatenate %get3A_435, %neg3A_493, %mul3A_511, %mul3A_529, %mul3A_547, %mul3A_565 in 1 : vector<1024x6xf32>, vector<1024x6xf32>, vector<1024x6xf32>, vector<1024x6xf32>, vector<1024x6xf32>, vector<1024x6xf32> -> vector<1024x36xf32>
    %get3A_567 = arith.constant 0 : index
    %get3A_568 = arith.constant 0 : index
    %get3A_569 = vector.load %arg2[%get3A_567, %get3A_568] : memref<36x128xf32, #tpu.memory_space<vmem>>, vector<36x128xf32>
    %dot_general3A_570 = arith.constant dense<0.000000e+00> : vector<1024x128xf32>
    %dot_general3A_571 = tpu.matmul %concatenate3A_566, %get3A_569, %dot_general3A_570 {dimension_numbers = #tpu.dot_dimension_numbers<[1], [0], [0], [1], [0, 0, 1, 1], [], []>, transpose_lhs_hint = false} : vector<1024x36xf32>, vector<36x128xf32>, vector<1024x128xf32> -> vector<1024x128xf32>
    %get3A_572 = arith.constant 0 : index
    %get3A_573 = arith.constant 0 : index
    %get3A_574 = vector.load %arg3[%get3A_572, %get3A_573] : memref<1x128xf32, #tpu.memory_space<vmem>>, vector<1x128xf32>
    %add3A_575 = vector.broadcast %get3A_574 : vector<1x128xf32> to vector<1024x128xf32>
    %add3A_576 = arith.addf %dot_general3A_571, %add3A_575 : vector<1024x128xf32>
    %max3A_577 = arith.constant 0.000000e+00 : f32
    %max3A_578 = vector.broadcast %max3A_577 : f32 to vector<1024x128xf32>
    %max3A_579 = arith.maximumf %add3A_576, %max3A_578 : vector<1024x128xf32>
    %swap3A_580 = arith.constant 3072 : index
    %swap3A_581 = arith.constant 0 : index
    %swap3A_582 = vector.load %arg4[%swap3A_580, %swap3A_581] : memref<4096x128xf32, #tpu.memory_space<vmem>>, vector<1024x128xf32>
    tpu.vector_store %arg4[%swap3A_580, %swap3A_581], %max3A_579 {strides = array<i32>} : memref<4096x128xf32, #tpu.memory_space<vmem>>, vector<1024x128xf32>,
    return
  }
  func.func @transform_0(%arg0: i32) -> (i32, i32) {
    %c0_i32 = arith.constant 0 : i32
    %c0_i32_0 = arith.constant 0 : i32
    return %arg0, %c0_i32 : i32, i32
  }
  func.func @transform_1(%arg0: i32) -> (i32, i32) {
    %c0_i32 = arith.constant 0 : i32
    %c0_i32_0 = arith.constant 0 : i32
    %c0_i32_1 = arith.constant 0 : i32
    return %c0_i32, %c0_i32_0 : i32, i32
  }
  func.func @transform_2(%arg0: i32) -> (i32, i32) {
    %c0_i32 = arith.constant 0 : i32
    %c0_i32_0 = arith.constant 0 : i32
    %c0_i32_1 = arith.constant 0 : i32
    return %c0_i32, %c0_i32_0 : i32, i32
  }
  func.func @transform_3(%arg0: i32) -> (i32, i32) {
    %c0_i32 = arith.constant 0 : i32
    %c0_i32_0 = arith.constant 0 : i32
    return %arg0, %c0_i32 : i32, i32
  }
}

module attributes {stable_mosaic.version = 14 : i64} {
  func.func @_combine_fc_body(%arg0: memref<32x16x128xf32, #tpu.memory_space<vmem>>, %arg1: memref<128x40xf32, #tpu.memory_space<vmem>>, %arg2: memref<1x40xf32, #tpu.memory_space<vmem>>, %arg3: memref<16x40xf32, #tpu.memory_space<vmem>>) attributes {dimension_semantics = [], scalar_prefetch = 0 : i64, scratch_operands = 0 : i64, tpu.core_type = #tpu.core_type<tc>} {
    %get3A = arith.constant 0 : index
    %get3A_0 = arith.constant 0 : index
    %get3A_1 = arith.constant 0 : index
    %get3A_2 = vector.load %arg0[%get3A, %get3A_0, %get3A_1] : memref<32x16x128xf32, #tpu.memory_space<vmem>>, vector<32x16x128xf32>
    %reduce_max3A = arith.constant dense<0xFF800000> : vector<16x128xf32>
    %reduce_max3A_3 = vector.multi_reduction <maximumf>, %get3A_2, %reduce_max3A [0] : vector<32x16x128xf32> to vector<16x128xf32>
    %get3A_4 = arith.constant 0 : index
    %get3A_5 = arith.constant 0 : index
    %get3A_6 = vector.load %arg1[%get3A_4, %get3A_5] : memref<128x40xf32, #tpu.memory_space<vmem>>, vector<128x40xf32>
    %dot_general3A = arith.constant dense<0.000000e+00> : vector<16x40xf32>
    %dot_general3A_7 = tpu.matmul %reduce_max3A_3, %get3A_6, %dot_general3A {dimension_numbers = #tpu.dot_dimension_numbers<[1], [0], [0], [1], [0, 0, 1, 1], [], []>, transpose_lhs_hint = false} : vector<16x128xf32>, vector<128x40xf32>, vector<16x40xf32> -> vector<16x40xf32>
    %get3A_8 = arith.constant 0 : index
    %get3A_9 = arith.constant 0 : index
    %get3A_10 = vector.load %arg2[%get3A_8, %get3A_9] : memref<1x40xf32, #tpu.memory_space<vmem>>, vector<1x40xf32>
    %add3A = vector.broadcast %get3A_10 : vector<1x40xf32> to vector<16x40xf32>
    %add3A_11 = arith.addf %dot_general3A_7, %add3A : vector<16x40xf32>
    %swap3A = arith.constant 0 : index
    %swap3A_12 = arith.constant 0 : index
    %swap3A_13 = vector.load %arg3[%swap3A, %swap3A_12] : memref<16x40xf32, #tpu.memory_space<vmem>>, vector<16x40xf32>
    tpu.vector_store %arg3[%swap3A, %swap3A_12], %add3A_11 {strides = array<i32>} : memref<16x40xf32, #tpu.memory_space<vmem>>, vector<16x40xf32>,
    return
  }
}

</mosaic_0001>

<sc_bundles>
// kernel: kernel.5.cloned.1.call-start
scs
__scs_entry_jumppad:
0x0: {  	(pc) =	sbr.rel $0x88, $3  }
0x1: {  	(tag) =	ssettag $0x0;
	lr =	simm.s32 $0x1  }
0x2: {  	[smem:$0x3F9B] =	sst lr;
	_ =	strace $0xD0000000  }
0x3: {  	_ = 	snop  }
0x4: {  	_ = 	snop  }
0x5: {  	_ = 	snop  }
0x6: {  	_ = 	snop  }
0x7: {  	_ = 	snop  }
__scs_overlays_trampoline_lowered:
0x8: {  	[smem:$0x3FAA] =	sst s0  }
0x9: {  	[smem:$0x3FAB] =	sst s1  }
0xa: {  	[smem:$0x3FAC] =	sst s2  }
0xb: {  	[smem:$0x3FAD] =	sst s3  }
0xc: {  	[smem:$0x3FAE] =	sst s4  }
0xd: {  	[smem:$0x3FAF] =	sst s5  }
0xe: {  	[smem:$0x3FB0] =	sst s6  }
0xf: {  	[smem:$0x3FB1] =	sst s7  }
0x10: {  	[smem:$0x3FB2] =	sst s8  }
0x11: {  	[smem:$0x3FB3] =	sst s9;
	s0 =	simm.s32 @!p0 $0x0  }
0x12: {  	s1 =	sld [smem:$0x3F99];
	s0 =	simm.s32 @p0 $0x1  }
0x13: {  	[smem:$0x3FB4] =	sst s0;
	s0 =	simm.s32 @!p1 $0x0  }
0x14: {  	s2 =	sld [smem:$0x3F98];
	s0 =	simm.s32 @p1 $0x1  }
0x15: {  	[smem:$0x3FB5] =	sst s0;
	s0 =	simm.s32 @!p2 $0x0  }
0x16: {  	s3 =	sld [smem:$0x3FDB];
	s0 =	simm.s32 @p2 $0x1  }
0x17: {  	s4 =	simm.s32 $0x1BF5;
	[smem:$0x3FB7] =	sst s0  }
0x18: {  	s0 =	sld [smem:$0x3F9A];
	_ =	swait.ge [sflag:s4], $0x0  }
0x19: {  	s7 =	sld [smem:$0x3F9B]  }
0x1a: {  	s8 =	sadd.s32 $0xFFFFE003, lr  }
0x1b: {  	s9 =	sadd.s32 $0xFFFFFEF7, lr;
	s5 =	simm.s32 $0xFFFFFFFF;
	p2 =	slt.u32 s8, $0xFFFFF086  }
0x1c: {  	p1 =	slt.u32 s9, $0xF7A;
	s5 =	simm.s32 @!p2 $0x0  }
0x1d: {  	s5 =	simm.s32 @p1 $0x1;
	p0 =	seq.s32 s7, s2  }
0x1e: {  	s7 =	smul.u32 @!p0 $0xF7A, s2;
	p2 =	seq.s32 @!p0 s5, $0x0  }
0x1f: {  	s9 =	smul.u32 $0xF7A, s1;
	s8 =	simm.s32 @!p0 $0x1BF5;
	p2 =	por !p2, p0  }
0x20: {  	[sflag:s8] =	ssyncset.s32 @!p0 $0xFFFFF086;
	s6 =	sadd.s32 @!p0 s3, s7;
	s7 =	simm.s32 @!p0 $0x108  }
0x21: {  	s3 =	sadd.s32 s3, s9;
	s6 =	sadd.s32 @!p0 $0x88, s6;
	s7 =	simm.s32 @p2 $0x1082  }
0x22: {  	[simem:s7], [sflag:s8] =	dma.local @!p0 [hbm:s6], $0xF7A  }
0x23: {  	s9 =	sor.u32 $0xD0000000, s2;
	s6 =	simm.s32 $0x108;
	_ =	swait.ge @!p0 [sflag:s8], $0x0  }
0x24: {  	s3 =	sadd.s32 $0x88, s3;
	s6 =	simm.s32 @!p1 $0x1082;
	[sflag:s4] =	ssyncset.s32 $0xFFFFF086  }
0x25: {  	[simem:s6], [sflag:s4] =	dma.local [hbm:s3], $0xF7A  }
0x26: {  	[smem:$0x3F9B] =	sst s1;
	(tag) =	ssettag s2;
	_ =	strace s9  }
0x27: {  	s1 =	sld [smem:$0x3FAB]  }
0x28: {  	s2 =	sld [smem:$0x3FAC]  }
0x29: {  	s4 =	sld [smem:$0x3FAE]  }
0x2a: {  	p0 =	seq.s32 s5, $0x0;
	s5 =	sld [smem:$0x3FAF]  }
0x2b: {  	s6 =	sld [smem:$0x3FB0]  }
0x2c: {  	s7 =	sld [smem:$0x3FB1]  }
0x2d: {  	s3 =	simm.s32 $0x108;
	s8 =	sld [smem:$0x3FB2]  }
0x2e: {  	s3 =	simm.s32 @!p0 $0x1082;
	s9 =	sld [smem:$0x3FB3]  }
0x2f: {  	lr =	sadd.s32 s0, s3;
	s0 =	sld [smem:$0x3FAA]  }
0x30: {  	s3 =	sld [smem:$0x3FAD]  }
0x31: {  	[smem:$0x3FB6] =	sst s10  }
0x32: {  	s10 =	sld [smem:$0x3FB4];
	_ =	sdelay $0x3  }
0x33: {  	p0 =	seq.s32 s10, $0x1;
	s10 =	sld [smem:$0x3FB6];
	_ =	sdelay $0x3  }
0x34: {  	[smem:$0x3FB6] =	sst s10  }
0x35: {  	s10 =	sld [smem:$0x3FB5];
	_ =	sdelay $0x3  }
0x36: {  	p1 =	seq.s32 s10, $0x1;
	s10 =	sld [smem:$0x3FB6];
	_ =	sdelay $0x3  }
0x37: {  	[smem:$0x3FB6] =	sst s10  }
0x38: {  	s10 =	sld [smem:$0x3FB7]  }
0x39: {  	_ = 	snop;
	(pc) =	sbr.ind lr, $3  }
0x3a: {  	_ = 	snop  }
0x3b: {  	_ = 	snop  }
0x3c: {  	p2 =	seq.s32 s10, $0x1;
	s10 =	sld [smem:$0x3FB6]  }
0x3d: {  	_ =	shalt  }
0x3e: {  	_ =	shalt  }
0x3f: {  	_ =	shalt  }
0x40: {  	_ =	shalt  }
0x41: {  	_ =	shalt  }
0x42: {  	_ =	shalt  }
0x43: {  	_ =	shalt  }
0x44: {  	_ =	shalt  }
0x45: {  	_ =	shalt  }
0x46: {  	_ =	shalt  }
0x47: {  	_ =	shalt  }
0x48: {  	_ =	shalt  }
0x49: {  	_ =	shalt  }
0x4a: {  	_ =	shalt  }
0x4b: {  	_ =	shalt  }
0x4c: {  	_ =	shalt  }
0x4d: {  	_ =	shalt  }
0x4e: {  	_ =	shalt  }
0x4f: {  	_ =	shalt  }
0x50: {  	_ =	shalt  }
0x51: {  	_ =	shalt  }
0x52: {  	_ =	shalt  }
0x53: {  	_ =	shalt  }
0x54: {  	_ =	shalt  }
0x55: {  	_ =	shalt  }
0x56: {  	_ =	shalt  }
0x57: {  	_ =	shalt  }
0x58: {  	_ =	shalt  }
0x59: {  	_ =	shalt  }
0x5a: {  	_ =	shalt  }
0x5b: {  	_ =	shalt  }
0x5c: {  	_ =	shalt  }
0x5d: {  	_ =	shalt  }
0x5e: {  	_ =	shalt  }
0x5f: {  	_ =	shalt  }
0x60: {  	_ =	shalt  }
0x61: {  	_ =	shalt  }
0x62: {  	_ =	shalt  }
0x63: {  	_ =	shalt  }
0x64: {  	_ =	shalt  }
0x65: {  	_ =	shalt  }
0x66: {  	_ =	shalt  }
0x67: {  	_ =	shalt  }
0x68: {  	_ =	shalt  }
0x69: {  	_ =	shalt  }
0x6a: {  	_ =	shalt  }
0x6b: {  	_ =	shalt  }
0x6c: {  	_ =	shalt  }
0x6d: {  	_ =	shalt  }
0x6e: {  	_ =	shalt  }
0x6f: {  	_ =	shalt  }
0x70: {  	_ =	shalt  }
0x71: {  	_ =	shalt  }
0x72: {  	_ =	shalt  }
0x73: {  	_ =	shalt  }
0x74: {  	_ =	shalt  }
0x75: {  	_ =	shalt  }
0x76: {  	_ =	shalt  }
0x77: {  	_ =	shalt  }
0x78: {  	_ =	shalt  }
0x79: {  	_ =	shalt  }
0x7a: {  	_ =	shalt  }
0x7b: {  	_ =	shalt  }
0x7c: {  	_ =	shalt  }
0x7d: {  	_ =	shalt  }
0x7e: {  	_ =	shalt  }
0x7f: {  	_ =	shalt  }
0x80: {  	_ =	shalt  }
0x81: {  	_ =	shalt  }
0x82: {  	_ =	shalt  }
0x83: {  	_ =	shalt  }
0x84: {  	_ =	shalt  }
0x85: {  	_ =	shalt  }
0x86: {  	_ =	shalt  }
0x87: {  	_ =	shalt  }
.Lfunc_end0:
.L_simem_size_0:
called_computation_lowered:
.L_overlay_start_0:
0x88: {  	s2 =	sld [smem:$0x3FD9]  }
0x89: {  	s3 =	sld [smem:$0x3FFE];
	_ =	sdelay $0x1  }
0x8a: {  	s1 =	srdreg.scid  }
0x8b: {  	s0 =	sand.u32 $0x1, s1  }
0x8c: {  	s17 =	sshll.u32 s0, $0xA;
	s2 =	sadd.s32 s3, s2  }
0x8d: {  	s2 =	sadd.s32 s2, s17  }
0x8e: {  	[smem:$0x3FC2] =	sst s2  }
0x8f: {  	_ = 	snop  }
0x90: {  	s2 =	sld [smem:$0x3FC8];
	(tm) =	ssettm $0x1  }
0x91: {  	s18 =	sld [smem:$0x3FFB];
	_ =	sdelay $0x3  }
0x92: {  	_ =	strace s18  }
0x93: {  	s3 =	sld [smem:$0x3FFC];
	_ =	sdelay $0x3  }
0x94: {  	_ =	strace s3  }
0x95: {  	s3 =	sld [smem:$0x3FFD];
	_ =	sdelay $0x3  }
0x96: {  	_ =	strace s3  }
0x97: {  	_ =	strace $0x8FFFFFFF  }
0x98: {  	s19 =	sld [smem:$0x3FDB];
	_ =	sdelay $0x1  }
0x99: {  	s4 =	simm.s32 $_scs_section_size  }
0x9a: {  	s5 =	simm.s32 $_size__tile_overlayer_lowered;
	s6 =	simm.s32 $_tile_overlayer_lowered  }
0x9b: {  	s22 =	simm.s32 $0x1BFF;
	s21 =	sshll.u32 s6, $0x1;
	s3 =	sadd.s32 s4, s19  }
0x9c: {  	s7 =	simm.s32 $0x0;
	s20 =	sshll.u32 s5, $0x1;
	s5 =	sadd.s32 s21, s3  }
0x9d: {  	[timem:s7], [sflag:s22] =	dma.local [hbm:s5], s20  }
0x9e: {  	_ =	swait.ge [sflag:s22], s20  }
0x9f: {  	s4 =	ssub.s32 $0x0, s20;
	[sflag:s22] =	ssyncset.done $0x0  }
0xa0: {  	[sflag:s22] =	ssyncadd.s32 s4;
	_ =	sdelay $0x1  }
0xa1: {  	s23 =	simm.s32 $0x1B8B  }
0xa2: {  	_ =	swait.ge [sflag:s23], $0x1  }
0xa3: {  	[sflag:s23] =	ssyncset.done $0x0  }
0xa4: {  	s25 =	simm.s32 $0x1B8E;
	s24 =	sld [smem:$0x3FFE];
	[sflag:s23] =	ssyncadd.s32 $0xFFFFFFFF  }
0xa5: {  	s26 =	simm.s32 $execute0_lowered;
	[smem:$0x3FD2] =	sst s25  }
0xa6: {  	s5 =	sshll.u32 s26, $0x1;
	_ =	strace $0x80000046;
	[dreg:$0x1] =	wrdreg $0xFFFFFFFF  }
0xa7: {  	s28 =	simm.s32 $_size_execute0_lowered;
	s3 =	sadd.s32 s3, s5;
	[dreg:$0x0] =	wrdreg $0x0  }
0xa8: {  	s5 =	sshll.u32 s28, $0x1;
	[dreg:$0x2] =	wrdreg s3  }
0xa9: {  	[dreg:$0x3] =	wrdreg s5  }
0xaa: {  	[dreg:$0x4] =	wrdreg $0xC0  }
0xab: {  	_ =	task [dreg:s7], $0x5FFFF  }
0xac: {  	[dreg:$0x1] =	wrdreg $0xFFFFFFFF  }
0xad: {  	[dreg:$0x0] =	wrdreg $0x60  }
0xae: {  	[dreg:$0x2] =	wrdreg s24  }
0xaf: {  	[dreg:$0x3] =	wrdreg s2  }
0xb0: {  	[dreg:$0x4] =	wrdreg $0x9  }
0xb1: {  	_ =	task.clear_ibuf [dreg:s7], $0x5FFFF;
	_ =	strace $0x90000046  }
0xb2: {  	s29 =	simm.s32 $0x9;
	_ =	strace $0x80000048  }
0xb3: {  	_ =	swait.ge [sflag:s29], $0x1  }
0xb4: {  	[sflag:s29] =	ssyncadd.s32 $0xFFFFFFFF  }
0xb5: {  	_ =	strace $0x90000048  }
0xb6: {  	_ =	sfence  }
0xb7: {  	s30 =	sld [smem:$0x0];
	_ =	sdelay $0x2  }
0xb8: {  	s31 =	sshll.u32 s1, $0xD;
	s1 =	sshrl.u32 s1, $0x2  }
0xb9: {  	s3 =	sand.u32 $0x4000, s31;
	s1 =	sadd.s32 s1, s30  }
0xba: {  	s0 =	sor.u32 s3, s0;
	s1 =	sshll.u32 s1, $0x11  }
0xbb: {  	s0 =	sor.u32 s1, s0  }
0xbc: {  	s0 =	sadd.s32 $0x8F2B, s0  }
0xbd: {  	[sflag:s0] =	ssyncadd.remote.s32 $0x1  }
0xbe: {  	_ =	sfence.sel $0xFFFF  }
0xbf: {  	[dreg:$0x0] =	wrdreg $0xFFFFFFFF;
	(pc) =	sbr.abs _section_cstart, $3  }
0xc0: {  	[dreg:$0x1] =	wrdreg $0xFFFFFFFF  }
0xc1: {  	_ =	task.clear_ibuf [dreg:s7], $0x2FFFF;
	_ =	strace $0x9FFFFFFF  }
0xc2: {  	(tm) =	ssettm $0x7FFFFFFF  }
0xc3: {  	_ =	shalt  }
tec
execute0_lowered:
.L_overlay_start_1:
0x0: {  	(tag) =	ssettag $0x1  }
0x1: {  	s3 =	rddreg [dreg:$0x0]  }
0x2: {  	s4 =	rddreg [dreg:$0x1];
	s1 =	srdreg.scid  }
0x3: {  	s0 =	rddreg [dreg:$0x2];
	s2 =	simm.s32 $0x0;
	s5 =	sand.u32 $0x1, s1  }
0x4: {  	s10 =	simm.s32 $0x0;
	s1 =	stileid.u32;
	s6 =	sshll.u32 s5, $0x4  }
0x5: {  	[smem:$0x7FF] =	sst s2;
	s5 =	ssub.s32 $0x2, s5;
	s6 =	sor.u32 s1, s6  }
0x6: {  	_ =	strace $0x80000047;
	s31 =	sshrl.u32 s5, $0x1;
	s7 =	sshll.u32 s6, $0xD  }
0x7: {  	s8 =	sshll.u32 s6, $0x8;
	s6 =	sshll.u32 s6, $0x6;
	s9 =	ssub.s32 s5, s31  }
0x8: {  	s7 =	sadd.s32 s7, s3;
	s8 =	sadd.s32 s8, s3;
	s4 =	sadd.s32 s4, s6  }
0x9: {  	s6 =	smax.u32 s9, $0x1;
	s9 =	simm.s32 $0x10200;
	s3 =	sadd.s32 $0x1000, s7  }
0xa: {  	v0 =	vimm.f32 $-Inf;
	s5 =	sadd.s32 $0x41000, s8;
	s7 =	simm.s32 $0x1;
	s8 =	simm.s32 $0x10000  }
.LBB2_1:
0xb: {  	[tilespmem:s2], [sflag:$0x1] =	stream.linear.gather [hbm4b:s3+s2], $0x10000, $0x38;
	[tilespmem:$0x10A00] =	vst v63  }
0xc: {  	_ =	swait.ge [sflag:s7], $0x10000  }
0xd: {  	[sflag:s7] =	ssyncset.done $0x0  }
0xe: {  	[sflag:s7] =	ssyncadd.s32 $0xFFFF0000  }
0xf: {  	[tilespmem:s8], [sflag:$0x1] =	stream.linear.gather [hbm4b:s4+s2], $0x200, $0x38;
	[tilespmem:$0x10A00] =	vst v63  }
0x10: {  	_ =	swait.ge [sflag:s7], $0x200  }
0x11: {  	[sflag:s7] =	ssyncset.done $0x0  }
0x12: {  	s11 =	simm.s32 $0x0;
	[sflag:s7] =	ssyncadd.s32 $0xFFFFFE00  }
.LBB2_2:
0x13: {  	p0 =	sne.s32 s11, $0x1FC0  }
.Ltmp0:
0x14: {  	_ = 	snop;
	(pc) =	sbr.rel @p0 .LBB2_2-.Ltmp0, $3  }
0x15: {  	_ =	sdelay $0x1  }
0x16: {  	s12 =	sshra.s32 s11, $0x2  }
0x17: {  	s11 =	sadd.s32 $0x40, s11;
	[tilespmem:s12+$0x10200] =	vst v0  }
0x18: {  	s11 =	simm.s32 $0x0;
	s12 =	simm.s32 $0x400  }
.LBB2_4:
0x19: {  	s13 =	sshra.s32 s11, $0x2  }
0x1a: {  	v1 =	vld [tilespmem:s13+$0x10000];
	_ =	sdelay $0x4  }
0x1b: {  	v1 =	vshll.u32 v1, $0x9  }
0x1c: {  	v1 =	vshra.s32 v1, $0x2  }
0x1d: {  	(v2sf) =	vpush v1, $0x0;
	_ =	sdelay $0xe  }
0x1e: {  	v3 =	vld [tilespmem:s12+$0xFFFFFC00];
	s15 =	spop (v2sf)  }
0x1f: {  	v2 =	vld [tilespmem:s15+$0x10200];
	_ =	sdelay $0x4  }
0x20: {  	v2 =	vmax.f32 v2, v3  }
0x21: {  	[tilespmem:s15+$0x10200] =	vst v2;
	v2 =	vld [tilespmem:s15+$0x10210]  }
0x22: {  	v3 =	vld [tilespmem:s12+$0xFFFFFC10];
	_ =	sdelay $0x4  }
0x23: {  	v2 =	vmax.f32 v2, v3  }
0x24: {  	[tilespmem:s15+$0x10210] =	vst v2;
	v2 =	vld [tilespmem:s15+$0x10220]  }
0x25: {  	v3 =	vld [tilespmem:s12+$0xFFFFFC20];
	_ =	sdelay $0x4  }
0x26: {  	v2 =	vmax.f32 v2, v3  }
0x27: {  	[tilespmem:s15+$0x10220] =	vst v2;
	v2 =	vld [tilespmem:s15+$0x10230]  }
0x28: {  	v3 =	vld [tilespmem:s12+$0xFFFFFC30];
	_ =	sdelay $0x4  }
0x29: {  	v2 =	vmax.f32 v2, v3  }
0x2a: {  	[tilespmem:s15+$0x10230] =	vst v2;
	v2 =	vld [tilespmem:s15+$0x10240]  }
0x2b: {  	v3 =	vld [tilespmem:s12+$0xFFFFFC40];
	_ =	sdelay $0x4  }
0x2c: {  	v2 =	vmax.f32 v2, v3  }
0x2d: {  	[tilespmem:s15+$0x10240] =	vst v2;
	v2 =	vld [tilespmem:s15+$0x10250]  }
0x2e: {  	v3 =	vld [tilespmem:s12+$0xFFFFFC50];
	_ =	sdelay $0x4  }
0x2f: {  	(v2sf) =	vpush v1, $0x1;
	v2 =	vmax.f32 v2, v3  }
0x30: {  	[tilespmem:s15+$0x10250] =	vst v2;
	v2 =	vld [tilespmem:s15+$0x10260]  }
0x31: {  	v3 =	vld [tilespmem:s12+$0xFFFFFC60];
	_ =	sdelay $0x4  }
0x32: {  	v2 =	vmax.f32 v2, v3  }
0x33: {  	[tilespmem:s15+$0x10260] =	vst v2;
	v2 =	vld [tilespmem:s15+$0x10270]  }
0x34: {  	v3 =	vld [tilespmem:s12+$0xFFFFFC70];
	_ =	sdelay $0x4  }
0x35: {  	v2 =	vmax.f32 v2, v3  }
0x36: {  	s16 =	spop (v2sf);
	[tilespmem:s15+$0x10270] =	vst v2  }
0x37: {  	v2 =	vld [tilespmem:s16+$0x10200]  }
0x38: {  	v3 =	vld [tilespmem:s12+$0xFFFFFC80];
	_ =	sdelay $0x4  }
0x39: {  	v2 =	vmax.f32 v2, v3  }
0x3a: {  	[tilespmem:s16+$0x10200] =	vst v2;
	v2 =	vld [tilespmem:s16+$0x10210]  }
0x3b: {  	v3 =	vld [tilespmem:s12+$0xFFFFFC90];
	_ =	sdelay $0x4  }
0x3c: {  	v2 =	vmax.f32 v2, v3  }
0x3d: {  	[tilespmem:s16+$0x10210] =	vst v2;
	v2 =	vld [tilespmem:s16+$0x10220]  }
0x3e: {  	v3 =	vld [tilespmem:s12+$0xFFFFFCA0];
	_ =	sdelay $0x4  }
0x3f: {  	v2 =	vmax.f32 v2, v3  }
0x40: {  	[tilespmem:s16+$0x10220] =	vst v2;
	v2 =	vld [tilespmem:s16+$0x10230]  }
0x41: {  	v3 =	vld [tilespmem:s12+$0xFFFFFCB0];
	_ =	sdelay $0x4  }
0x42: {  	v2 =	vmax.f32 v2, v3  }
0x43: {  	[tilespmem:s16+$0x10230] =	vst v2;
	v2 =	vld [tilespmem:s16+$0x10240]  }
0x44: {  	v3 =	vld [tilespmem:s12+$0xFFFFFCC0];
	_ =	sdelay $0x4  }
0x45: {  	v2 =	vmax.f32 v2, v3  }
0x46: {  	[tilespmem:s16+$0x10240] =	vst v2;
	v2 =	vld [tilespmem:s16+$0x10250]  }
0x47: {  	v3 =	vld [tilespmem:s12+$0xFFFFFCD0];
	_ =	sdelay $0x4  }
0x48: {  	(v2sf) =	vpush v1, $0x2;
	v2 =	vmax.f32 v2, v3  }
0x49: {  	[tilespmem:s16+$0x10250] =	vst v2;
	v2 =	vld [tilespmem:s16+$0x10260]  }
0x4a: {  	v3 =	vld [tilespmem:s12+$0xFFFFFCE0];
	_ =	sdelay $0x4  }
0x4b: {  	v2 =	vmax.f32 v2, v3  }
0x4c: {  	[tilespmem:s16+$0x10260] =	vst v2;
	v2 =	vld [tilespmem:s16+$0x10270]  }
0x4d: {  	v3 =	vld [tilespmem:s12+$0xFFFFFCF0];
	_ =	sdelay $0x4  }
0x4e: {  	v2 =	vmax.f32 v2, v3  }
0x4f: {  	s17 =	spop (v2sf);
	[tilespmem:s16+$0x10270] =	vst v2  }
0x50: {  	v2 =	vld [tilespmem:s17+$0x10200]  }
0x51: {  	v3 =	vld [tilespmem:s12+$0xFFFFFD00];
	_ =	sdelay $0x4  }
0x52: {  	v2 =	vmax.f32 v2, v3  }
0x53: {  	[tilespmem:s17+$0x10200] =	vst v2;
	v2 =	vld [tilespmem:s17+$0x10210]  }
0x54: {  	v3 =	vld [tilespmem:s12+$0xFFFFFD10];
	_ =	sdelay $0x4  }
0x55: {  	v2 =	vmax.f32 v2, v3  }
0x56: {  	[tilespmem:s17+$0x10210] =	vst v2;
	v2 =	vld [tilespmem:s17+$0x10220]  }
0x57: {  	v3 =	vld [tilespmem:s12+$0xFFFFFD20];
	_ =	sdelay $0x4  }
0x58: {  	v2 =	vmax.f32 v2, v3  }
0x59: {  	[tilespmem:s17+$0x10220] =	vst v2;
	v2 =	vld [tilespmem:s17+$0x10230]  }
0x5a: {  	v3 =	vld [tilespmem:s12+$0xFFFFFD30];
	_ =	sdelay $0x4  }
0x5b: {  	v2 =	vmax.f32 v2, v3  }
0x5c: {  	[tilespmem:s17+$0x10230] =	vst v2;
	v2 =	vld [tilespmem:s17+$0x10240]  }
0x5d: {  	v3 =	vld [tilespmem:s12+$0xFFFFFD40];
	_ =	sdelay $0x4  }
0x5e: {  	v2 =	vmax.f32 v2, v3  }
0x5f: {  	[tilespmem:s17+$0x10240] =	vst v2;
	v2 =	vld [tilespmem:s17+$0x10250]  }
0x60: {  	v3 =	vld [tilespmem:s12+$0xFFFFFD50];
	_ =	sdelay $0x4  }
0x61: {  	(v2sf) =	vpush v1, $0x3;
	v2 =	vmax.f32 v2, v3  }
0x62: {  	[tilespmem:s17+$0x10250] =	vst v2;
	v2 =	vld [tilespmem:s17+$0x10260]  }
0x63: {  	v3 =	vld [tilespmem:s12+$0xFFFFFD60];
	_ =	sdelay $0x4  }
0x64: {  	v2 =	vmax.f32 v2, v3  }
0x65: {  	[tilespmem:s17+$0x10260] =	vst v2;
	v2 =	vld [tilespmem:s17+$0x10270]  }
0x66: {  	v3 =	vld [tilespmem:s12+$0xFFFFFD70];
	_ =	sdelay $0x4  }
0x67: {  	v2 =	vmax.f32 v2, v3  }
0x68: {  	s18 =	spop (v2sf);
	[tilespmem:s17+$0x10270] =	vst v2  }
0x69: {  	v2 =	vld [tilespmem:s18+$0x10200]  }
0x6a: {  	v3 =	vld [tilespmem:s12+$0xFFFFFD80];
	_ =	sdelay $0x4  }
0x6b: {  	v2 =	vmax.f32 v2, v3  }
0x6c: {  	[tilespmem:s18+$0x10200] =	vst v2;
	v2 =	vld [tilespmem:s18+$0x10210]  }
0x6d: {  	v3 =	vld [tilespmem:s12+$0xFFFFFD90];
	_ =	sdelay $0x4  }
0x6e: {  	v2 =	vmax.f32 v2, v3  }
0x6f: {  	[tilespmem:s18+$0x10210] =	vst v2;
	v2 =	vld [tilespmem:s18+$0x10220]  }
0x70: {  	v3 =	vld [tilespmem:s12+$0xFFFFFDA0];
	_ =	sdelay $0x4  }
0x71: {  	v2 =	vmax.f32 v2, v3  }
0x72: {  	[tilespmem:s18+$0x10220] =	vst v2;
	v2 =	vld [tilespmem:s18+$0x10230]  }
0x73: {  	v3 =	vld [tilespmem:s12+$0xFFFFFDB0];
	_ =	sdelay $0x4  }
0x74: {  	v2 =	vmax.f32 v2, v3  }
0x75: {  	[tilespmem:s18+$0x10230] =	vst v2;
	v2 =	vld [tilespmem:s18+$0x10240]  }
0x76: {  	v3 =	vld [tilespmem:s12+$0xFFFFFDC0];
	_ =	sdelay $0x4  }
0x77: {  	v2 =	vmax.f32 v2, v3  }
0x78: {  	[tilespmem:s18+$0x10240] =	vst v2;
	v2 =	vld [tilespmem:s18+$0x10250]  }
0x79: {  	v3 =	vld [tilespmem:s12+$0xFFFFFDD0];
	_ =	sdelay $0x4  }
0x7a: {  	(v2sf) =	vpush v1, $0x4;
	v2 =	vmax.f32 v2, v3  }
0x7b: {  	[tilespmem:s18+$0x10250] =	vst v2;
	v2 =	vld [tilespmem:s18+$0x10260]  }
0x7c: {  	v3 =	vld [tilespmem:s12+$0xFFFFFDE0];
	_ =	sdelay $0x4  }
0x7d: {  	v2 =	vmax.f32 v2, v3  }
0x7e: {  	[tilespmem:s18+$0x10260] =	vst v2;
	v2 =	vld [tilespmem:s18+$0x10270]  }
0x7f: {  	v3 =	vld [tilespmem:s12+$0xFFFFFDF0];
	_ =	sdelay $0x4  }
0x80: {  	v2 =	vmax.f32 v2, v3  }
0x81: {  	s19 =	spop (v2sf);
	[tilespmem:s18+$0x10270] =	vst v2  }
0x82: {  	v2 =	vld [tilespmem:s19+$0x10200]  }
0x83: {  	v3 =	vld [tilespmem:s12+$0xFFFFFE00];
	_ =	sdelay $0x4  }
0x84: {  	v2 =	vmax.f32 v2, v3  }
0x85: {  	[tilespmem:s19+$0x10200] =	vst v2;
	v2 =	vld [tilespmem:s19+$0x10210]  }
0x86: {  	v3 =	vld [tilespmem:s12+$0xFFFFFE10];
	_ =	sdelay $0x4  }
0x87: {  	v2 =	vmax.f32 v2, v3  }
0x88: {  	[tilespmem:s19+$0x10210] =	vst v2;
	v2 =	vld [tilespmem:s19+$0x10220]  }
0x89: {  	v3 =	vld [tilespmem:s12+$0xFFFFFE20];
	_ =	sdelay $0x4  }
0x8a: {  	v2 =	vmax.f32 v2, v3  }
0x8b: {  	[tilespmem:s19+$0x10220] =	vst v2;
	v2 =	vld [tilespmem:s19+$0x10230]  }
0x8c: {  	v3 =	vld [tilespmem:s12+$0xFFFFFE30];
	_ =	sdelay $0x4  }
0x8d: {  	v2 =	vmax.f32 v2, v3  }
0x8e: {  	[tilespmem:s19+$0x10230] =	vst v2;
	v2 =	vld [tilespmem:s19+$0x10240]  }
0x8f: {  	v3 =	vld [tilespmem:s12+$0xFFFFFE40];
	_ =	sdelay $0x4  }
0x90: {  	v2 =	vmax.f32 v2, v3  }
0x91: {  	[tilespmem:s19+$0x10240] =	vst v2;
	v2 =	vld [tilespmem:s19+$0x10250]  }
0x92: {  	v3 =	vld [tilespmem:s12+$0xFFFFFE50];
	_ =	sdelay $0x4  }
0x93: {  	(v2sf) =	vpush v1, $0x5;
	v2 =	vmax.f32 v2, v3  }
0x94: {  	[tilespmem:s19+$0x10250] =	vst v2;
	v2 =	vld [tilespmem:s19+$0x10260]  }
0x95: {  	v3 =	vld [tilespmem:s12+$0xFFFFFE60];
	_ =	sdelay $0x4  }
0x96: {  	v2 =	vmax.f32 v2, v3  }
0x97: {  	[tilespmem:s19+$0x10260] =	vst v2;
	v2 =	vld [tilespmem:s19+$0x10270]  }
0x98: {  	v3 =	vld [tilespmem:s12+$0xFFFFFE70];
	_ =	sdelay $0x4  }
0x99: {  	v2 =	vmax.f32 v2, v3  }
0x9a: {  	s20 =	spop (v2sf);
	[tilespmem:s19+$0x10270] =	vst v2  }
0x9b: {  	v2 =	vld [tilespmem:s20+$0x10200]  }
0x9c: {  	v3 =	vld [tilespmem:s12+$0xFFFFFE80];
	_ =	sdelay $0x4  }
0x9d: {  	v2 =	vmax.f32 v2, v3  }
0x9e: {  	[tilespmem:s20+$0x10200] =	vst v2;
	v2 =	vld [tilespmem:s20+$0x10210]  }
0x9f: {  	v3 =	vld [tilespmem:s12+$0xFFFFFE90];
	_ =	sdelay $0x4  }
0xa0: {  	v2 =	vmax.f32 v2, v3  }
0xa1: {  	[tilespmem:s20+$0x10210] =	vst v2;
	v2 =	vld [tilespmem:s20+$0x10220]  }
0xa2: {  	v3 =	vld [tilespmem:s12+$0xFFFFFEA0];
	_ =	sdelay $0x4  }
0xa3: {  	v2 =	vmax.f32 v2, v3  }
0xa4: {  	[tilespmem:s20+$0x10220] =	vst v2;
	v2 =	vld [tilespmem:s20+$0x10230]  }
0xa5: {  	v3 =	vld [tilespmem:s12+$0xFFFFFEB0];
	_ =	sdelay $0x4  }
0xa6: {  	v2 =	vmax.f32 v2, v3  }
0xa7: {  	[tilespmem:s20+$0x10230] =	vst v2;
	v2 =	vld [tilespmem:s20+$0x10240]  }
0xa8: {  	v3 =	vld [tilespmem:s12+$0xFFFFFEC0];
	_ =	sdelay $0x4  }
0xa9: {  	v2 =	vmax.f32 v2, v3  }
0xaa: {  	[tilespmem:s20+$0x10240] =	vst v2;
	v2 =	vld [tilespmem:s20+$0x10250]  }
0xab: {  	v3 =	vld [tilespmem:s12+$0xFFFFFED0];
	_ =	sdelay $0x4  }
0xac: {  	(v2sf) =	vpush v1, $0x6;
	v2 =	vmax.f32 v2, v3  }
0xad: {  	[tilespmem:s20+$0x10250] =	vst v2;
	v2 =	vld [tilespmem:s20+$0x10260]  }
0xae: {  	v3 =	vld [tilespmem:s12+$0xFFFFFEE0];
	_ =	sdelay $0x4  }
0xaf: {  	v2 =	vmax.f32 v2, v3  }
0xb0: {  	[tilespmem:s20+$0x10260] =	vst v2;
	v2 =	vld [tilespmem:s20+$0x10270]  }
0xb1: {  	v3 =	vld [tilespmem:s12+$0xFFFFFEF0];
	_ =	sdelay $0x4  }
0xb2: {  	v2 =	vmax.f32 v2, v3  }
0xb3: {  	s21 =	spop (v2sf);
	[tilespmem:s20+$0x10270] =	vst v2  }
0xb4: {  	v2 =	vld [tilespmem:s21+$0x10200]  }
0xb5: {  	v3 =	vld [tilespmem:s12+$0xFFFFFF00];
	_ =	sdelay $0x4  }
0xb6: {  	v2 =	vmax.f32 v2, v3  }
0xb7: {  	[tilespmem:s21+$0x10200] =	vst v2;
	v2 =	vld [tilespmem:s21+$0x10210]  }
0xb8: {  	v3 =	vld [tilespmem:s12+$0xFFFFFF10];
	_ =	sdelay $0x4  }
0xb9: {  	v2 =	vmax.f32 v2, v3  }
0xba: {  	[tilespmem:s21+$0x10210] =	vst v2;
	v2 =	vld [tilespmem:s21+$0x10220]  }
0xbb: {  	v3 =	vld [tilespmem:s12+$0xFFFFFF20];
	_ =	sdelay $0x4  }
0xbc: {  	v2 =	vmax.f32 v2, v3  }
0xbd: {  	[tilespmem:s21+$0x10220] =	vst v2;
	v2 =	vld [tilespmem:s21+$0x10230]  }
0xbe: {  	v3 =	vld [tilespmem:s12+$0xFFFFFF30];
	_ =	sdelay $0x4  }
0xbf: {  	v2 =	vmax.f32 v2, v3  }
0xc0: {  	[tilespmem:s21+$0x10230] =	vst v2;
	v2 =	vld [tilespmem:s21+$0x10240]  }
0xc1: {  	v3 =	vld [tilespmem:s12+$0xFFFFFF40];
	_ =	sdelay $0x4  }
0xc2: {  	v2 =	vmax.f32 v2, v3  }
0xc3: {  	[tilespmem:s21+$0x10240] =	vst v2;
	v2 =	vld [tilespmem:s21+$0x10250]  }
0xc4: {  	v3 =	vld [tilespmem:s12+$0xFFFFFF50];
	_ =	sdelay $0x4  }
0xc5: {  	(v2sf) =	vpush v1, $0x7;
	v2 =	vmax.f32 v2, v3  }
0xc6: {  	[tilespmem:s21+$0x10250] =	vst v2;
	v2 =	vld [tilespmem:s21+$0x10260]  }
0xc7: {  	v3 =	vld [tilespmem:s12+$0xFFFFFF60];
	_ =	sdelay $0x4  }
0xc8: {  	v2 =	vmax.f32 v2, v3  }
0xc9: {  	[tilespmem:s21+$0x10260] =	vst v2;
	v2 =	vld [tilespmem:s21+$0x10270]  }
0xca: {  	v3 =	vld [tilespmem:s12+$0xFFFFFF70];
	_ =	sdelay $0x4  }
0xcb: {  	v2 =	vmax.f32 v2, v3  }
0xcc: {  	s22 =	spop (v2sf);
	[tilespmem:s21+$0x10270] =	vst v2  }
0xcd: {  	v2 =	vld [tilespmem:s22+$0x10200]  }
0xce: {  	v3 =	vld [tilespmem:s12+$0xFFFFFF80];
	_ =	sdelay $0x4  }
0xcf: {  	v2 =	vmax.f32 v2, v3  }
0xd0: {  	[tilespmem:s22+$0x10200] =	vst v2;
	v2 =	vld [tilespmem:s22+$0x10210]  }
0xd1: {  	v3 =	vld [tilespmem:s12+$0xFFFFFF90];
	_ =	sdelay $0x4  }
0xd2: {  	v2 =	vmax.f32 v2, v3  }
0xd3: {  	[tilespmem:s22+$0x10210] =	vst v2;
	v2 =	vld [tilespmem:s22+$0x10220]  }
0xd4: {  	v3 =	vld [tilespmem:s12+$0xFFFFFFA0];
	_ =	sdelay $0x4  }
0xd5: {  	v2 =	vmax.f32 v2, v3  }
0xd6: {  	[tilespmem:s22+$0x10220] =	vst v2;
	v2 =	vld [tilespmem:s22+$0x10230]  }
0xd7: {  	v3 =	vld [tilespmem:s12+$0xFFFFFFB0];
	_ =	sdelay $0x4  }
0xd8: {  	v2 =	vmax.f32 v2, v3  }
0xd9: {  	[tilespmem:s22+$0x10230] =	vst v2;
	v2 =	vld [tilespmem:s22+$0x10240]  }
0xda: {  	v3 =	vld [tilespmem:s12+$0xFFFFFFC0];
	_ =	sdelay $0x4  }
0xdb: {  	v2 =	vmax.f32 v2, v3  }
0xdc: {  	[tilespmem:s22+$0x10240] =	vst v2;
	v2 =	vld [tilespmem:s22+$0x10250]  }
0xdd: {  	v3 =	vld [tilespmem:s12+$0xFFFFFFD0];
	_ =	sdelay $0x4  }
0xde: {  	(v2sf) =	vpush v1, $0x8;
	v2 =	vmax.f32 v2, v3  }
0xdf: {  	[tilespmem:s22+$0x10250] =	vst v2;
	v2 =	vld [tilespmem:s22+$0x10260]  }
0xe0: {  	v3 =	vld [tilespmem:s12+$0xFFFFFFE0];
	_ =	sdelay $0x4  }
0xe1: {  	v2 =	vmax.f32 v2, v3  }
0xe2: {  	[tilespmem:s22+$0x10260] =	vst v2;
	v2 =	vld [tilespmem:s22+$0x10270]  }
0xe3: {  	v3 =	vld [tilespmem:s12+$0xFFFFFFF0];
	_ =	sdelay $0x4  }
0xe4: {  	v2 =	vmax.f32 v2, v3  }
0xe5: {  	s23 =	spop (v2sf);
	[tilespmem:s22+$0x10270] =	vst v2  }
0xe6: {  	v2 =	vld [tilespmem:s23+$0x10200]  }
0xe7: {  	v3 =	vld [tilespmem:s12+$0x0];
	_ =	sdelay $0x4  }
0xe8: {  	v2 =	vmax.f32 v2, v3  }
0xe9: {  	[tilespmem:s23+$0x10200] =	vst v2;
	v2 =	vld [tilespmem:s23+$0x10210]  }
0xea: {  	v3 =	vld [tilespmem:s12+$0x10];
	_ =	sdelay $0x4  }
0xeb: {  	v2 =	vmax.f32 v2, v3  }
0xec: {  	[tilespmem:s23+$0x10210] =	vst v2;
	v2 =	vld [tilespmem:s23+$0x10220]  }
0xed: {  	v3 =	vld [tilespmem:s12+$0x20];
	_ =	sdelay $0x4  }
0xee: {  	v2 =	vmax.f32 v2, v3  }
0xef: {  	[tilespmem:s23+$0x10220] =	vst v2;
	v2 =	vld [tilespmem:s23+$0x10230]  }
0xf0: {  	v3 =	vld [tilespmem:s12+$0x30];
	_ =	sdelay $0x4  }
0xf1: {  	v2 =	vmax.f32 v2, v3  }
0xf2: {  	[tilespmem:s23+$0x10230] =	vst v2;
	v2 =	vld [tilespmem:s23+$0x10240]  }
0xf3: {  	v3 =	vld [tilespmem:s12+$0x40];
	_ =	sdelay $0x4  }
0xf4: {  	v2 =	vmax.f32 v2, v3  }
0xf5: {  	[tilespmem:s23+$0x10240] =	vst v2;
	v2 =	vld [tilespmem:s23+$0x10250]  }
0xf6: {  	v3 =	vld [tilespmem:s12+$0x50];
	_ =	sdelay $0x4  }
0xf7: {  	(v2sf) =	vpush v1, $0x9;
	v2 =	vmax.f32 v2, v3  }
0xf8: {  	[tilespmem:s23+$0x10250] =	vst v2;
	v2 =	vld [tilespmem:s23+$0x10260]  }
0xf9: {  	v3 =	vld [tilespmem:s12+$0x60];
	_ =	sdelay $0x4  }
0xfa: {  	v2 =	vmax.f32 v2, v3  }
0xfb: {  	[tilespmem:s23+$0x10260] =	vst v2;
	v2 =	vld [tilespmem:s23+$0x10270]  }
0xfc: {  	v3 =	vld [tilespmem:s12+$0x70];
	_ =	sdelay $0x4  }
0xfd: {  	v2 =	vmax.f32 v2, v3  }
0xfe: {  	s24 =	spop (v2sf);
	[tilespmem:s23+$0x10270] =	vst v2  }
0xff: {  	v2 =	vld [tilespmem:s24+$0x10200]  }
0x100: {  	v3 =	vld [tilespmem:s12+$0x80];
	_ =	sdelay $0x4  }
0x101: {  	v2 =	vmax.f32 v2, v3  }
0x102: {  	[tilespmem:s24+$0x10200] =	vst v2;
	v2 =	vld [tilespmem:s24+$0x10210]  }
0x103: {  	v3 =	vld [tilespmem:s12+$0x90];
	_ =	sdelay $0x4  }
0x104: {  	v2 =	vmax.f32 v2, v3  }
0x105: {  	[tilespmem:s24+$0x10210] =	vst v2;
	v2 =	vld [tilespmem:s24+$0x10220]  }
0x106: {  	v3 =	vld [tilespmem:s12+$0xA0];
	_ =	sdelay $0x4  }
0x107: {  	v2 =	vmax.f32 v2, v3  }
0x108: {  	[tilespmem:s24+$0x10220] =	vst v2;
	v2 =	vld [tilespmem:s24+$0x10230]  }
0x109: {  	v3 =	vld [tilespmem:s12+$0xB0];
	_ =	sdelay $0x4  }
0x10a: {  	v2 =	vmax.f32 v2, v3  }
0x10b: {  	[tilespmem:s24+$0x10230] =	vst v2;
	v2 =	vld [tilespmem:s24+$0x10240]  }
0x10c: {  	v3 =	vld [tilespmem:s12+$0xC0];
	_ =	sdelay $0x4  }
0x10d: {  	v2 =	vmax.f32 v2, v3  }
0x10e: {  	[tilespmem:s24+$0x10240] =	vst v2;
	v2 =	vld [tilespmem:s24+$0x10250]  }
0x10f: {  	v3 =	vld [tilespmem:s12+$0xD0];
	_ =	sdelay $0x4  }
0x110: {  	(v2sf) =	vpush v1, $0xA;
	v2 =	vmax.f32 v2, v3  }
0x111: {  	[tilespmem:s24+$0x10250] =	vst v2;
	v2 =	vld [tilespmem:s24+$0x10260]  }
0x112: {  	v3 =	vld [tilespmem:s12+$0xE0];
	_ =	sdelay $0x4  }
0x113: {  	v2 =	vmax.f32 v2, v3  }
0x114: {  	[tilespmem:s24+$0x10260] =	vst v2;
	v2 =	vld [tilespmem:s24+$0x10270]  }
0x115: {  	v3 =	vld [tilespmem:s12+$0xF0];
	_ =	sdelay $0x4  }
0x116: {  	v2 =	vmax.f32 v2, v3  }
0x117: {  	s25 =	spop (v2sf);
	[tilespmem:s24+$0x10270] =	vst v2  }
0x118: {  	v2 =	vld [tilespmem:s25+$0x10200]  }
0x119: {  	v3 =	vld [tilespmem:s12+$0x100];
	_ =	sdelay $0x4  }
0x11a: {  	v2 =	vmax.f32 v2, v3  }
0x11b: {  	[tilespmem:s25+$0x10200] =	vst v2;
	v2 =	vld [tilespmem:s25+$0x10210]  }
0x11c: {  	v3 =	vld [tilespmem:s12+$0x110];
	_ =	sdelay $0x4  }
0x11d: {  	v2 =	vmax.f32 v2, v3  }
0x11e: {  	[tilespmem:s25+$0x10210] =	vst v2;
	v2 =	vld [tilespmem:s25+$0x10220]  }
0x11f: {  	v3 =	vld [tilespmem:s12+$0x120];
	_ =	sdelay $0x4  }
0x120: {  	v2 =	vmax.f32 v2, v3  }
0x121: {  	[tilespmem:s25+$0x10220] =	vst v2;
	v2 =	vld [tilespmem:s25+$0x10230]  }
0x122: {  	v3 =	vld [tilespmem:s12+$0x130];
	_ =	sdelay $0x4  }
0x123: {  	v2 =	vmax.f32 v2, v3  }
0x124: {  	[tilespmem:s25+$0x10230] =	vst v2;
	v2 =	vld [tilespmem:s25+$0x10240]  }
0x125: {  	v3 =	vld [tilespmem:s12+$0x140];
	_ =	sdelay $0x4  }
0x126: {  	v2 =	vmax.f32 v2, v3  }
0x127: {  	[tilespmem:s25+$0x10240] =	vst v2;
	v2 =	vld [tilespmem:s25+$0x10250]  }
0x128: {  	v3 =	vld [tilespmem:s12+$0x150];
	_ =	sdelay $0x4  }
0x129: {  	(v2sf) =	vpush v1, $0xB;
	v2 =	vmax.f32 v2, v3  }
0x12a: {  	[tilespmem:s25+$0x10250] =	vst v2;
	v2 =	vld [tilespmem:s25+$0x10260]  }
0x12b: {  	v3 =	vld [tilespmem:s12+$0x160];
	_ =	sdelay $0x4  }
0x12c: {  	v2 =	vmax.f32 v2, v3  }
0x12d: {  	[tilespmem:s25+$0x10260] =	vst v2;
	v2 =	vld [tilespmem:s25+$0x10270]  }
0x12e: {  	v3 =	vld [tilespmem:s12+$0x170];
	_ =	sdelay $0x4  }
0x12f: {  	v2 =	vmax.f32 v2, v3  }
0x130: {  	s26 =	spop (v2sf);
	[tilespmem:s25+$0x10270] =	vst v2  }
0x131: {  	v2 =	vld [tilespmem:s26+$0x10200]  }
0x132: {  	v3 =	vld [tilespmem:s12+$0x180];
	_ =	sdelay $0x4  }
0x133: {  	v2 =	vmax.f32 v2, v3  }
0x134: {  	[tilespmem:s26+$0x10200] =	vst v2;
	v2 =	vld [tilespmem:s26+$0x10210]  }
0x135: {  	v3 =	vld [tilespmem:s12+$0x190];
	_ =	sdelay $0x4  }
0x136: {  	v2 =	vmax.f32 v2, v3  }
0x137: {  	[tilespmem:s26+$0x10210] =	vst v2;
	v2 =	vld [tilespmem:s26+$0x10220]  }
0x138: {  	v3 =	vld [tilespmem:s12+$0x1A0];
	_ =	sdelay $0x4  }
0x139: {  	v2 =	vmax.f32 v2, v3  }
0x13a: {  	[tilespmem:s26+$0x10220] =	vst v2;
	v2 =	vld [tilespmem:s26+$0x10230]  }
0x13b: {  	v3 =	vld [tilespmem:s12+$0x1B0];
	_ =	sdelay $0x4  }
0x13c: {  	v2 =	vmax.f32 v2, v3  }
0x13d: {  	[tilespmem:s26+$0x10230] =	vst v2;
	v2 =	vld [tilespmem:s26+$0x10240]  }
0x13e: {  	v3 =	vld [tilespmem:s12+$0x1C0];
	_ =	sdelay $0x4  }
0x13f: {  	v2 =	vmax.f32 v2, v3  }
0x140: {  	[tilespmem:s26+$0x10240] =	vst v2;
	v2 =	vld [tilespmem:s26+$0x10250]  }
0x141: {  	v3 =	vld [tilespmem:s12+$0x1D0];
	_ =	sdelay $0x4  }
0x142: {  	(v2sf) =	vpush v1, $0xC;
	v2 =	vmax.f32 v2, v3  }
0x143: {  	[tilespmem:s26+$0x10250] =	vst v2;
	v2 =	vld [tilespmem:s26+$0x10260]  }
0x144: {  	v3 =	vld [tilespmem:s12+$0x1E0];
	_ =	sdelay $0x4  }
0x145: {  	v2 =	vmax.f32 v2, v3  }
0x146: {  	[tilespmem:s26+$0x10260] =	vst v2;
	v2 =	vld [tilespmem:s26+$0x10270]  }
0x147: {  	v3 =	vld [tilespmem:s12+$0x1F0];
	_ =	sdelay $0x4  }
0x148: {  	v2 =	vmax.f32 v2, v3  }
0x149: {  	s28 =	spop (v2sf);
	[tilespmem:s26+$0x10270] =	vst v2  }
0x14a: {  	v2 =	vld [tilespmem:s28+$0x10200]  }
0x14b: {  	v3 =	vld [tilespmem:s12+$0x200];
	_ =	sdelay $0x4  }
0x14c: {  	v2 =	vmax.f32 v2, v3  }
0x14d: {  	[tilespmem:s28+$0x10200] =	vst v2;
	v2 =	vld [tilespmem:s28+$0x10210]  }
0x14e: {  	v3 =	vld [tilespmem:s12+$0x210];
	_ =	sdelay $0x4  }
0x14f: {  	v2 =	vmax.f32 v2, v3  }
0x150: {  	[tilespmem:s28+$0x10210] =	vst v2;
	v2 =	vld [tilespmem:s28+$0x10220]  }
0x151: {  	v3 =	vld [tilespmem:s12+$0x220];
	_ =	sdelay $0x4  }
0x152: {  	v2 =	vmax.f32 v2, v3  }
0x153: {  	[tilespmem:s28+$0x10220] =	vst v2;
	v2 =	vld [tilespmem:s28+$0x10230]  }
0x154: {  	v3 =	vld [tilespmem:s12+$0x230];
	_ =	sdelay $0x4  }
0x155: {  	v2 =	vmax.f32 v2, v3  }
0x156: {  	[tilespmem:s28+$0x10230] =	vst v2;
	v2 =	vld [tilespmem:s28+$0x10240]  }
0x157: {  	v3 =	vld [tilespmem:s12+$0x240];
	_ =	sdelay $0x4  }
0x158: {  	v2 =	vmax.f32 v2, v3  }
0x159: {  	[tilespmem:s28+$0x10240] =	vst v2;
	v2 =	vld [tilespmem:s28+$0x10250]  }
0x15a: {  	v3 =	vld [tilespmem:s12+$0x250];
	_ =	sdelay $0x4  }
0x15b: {  	(v2sf) =	vpush v1, $0xD;
	v2 =	vmax.f32 v2, v3  }
0x15c: {  	[tilespmem:s28+$0x10250] =	vst v2;
	v2 =	vld [tilespmem:s28+$0x10260]  }
0x15d: {  	v3 =	vld [tilespmem:s12+$0x260];
	_ =	sdelay $0x4  }
0x15e: {  	v2 =	vmax.f32 v2, v3  }
0x15f: {  	[tilespmem:s28+$0x10260] =	vst v2;
	v2 =	vld [tilespmem:s28+$0x10270]  }
0x160: {  	v3 =	vld [tilespmem:s12+$0x270];
	_ =	sdelay $0x4  }
0x161: {  	v2 =	vmax.f32 v2, v3  }
0x162: {  	s29 =	spop (v2sf);
	[tilespmem:s28+$0x10270] =	vst v2  }
0x163: {  	v2 =	vld [tilespmem:s29+$0x10200]  }
0x164: {  	v3 =	vld [tilespmem:s12+$0x280];
	_ =	sdelay $0x4  }
0x165: {  	v2 =	vmax.f32 v2, v3  }
0x166: {  	[tilespmem:s29+$0x10200] =	vst v2;
	v2 =	vld [tilespmem:s29+$0x10210]  }
0x167: {  	v3 =	vld [tilespmem:s12+$0x290];
	_ =	sdelay $0x4  }
0x168: {  	v2 =	vmax.f32 v2, v3  }
0x169: {  	[tilespmem:s29+$0x10210] =	vst v2;
	v2 =	vld [tilespmem:s29+$0x10220]  }
0x16a: {  	v3 =	vld [tilespmem:s12+$0x2A0];
	_ =	sdelay $0x4  }
0x16b: {  	v2 =	vmax.f32 v2, v3  }
0x16c: {  	[tilespmem:s29+$0x10220] =	vst v2;
	v2 =	vld [tilespmem:s29+$0x10230]  }
0x16d: {  	v3 =	vld [tilespmem:s12+$0x2B0];
	_ =	sdelay $0x4  }
0x16e: {  	v2 =	vmax.f32 v2, v3  }
0x16f: {  	[tilespmem:s29+$0x10230] =	vst v2;
	v2 =	vld [tilespmem:s29+$0x10240]  }
0x170: {  	v3 =	vld [tilespmem:s12+$0x2C0];
	_ =	sdelay $0x4  }
0x171: {  	v2 =	vmax.f32 v2, v3  }
0x172: {  	[tilespmem:s29+$0x10240] =	vst v2;
	v2 =	vld [tilespmem:s29+$0x10250]  }
0x173: {  	v3 =	vld [tilespmem:s12+$0x2D0];
	_ =	sdelay $0x4  }
0x174: {  	(v2sf) =	vpush v1, $0xE;
	v2 =	vmax.f32 v2, v3  }
0x175: {  	[tilespmem:s29+$0x10250] =	vst v2;
	v2 =	vld [tilespmem:s29+$0x10260]  }
0x176: {  	v3 =	vld [tilespmem:s12+$0x2E0];
	_ =	sdelay $0x4  }
0x177: {  	v2 =	vmax.f32 v2, v3  }
0x178: {  	[tilespmem:s29+$0x10260] =	vst v2;
	v2 =	vld [tilespmem:s29+$0x10270]  }
0x179: {  	v3 =	vld [tilespmem:s12+$0x2F0];
	_ =	sdelay $0x4  }
0x17a: {  	v2 =	vmax.f32 v2, v3  }
0x17b: {  	s30 =	spop (v2sf);
	[tilespmem:s29+$0x10270] =	vst v2  }
0x17c: {  	v2 =	vld [tilespmem:s30+$0x10200]  }
0x17d: {  	v3 =	vld [tilespmem:s12+$0x300];
	_ =	sdelay $0x4  }
0x17e: {  	v2 =	vmax.f32 v2, v3  }
0x17f: {  	[tilespmem:s30+$0x10200] =	vst v2;
	v2 =	vld [tilespmem:s30+$0x10210]  }
0x180: {  	v3 =	vld [tilespmem:s12+$0x310];
	_ =	sdelay $0x4  }
0x181: {  	v2 =	vmax.f32 v2, v3  }
0x182: {  	[tilespmem:s30+$0x10210] =	vst v2;
	v2 =	vld [tilespmem:s30+$0x10220]  }
0x183: {  	v3 =	vld [tilespmem:s12+$0x320];
	_ =	sdelay $0x4  }
0x184: {  	v2 =	vmax.f32 v2, v3  }
0x185: {  	[tilespmem:s30+$0x10220] =	vst v2;
	v2 =	vld [tilespmem:s30+$0x10230]  }
0x186: {  	v3 =	vld [tilespmem:s12+$0x330];
	_ =	sdelay $0x4  }
0x187: {  	v2 =	vmax.f32 v2, v3  }
0x188: {  	[tilespmem:s30+$0x10230] =	vst v2;
	v2 =	vld [tilespmem:s30+$0x10240]  }
0x189: {  	v3 =	vld [tilespmem:s12+$0x340];
	_ =	sdelay $0x4  }
0x18a: {  	v2 =	vmax.f32 v2, v3  }
0x18b: {  	[tilespmem:s30+$0x10240] =	vst v2;
	v2 =	vld [tilespmem:s30+$0x10250]  }
0x18c: {  	v3 =	vld [tilespmem:s12+$0x350];
	_ =	sdelay $0x4  }
0x18d: {  	(v2sf) =	vpush v1, $0xF;
	v2 =	vmax.f32 v2, v3  }
0x18e: {  	v1 =	vld [tilespmem:s30+$0x10260];
	[tilespmem:s30+$0x10250] =	vst v2  }
0x18f: {  	v2 =	vld [tilespmem:s12+$0x360];
	_ =	sdelay $0x4  }
0x190: {  	v1 =	vmax.f32 v1, v2  }
0x191: {  	[tilespmem:s30+$0x10260] =	vst v1;
	v1 =	vld [tilespmem:s30+$0x10270]  }
0x192: {  	v2 =	vld [tilespmem:s12+$0x370];
	_ =	sdelay $0x4  }
0x193: {  	v1 =	vmax.f32 v1, v2  }
0x194: {  	s31 =	spop (v2sf);
	[tilespmem:s30+$0x10270] =	vst v1  }
0x195: {  	v1 =	vld [tilespmem:s31+$0x10200]  }
0x196: {  	v2 =	vld [tilespmem:s12+$0x380];
	_ =	sdelay $0x4  }
0x197: {  	v1 =	vmax.f32 v1, v2  }
0x198: {  	[tilespmem:s31+$0x10200] =	vst v1;
	v1 =	vld [tilespmem:s31+$0x10210]  }
0x199: {  	v2 =	vld [tilespmem:s12+$0x390];
	_ =	sdelay $0x4  }
0x19a: {  	v1 =	vmax.f32 v1, v2  }
0x19b: {  	[tilespmem:s31+$0x10210] =	vst v1;
	v1 =	vld [tilespmem:s31+$0x10220]  }
0x19c: {  	v2 =	vld [tilespmem:s12+$0x3A0];
	_ =	sdelay $0x4  }
0x19d: {  	v1 =	vmax.f32 v1, v2  }
0x19e: {  	[tilespmem:s31+$0x10220] =	vst v1;
	v1 =	vld [tilespmem:s31+$0x10230]  }
0x19f: {  	v2 =	vld [tilespmem:s12+$0x3B0];
	_ =	sdelay $0x4  }
0x1a0: {  	v1 =	vmax.f32 v1, v2  }
0x1a1: {  	[tilespmem:s31+$0x10230] =	vst v1;
	v1 =	vld [tilespmem:s31+$0x10240]  }
0x1a2: {  	v2 =	vld [tilespmem:s12+$0x3C0];
	_ =	sdelay $0x4  }
0x1a3: {  	v1 =	vmax.f32 v1, v2  }
0x1a4: {  	[tilespmem:s31+$0x10240] =	vst v1;
	v1 =	vld [tilespmem:s31+$0x10250]  }
0x1a5: {  	v2 =	vld [tilespmem:s12+$0x3D0];
	_ =	sdelay $0x4  }
0x1a6: {  	v1 =	vmax.f32 v1, v2  }
0x1a7: {  	[tilespmem:s31+$0x10250] =	vst v1;
	v1 =	vld [tilespmem:s31+$0x10260]  }
0x1a8: {  	v2 =	vld [tilespmem:s12+$0x3E0];
	_ =	sdelay $0x4  }
0x1a9: {  	v1 =	vmax.f32 v1, v2  }
0x1aa: {  	[tilespmem:s31+$0x10260] =	vst v1;
	v1 =	vld [tilespmem:s31+$0x10270]  }
0x1ab: {  	v2 =	vld [tilespmem:s12+$0x3F0]  }
0x1ac: {  	p0 =	sne.s32 s11, $0x7C0  }
.Ltmp1:
0x1ad: {  	_ = 	snop;
	(pc) =	sbr.rel @p0 .LBB2_4-.Ltmp1, $3  }
0x1ae: {  	_ =	sdelay $0x1  }
0x1af: {  	v1 =	vmax.f32 v1, v2  }
0x1b0: {  	s11 =	sadd.s32 $0x40, s11;
	s12 =	sadd.s32 $0x800, s12;
	[tilespmem:s31+$0x10270] =	vst v1  }
0x1b1: {  	s10 =	sadd.s32 $0x1, s10  }
0x1b2: {  	p0 =	sne.s32 s10, s6  }
.Ltmp2:
0x1b3: {  	_ = 	snop;
	(pc) =	sbr.rel @p0 .LBB2_1-.Ltmp2, $4  }
0x1b4: {  	[hbm4b:s5+s2] =	stream.linear.scatter [tilespmem:s9], [sflag:$0x1], $0x800, $0x38;
	[tilespmem:$0x10A00] =	vst v63  }
0x1b5: {  	_ =	swait.ge [sflag:s7], $0x800  }
0x1b6: {  	[sflag:s7] =	ssyncset.done $0x0  }
0x1b7: {  	[sflag:s7] =	ssyncadd.s32 $0xFFFFF800  }
0x1b8: {  	_ =	sfence.sel $0x180000  }
0x1b9: {  	[bflag:$0x0] =	sbarrier.arrive $0xFFFF  }
0x1ba: {  	p0 =	sne.s32 s1, $0x0;
	_ =	strace $0x90000047  }
0x1bb: {  	s0 =	sadd.s32 @!p0 $0x100000, s0;
	[bflag:$0x2] =	sbarrier.arrive $0xFFFF  }
0x1bc: {  	[sflag:s0] =	ssyncadd.tile.s32 @!p0 $0x1;
	_ =	shalt  }
.Lfunc_end2:
_tile_overlayer_lowered:
.L_overlay_start_2:
0x1bd: {  	(tag) =	ssettag $0x2  }
0x1be: {  	s0 =	rddreg [dreg:$0x0];
	s2 =	stileid.u32  }
0x1bf: {  	s1 =	rddreg [dreg:$0x1];
	p0 =	sne.s32 s2, $0x0  }
0x1c0: {  	s3 =	rddreg [dreg:$0x2];
	[bflag:$0x3] =	sbarrier.arrive $0xFFFF;
	s2 =	simm.s32 @!p0 $0x1C01  }
0x1c1: {  	[timem:s3], [sflag:s2] =	dma.local @!p0 [hbm:s0], s1  }
0x1c2: {  	s0 =	simm.s32 @!p0 $0x1  }
0x1c3: {  	_ =	swait.ge @!p0 [sflag:s0], s1  }
0x1c4: {  	s1 =	ssub.s32 @!p0 $0x0, s1;
	[sflag:s0] =	ssyncset.done @!p0 $0x0  }
0x1c5: {  	[sflag:s0] =	ssyncadd.s32 @!p0 s1  }
0x1c6: {  	[bflag:$0x3] =	sbarrier.arrive $0xFFFF  }
0x1c7: {  	_ =	shalt  }

</sc_bundles>
